<compile_context>
chip_gen: v7x
topology: tpu7x:2x2x1
jax: 0.10.2.dev20260603
libtpu: 0.0.44.dev20260713+nightly
codegen_flags: <defaults>
</compile_context>

<pallas_src>
import functools

import jax
import jax.numpy as jnp
from jax import lax
from jax.experimental import pallas as pl
from jax.experimental.pallas import tpu as pltpu
from jax.experimental.pallas import tpu_sc as plsc

NC = 2
NS = 16
NW = NC * NS
CHUNK = 80
CHUNKP = 512
NPAY = 5


def _mesh():
    return plsc.VectorSubcoreMesh(core_axis_name="c", subcore_axis_name="s",
                                  num_cores=NC, num_subcores=NS)


NBUF = 3


def _sc_agg(np_, e, d, h_hbm, srcs3, dsts, out_agg, acc, sall, *bufs):
    didx = bufs[0:NBUF]
    rows = bufs[NBUF:2 * NBUF]
    sems = bufs[2 * NBUF:3 * NBUF]
    ssems = bufs[3 * NBUF:4 * NBUF]
    c = lax.axis_index("c")
    s = lax.axis_index("s")
    wid = s * NC + c
    epw = e // NW
    nch = epw // CHUNK
    rpt = np_ // NS
    nstripe = rpt // CHUNK

    def _zero(i, _):
        rows[0][i // 8, pl.ds((i % 8) * 16, 16)] = jnp.zeros((16,),
                                                             jnp.float32)
        return _
    lax.fori_loop(0, CHUNK * (d // 16), _zero, None)
    r0 = s * rpt
    for k in range(nstripe):
        pltpu.sync_copy(rows[0], acc.at[pl.ds(r0 + k * CHUNK, CHUNK), :])
    plsc.subcore_barrier()

    pltpu.sync_copy(srcs3.at[wid], sall)
    ebase = wid * epw
    for b in range(min(NBUF, nch)):
        pltpu.sync_copy(dsts.at[pl.ds(ebase + b * CHUNK, CHUNK)], didx[b])
        pltpu.async_copy(h_hbm.at[sall.at[b]], rows[b], sems[b])
    nq = nch // NBUF

    def _ring(q, _):
        for b in range(NBUF):
            ch = q * NBUF + b
            pltpu.make_async_copy(h_hbm.at[sall.at[ch]], rows[b],
                                  sems[b]).wait()
            pltpu.async_copy(rows[b], acc.at[didx[b]], ssems[b], add=True)
            nxt = ch + NBUF
            @pl.when(nxt < nch)
            def _(b=b, nxt=nxt):
                pltpu.make_async_copy(rows[b], acc.at[didx[b]],
                                      ssems[b]).wait()
                pltpu.sync_copy(dsts.at[pl.ds(ebase + nxt * CHUNK, CHUNK)],
                                didx[b])
                pltpu.async_copy(h_hbm.at[sall.at[nxt]], rows[b], sems[b])
        return _
    lax.fori_loop(0, nq, _ring, None)
    for ch in range(nq * NBUF, nch):
        b = ch % NBUF
        pltpu.make_async_copy(h_hbm.at[sall.at[ch]], rows[b], sems[b]).wait()
        pltpu.async_copy(rows[b], acc.at[didx[b]], ssems[b], add=True)
    for b in range(min(NBUF, nch)):
        pltpu.make_async_copy(rows[b], acc.at[didx[b]], ssems[b]).wait()
    plsc.subcore_barrier()

    for k in range(nstripe):
        rk = r0 + k * CHUNK
        pltpu.sync_copy(acc.at[pl.ds(rk, CHUNK), :], rows[0])
        pltpu.sync_copy(rows[0], out_agg.at[c, pl.ds(rk, CHUNK), :])


def _sc_agg_pass(h, srcs, dsts):
    np_, d = h.shape
    e = srcs.shape[0]
    epw = e // NW
    nch = epw // CHUNK
    scratch = [
        pltpu.VMEM_SHARED((np_, d), jnp.float32),
        pltpu.VMEM((nch, CHUNK), jnp.int32),
    ]
    scratch += [pltpu.VMEM((CHUNK,), jnp.int32) for _ in range(NBUF)]
    scratch += [pltpu.VMEM((CHUNK, d), jnp.float32) for _ in range(NBUF)]
    scratch += [pltpu.SemaphoreType.DMA for _ in range(2 * NBUF)]
    fn = pl.kernel(
        functools.partial(_sc_agg, np_, e, d),
        out_type=jax.ShapeDtypeStruct((NC, np_, d), jnp.float32),
        mesh=_mesh(),
        scratch_types=scratch,
        name="sc_agg")
    return fn(h, srcs.reshape(NW, nch, CHUNK), dsts)


def _sc_pay(np_, e, dsts, a0, a1, a2, a3, out_pay, acc5, didx, av0, av1, av2,
            av3, semp):
    c = lax.axis_index("c")
    s = lax.axis_index("s")
    wid = s * NC + c
    ncht = e // CHUNKP
    nch = ncht // NW + jnp.where(wid < ncht % NW, 1, 0)

    def _zero(i, _):
        acc5[pl.ds(i * 16, 16)] = jnp.zeros((16,), jnp.float32)
        return _
    lax.fori_loop(0, (NPAY * np_) // 16, _zero, None)

    ones = jnp.ones((16,), jnp.float32)

    def _chunk(t, _):
        e0 = (wid + NW * t) * CHUNKP
        cps = [pltpu.async_copy(dsts.at[pl.ds(e0, CHUNKP)], didx, semp),
               pltpu.async_copy(a0.at[pl.ds(e0, CHUNKP)], av0, semp),
               pltpu.async_copy(a1.at[pl.ds(e0, CHUNKP)], av1, semp),
               pltpu.async_copy(a2.at[pl.ds(e0, CHUNKP)], av2, semp),
               pltpu.async_copy(a3.at[pl.ds(e0, CHUNKP)], av3, semp)]
        for cp in cps:
            cp.wait()
        def _grp(g, __):
            sl = pl.ds(g * 16, 16)
            base = didx[sl] * NPAY
            plsc.addupdate_scatter(acc5, [base], av0[sl])
            plsc.addupdate_scatter(acc5, [base + 1], av1[sl])
            plsc.addupdate_scatter(acc5, [base + 2], av2[sl])
            plsc.addupdate_scatter(acc5, [base + 3], av3[sl])
            plsc.addupdate_scatter(acc5, [base + 4], ones)
            return __
        lax.fori_loop(0, CHUNKP // 16, _grp, None)
        return _
    lax.fori_loop(0, nch, _chunk, None)

    pltpu.sync_copy(acc5, out_pay.at[c, s])


def _sc_pay_pass(np_, dsts, edge_attr):
    e = dsts.shape[0]
    fn = pl.kernel(
        functools.partial(_sc_pay, np_, e),
        out_type=jax.ShapeDtypeStruct((NC, NS, NPAY * np_), jnp.float32),
        mesh=_mesh(),
        scratch_types=[
            pltpu.VMEM((NPAY * np_,), jnp.float32),
            pltpu.VMEM((CHUNKP,), jnp.int32),
            pltpu.VMEM((CHUNKP,), jnp.float32),
            pltpu.VMEM((CHUNKP,), jnp.float32),
            pltpu.VMEM((CHUNKP,), jnp.float32),
            pltpu.VMEM((CHUNKP,), jnp.float32),
            pltpu.SemaphoreType.DMA,
        ],
        compiler_params=pltpu.CompilerParams(needs_layout_passes=False),
        name="sc_pay")
    return fn(dsts, edge_attr[:, 0], edge_attr[:, 1], edge_attr[:, 2],
              edge_attr[:, 3])


def _tc_payred_body(p_ref, o_ref):
    acc = p_ref[0, 0]
    for i in range(NC):
        for j in range(NS):
            if i or j:
                acc = acc + p_ref[i, j]
    o_ref[...] = acc


def _tc_payred(pay):
    nc, ns, rows, d = pay.shape
    blk = 80
    return pl.pallas_call(
        _tc_payred_body,
        grid=(rows // blk,),
        in_specs=[pl.BlockSpec((NC, NS, blk, d), lambda i: (0, 0, i, 0))],
        out_specs=pl.BlockSpec((blk, d), lambda i: (i, 0)),
        out_shape=jax.ShapeDtypeStruct((rows, d), jnp.float32),
    )(pay)


def _tc_layer_body(h_ref, agg_ref, pay_ref, wt_ref, wb_ref, b_ref, we_ref,
                   be_ref, g_ref, beta_ref, o_ref):
    h = h_ref[...]
    ps = pay_ref[...]
    cnt = ps[:, 4:5]
    inv = jnp.where(cnt > 0, 1.0 / jnp.maximum(cnt, 1.0), 0.0)
    agg = (agg_ref[0] + agg_ref[1]) * inv
    attr_mean = ps[:, :4] * inv
    add = jnp.where(
        cnt > 0,
        jnp.dot(attr_mean, we_ref[:4], preferred_element_type=jnp.float32)
        + be_ref[...],
        0.0)
    y = (jnp.dot(h, wt_ref[...], preferred_element_type=jnp.float32)
         + jnp.dot(agg, wb_ref[...], preferred_element_type=jnp.float32)
         + b_ref[...] + add)
    m = jnp.mean(y, axis=-1, keepdims=True)
    v = jnp.mean((y - m) * (y - m), axis=-1, keepdims=True)
    o_ref[...] = (y - m) * lax.rsqrt(v + 1e-5) * g_ref[...] + beta_ref[...]


def _tc_layer(h, agg, pay4, wt, wb, b, we8, be, gamma, beta):
    np_, d = h.shape
    blk = 2048
    grid = np_ // blk
    fixed = lambda i: (0, 0)
    out = pl.pallas_call(
        _tc_layer_body,
        grid=(grid,),
        in_specs=[
            pl.BlockSpec((blk, d), lambda i: (i, 0)),
            pl.BlockSpec((NC, blk, d), lambda i: (0, i, 0)),
            pl.BlockSpec((blk, NPAY), lambda i: (i, 0)),
            pl.BlockSpec((d, d), fixed),
            pl.BlockSpec((d, d), fixed),
            pl.BlockSpec((1, d), fixed),
            pl.BlockSpec((8, d), fixed),
            pl.BlockSpec((1, d), fixed),
            pl.BlockSpec((1, d), fixed),
            pl.BlockSpec((1, d), fixed),
        ],
        out_specs=pl.BlockSpec((blk, d), lambda i: (i, 0)),
        out_shape=jax.ShapeDtypeStruct((np_, d), jnp.float32),
    )(h, agg, pay4, wt, wb, b, we8, be, gamma, beta)
    return out


def kernel(x, edge_index, edge_attr, W1, b1, W2, b2, We, be, gamma, beta):
    n, d = x.shape
    e = edge_index.shape[1]
    de = edge_attr.shape[1]
    src = edge_index[0]
    dst = edge_index[1]
    np_ = ((n + NS * CHUNK - 1) // (NS * CHUNK)) * (NS * CHUNK)
    xp = jnp.concatenate([x, jnp.zeros((np_ - n, d), jnp.float32)], axis=0)
    we8 = jnp.concatenate(
        [We, jnp.zeros((8 - de, d), jnp.float32)], axis=0)

    pay = _sc_pay_pass(np_, dst, edge_attr)
    rows = (NPAY * np_) // 128
    pay4 = _tc_payred(pay.reshape(NC, NS, rows, 128)).reshape(np_, NPAY)
    agg1 = _sc_agg_pass(xp, src, dst)
    h1 = _tc_layer(xp, agg1, pay4, W1[:d], W1[d:], b1[None, :], we8,
                   be[None, :], gamma[None, :], beta[None, :])
    agg2 = _sc_agg_pass(h1, src, dst)
    h2 = _tc_layer(h1, agg2, pay4, W2[:d], W2[d:], b2[None, :], we8,
                   be[None, :], gamma[None, :], beta[None, :])
    return h2[:n]

# --- scband reference (transcript-rebuilt; emitter-appended) ---
"""Pipeline reference for scband-le-gnn4-19567871000717 (READ-ONLY COPY).

The authoritative reference and input builder live on the scoring server;
editing this copy changes nothing except your own understanding.
"""

import jax, jax.numpy as jnp
import numpy as np

N = 10000
E = 320000
D = 128
DE = 4

def _scatter_mean(vals, idx, n):
    s = jax.ops.segment_sum(vals, idx, num_segments=n)
    c = jax.ops.segment_sum(jnp.ones((vals.shape[0], 1), vals.dtype), idx, num_segments=n)
    return jnp.where(c > 0, s / jnp.maximum(c, 1.0), 0.0)

def _layernorm(x, g, b, eps=1e-5):
    m = jnp.mean(x, axis=-1, keepdims=True)
    v = jnp.var(x, axis=-1, keepdims=True)
    return (x - m) / jnp.sqrt(v + eps) * g + b

def setup_inputs(seed: int = 0) -> dict:
    key = jax.random.key(seed)
    ks = jax.random.split(key, 10)
    x = jax.random.normal(ks[0], (N, D), dtype=jnp.float32)
    edge_index = jax.random.randint(ks[1], (2, E), 0, N, dtype=jnp.int32)
    edge_attr = jax.random.normal(ks[2], (E, DE), dtype=jnp.float32)
    W1 = jax.random.normal(ks[3], (2 * D, D), dtype=jnp.float32) * (1.0 / np.sqrt(2 * D))
    b1 = jnp.zeros((D,), dtype=jnp.float32)
    W2 = jax.random.normal(ks[4], (2 * D, D), dtype=jnp.float32) * (1.0 / np.sqrt(2 * D))
    b2 = jnp.zeros((D,), dtype=jnp.float32)
    We = jax.random.normal(ks[5], (DE, D), dtype=jnp.float32) * (1.0 / np.sqrt(DE))
    be = jnp.zeros((D,), dtype=jnp.float32)
    gamma = jnp.ones((D,), dtype=jnp.float32)
    beta = jnp.zeros((D,), dtype=jnp.float32)
    return {"x": x, "edge_index": edge_index, "edge_attr": edge_attr,
            "W1": W1, "b1": b1, "W2": W2, "b2": b2, "We": We, "be": be,
            "gamma": gamma, "beta": beta}

def reference(x, edge_index, edge_attr, W1, b1, W2, b2, We, be, gamma, beta):
    # HetSAGE layer (single relation, homogeneous graph), dropout in eval mode.
    src = edge_index[0]
    dst = edge_index[1]
    n = x.shape[0]
    # edge time-feature bias: mlp([edge_dim, d]) is a single Linear, then scatter_mean to dst
    bias = edge_attr @ We + be
    add = _scatter_mean(bias, dst, n)
    h = x
    for (W, b) in ((W1, b1), (W2, b2)):
        agg = _scatter_mean(h[src], dst, n)            # scatter_mean of gathered src feats
        y = jnp.concatenate([h, agg], axis=-1) @ W + b  # Linear(2d -> d)
        y = y + add                                     # edge-feature bias add
        h = _layernorm(y, gamma, beta)                  # LayerNorm per node type
    return h

if __name__ == "__main__":
    import jax
    _d = setup_inputs()
    print(jax.jit(kernel)(*tuple(_d.values())))

</pallas_src>

<mosaic_0001>
#map = affine_map<(d0, d1) -> (0, 0)>
#map1 = affine_map<(d0, d1) -> (0, 0, 0)>
#map2 = affine_map<(d0, d1) -> (0)>
module attributes {stable_mosaic.version = 14 : i64} {
  func.func @sc_agg(%arg0: i32, %arg1: i32, %arg2: memref<10240x128xf32, #tpu.memory_space<hbm>>, %arg3: memref<32x125x80xi32, #tpu.memory_space<hbm>>, %arg4: memref<320000xi32, #tpu.memory_space<hbm>>, %arg5: memref<2x10240x128xf32, #tpu.memory_space<hbm>>, %arg6: memref<10240x128xf32, #tpu.memory_space<vmem_shared>>, %arg7: memref<125x80xi32, #tpu.memory_space<vmem>>, %arg8: memref<80xi32, #tpu.memory_space<vmem>>, %arg9: memref<80xi32, #tpu.memory_space<vmem>>, %arg10: memref<80xi32, #tpu.memory_space<vmem>>, %arg11: memref<80x128xf32, #tpu.memory_space<vmem>>, %arg12: memref<80x128xf32, #tpu.memory_space<vmem>>, %arg13: memref<80x128xf32, #tpu.memory_space<vmem>>, %arg14: memref<!tpu.dma_semaphore, #tpu.memory_space<semaphore_mem>>, %arg15: memref<!tpu.dma_semaphore, #tpu.memory_space<semaphore_mem>>, %arg16: memref<!tpu.dma_semaphore, #tpu.memory_space<semaphore_mem>>, %arg17: memref<!tpu.dma_semaphore, #tpu.memory_space<semaphore_mem>>, %arg18: memref<!tpu.dma_semaphore, #tpu.memory_space<semaphore_mem>>, %arg19: memref<!tpu.dma_semaphore, #tpu.memory_space<semaphore_mem>>) attributes {dimension_semantics = [#tpu.dimension_semantics<core_parallel>, #tpu.dimension_semantics<subcore_parallel>], iteration_bounds = array<i64: 2, 16>, scalar_prefetch = 0 : i64, scratch_operands = 14 : i64, tpu.core_type = #tpu.core_type<sc_vector_subcore>, window_params = [{transform_indices = #map}, {transform_indices = #map1}, {transform_indices = #map2}, {transform_indices = #map1}]} {
    %mul3A = arith.constant 2 : i32
    %mul3A_0 = arith.muli %arg1, %mul3A : i32
    %add3A = arith.addi %mul3A_0, %arg0 : i32
    %scan3A = arith.constant 0 : i32
    %scan3A_1 = arith.constant 640 : i32
    %scan3A_2 = arith.addi %scan3A, %scan3A_1 : i32
    %scan3A_3 = arith.constant 1 : i32
    scf.for %scan3A_101 = %scan3A to %scan3A_2 step %scan3A_3  : i32 {
      %broadcast_in_dim3A = arith.constant 0.000000e+00 : f32
      %broadcast_in_dim3A_102 = vector.broadcast %broadcast_in_dim3A : f32 to vector<16xf32>
      %jit3A = arith.constant 8 : i32
      %div3A = arith.divsi %scan3A_101, %jit3A : i32
      %sign3A = arith.constant 0 : i32
      %sign3A_103 = arith.cmpi sgt, %scan3A_101, %sign3A : i32
      %sign3A_104 = arith.extui %sign3A_103 : i1 to i32
      %sign3A_105 = arith.constant 0 : i32
      %sign3A_106 = arith.cmpi slt, %scan3A_101, %sign3A_105 : i32
      %sign3A_107 = arith.extui %sign3A_106 : i1 to i32
      %sign3A_108 = arith.subi %sign3A_104, %sign3A_107 : i32
      %sign3A_109 = arith.constant 0 : i32
      %sign3A_110 = arith.cmpi sgt, %jit3A, %sign3A_109 : i32
      %sign3A_111 = arith.extui %sign3A_110 : i1 to i32
      %sign3A_112 = arith.constant 0 : i32
      %sign3A_113 = arith.cmpi slt, %jit3A, %sign3A_112 : i32
      %sign3A_114 = arith.extui %sign3A_113 : i1 to i32
      %sign3A_115 = arith.subi %sign3A_111, %sign3A_114 : i32
      %ne3A = arith.cmpi ne, %sign3A_108, %sign3A_115 : i32
      %rem3A = arith.remsi %scan3A_101, %jit3A : i32
      %ne3A_116 = arith.constant 0 : i32
      %ne3A_117 = arith.cmpi ne, %rem3A, %ne3A_116 : i32
      %and3A = arith.andi %ne3A, %ne3A_117 : i1
      %sub3A = arith.constant 1 : i32
      %sub3A_118 = arith.subi %div3A, %sub3A : i32
      %select_n3A = arith.select %and3A, %sub3A_118, %div3A : i32
      %jit3A_119 = arith.constant 8 : i32
      %eq3A = arith.constant 0 : i32
      %eq3A_120 = arith.cmpi eq, %jit3A_119, %eq3A : i32
      %jit3A_121 = arith.constant 1 : i32
      %select_n3A_122 = arith.select %eq3A_120, %jit3A_121, %jit3A_119 : i32
      %rem3A_123 = arith.remsi %scan3A_101, %select_n3A_122 : i32
      %ne3A_124 = arith.constant 0 : i32
      %ne3A_125 = arith.cmpi ne, %rem3A_123, %ne3A_124 : i32
      %lt3A = arith.constant 0 : i32
      %lt3A_126 = arith.cmpi slt, %rem3A_123, %lt3A : i32
      %lt3A_127 = arith.constant 0 : i32
      %lt3A_128 = arith.cmpi slt, %select_n3A_122, %lt3A_127 : i32
      %ne3A_129 = arith.xori %lt3A_126, %lt3A_128 : i1
      %and3A_130 = arith.andi %ne3A_129, %ne3A_125 : i1
      %add3A_131 = arith.addi %rem3A_123, %select_n3A_122 : i32
      %select_n3A_132 = arith.select %and3A_130, %add3A_131, %rem3A_123 : i32
      %mul3A_133 = arith.constant 16 : i32
      %mul3A_134 = arith.muli %select_n3A_132, %mul3A_133 : i32
      %swap3A = arith.index_cast %select_n3A : i32 to index
      %swap3A_135 = arith.index_cast %mul3A_134 : i32 to index
      %swap3A_136 = tpu.vector_load %arg11[%swap3A, %swap3A_135] {strides = array<i32>} : memref<80x128xf32, #tpu.memory_space<vmem>>, vector<1x16xf32>,
      %swap3A_137 = vector.shape_cast %swap3A_136 : vector<1x16xf32> to vector<16xf32>
      %swap3A_138 = vector.shape_cast %broadcast_in_dim3A_102 : vector<16xf32> to vector<1x16xf32>
      tpu.vector_store %arg11[%swap3A, %swap3A_135], %swap3A_138 {strides = array<i32>} : memref<80x128xf32, #tpu.memory_space<vmem>>, vector<1x16xf32>,
    }
    %scan3A_4 = arith.constant 640 : i32
    %mul3A_5 = arith.constant 640 : i32
    %mul3A_6 = arith.muli %arg1, %mul3A_5 : i32
    %add3A_7 = arith.constant 0 : i32
    %add3A_8 = arith.addi %mul3A_6, %add3A_7 : i32
    "tpu.region"() ({
      %run_scoped3A = tpu.sem_alloc : memref<!tpu.dma_semaphore, #tpu.memory_space<semaphore_mem>>
      %dma_start3A_101 = arith.constant 0 : i32
      %dma_start3A_102 = tpu.memref_slice %arg6[%add3A_8, %dma_start3A_101] : memref<10240x128xf32, #tpu.memory_space<vmem_shared>> -> memref<80x128xf32, #tpu.memory_space<vmem_shared>>
      %dma_start3A_103 = arith.constant 0 : i32
      %dma_start3A_104 = tpu.memref_slice %arg6[%add3A_8, %dma_start3A_103] : memref<10240x128xf32, #tpu.memory_space<vmem_shared>> -> memref<80x128xf32, #tpu.memory_space<vmem_shared>>
      tpu.enqueue_dma source(%arg11 : memref<80x128xf32, #tpu.memory_space<vmem>>) target(%dma_start3A_104 : memref<80x128xf32, #tpu.memory_space<vmem_shared>>) target_semaphore(%run_scoped3A : memref<!tpu.dma_semaphore, #tpu.memory_space<semaphore_mem>>)
      %dma_wait3A_105 = arith.constant 0 : i32
      %dma_wait3A_106 = tpu.memref_slice %arg6[%add3A_8, %dma_wait3A_105] : memref<10240x128xf32, #tpu.memory_space<vmem_shared>> -> memref<80x128xf32, #tpu.memory_space<vmem_shared>>
      %dma_wait3A_107 = arith.constant 0 : i32
      %dma_wait3A_108 = tpu.memref_slice %arg6[%add3A_8, %dma_wait3A_107] : memref<10240x128xf32, #tpu.memory_space<vmem_shared>> -> memref<80x128xf32, #tpu.memory_space<vmem_shared>>
      tpu.wait_dma2 semaphore(%run_scoped3A : memref<!tpu.dma_semaphore, #tpu.memory_space<semaphore_mem>>) src(%arg11 : memref<80x128xf32, #tpu.memory_space<vmem>>) dst(%dma_wait3A_108 : memref<80x128xf32, #tpu.memory_space<vmem_shared>>)
      tpu.yield
    }) : () -> ()
    %add3A_9 = arith.constant 80 : i32
    %add3A_10 = arith.addi %mul3A_6, %add3A_9 : i32
    "tpu.region"() ({
      %run_scoped3A = tpu.sem_alloc : memref<!tpu.dma_semaphore, #tpu.memory_space<semaphore_mem>>
      %dma_start3A_101 = arith.constant 0 : i32
      %dma_start3A_102 = tpu.memref_slice %arg6[%add3A_10, %dma_start3A_101] : memref<10240x128xf32, #tpu.memory_space<vmem_shared>> -> memref<80x128xf32, #tpu.memory_space<vmem_shared>>
      %dma_start3A_103 = arith.constant 0 : i32
      %dma_start3A_104 = tpu.memref_slice %arg6[%add3A_10, %dma_start3A_103] : memref<10240x128xf32, #tpu.memory_space<vmem_shared>> -> memref<80x128xf32, #tpu.memory_space<vmem_shared>>
      tpu.enqueue_dma source(%arg11 : memref<80x128xf32, #tpu.memory_space<vmem>>) target(%dma_start3A_104 : memref<80x128xf32, #tpu.memory_space<vmem_shared>>) target_semaphore(%run_scoped3A : memref<!tpu.dma_semaphore, #tpu.memory_space<semaphore_mem>>)
      %dma_wait3A_105 = arith.constant 0 : i32
      %dma_wait3A_106 = tpu.memref_slice %arg6[%add3A_10, %dma_wait3A_105] : memref<10240x128xf32, #tpu.memory_space<vmem_shared>> -> memref<80x128xf32, #tpu.memory_space<vmem_shared>>
      %dma_wait3A_107 = arith.constant 0 : i32
      %dma_wait3A_108 = tpu.memref_slice %arg6[%add3A_10, %dma_wait3A_107] : memref<10240x128xf32, #tpu.memory_space<vmem_shared>> -> memref<80x128xf32, #tpu.memory_space<vmem_shared>>
      tpu.wait_dma2 semaphore(%run_scoped3A : memref<!tpu.dma_semaphore, #tpu.memory_space<semaphore_mem>>) src(%arg11 : memref<80x128xf32, #tpu.memory_space<vmem>>) dst(%dma_wait3A_108 : memref<80x128xf32, #tpu.memory_space<vmem_shared>>)
      tpu.yield
    }) : () -> ()
    %add3A_11 = arith.constant 160 : i32
    %add3A_12 = arith.addi %mul3A_6, %add3A_11 : i32
    "tpu.region"() ({
      %run_scoped3A = tpu.sem_alloc : memref<!tpu.dma_semaphore, #tpu.memory_space<semaphore_mem>>
      %dma_start3A_101 = arith.constant 0 : i32
      %dma_start3A_102 = tpu.memref_slice %arg6[%add3A_12, %dma_start3A_101] : memref<10240x128xf32, #tpu.memory_space<vmem_shared>> -> memref<80x128xf32, #tpu.memory_space<vmem_shared>>
      %dma_start3A_103 = arith.constant 0 : i32
      %dma_start3A_104 = tpu.memref_slice %arg6[%add3A_12, %dma_start3A_103] : memref<10240x128xf32, #tpu.memory_space<vmem_shared>> -> memref<80x128xf32, #tpu.memory_space<vmem_shared>>
      tpu.enqueue_dma source(%arg11 : memref<80x128xf32, #tpu.memory_space<vmem>>) target(%dma_start3A_104 : memref<80x128xf32, #tpu.memory_space<vmem_shared>>) target_semaphore(%run_scoped3A : memref<!tpu.dma_semaphore, #tpu.memory_space<semaphore_mem>>)
      %dma_wait3A_105 = arith.constant 0 : i32
      %dma_wait3A_106 = tpu.memref_slice %arg6[%add3A_12, %dma_wait3A_105] : memref<10240x128xf32, #tpu.memory_space<vmem_shared>> -> memref<80x128xf32, #tpu.memory_space<vmem_shared>>
      %dma_wait3A_107 = arith.constant 0 : i32
      %dma_wait3A_108 = tpu.memref_slice %arg6[%add3A_12, %dma_wait3A_107] : memref<10240x128xf32, #tpu.memory_space<vmem_shared>> -> memref<80x128xf32, #tpu.memory_space<vmem_shared>>
      tpu.wait_dma2 semaphore(%run_scoped3A : memref<!tpu.dma_semaphore, #tpu.memory_space<semaphore_mem>>) src(%arg11 : memref<80x128xf32, #tpu.memory_space<vmem>>) dst(%dma_wait3A_108 : memref<80x128xf32, #tpu.memory_space<vmem_shared>>)
      tpu.yield
    }) : () -> ()
    %add3A_13 = arith.constant 240 : i32
    %add3A_14 = arith.addi %mul3A_6, %add3A_13 : i32
    "tpu.region"() ({
      %run_scoped3A = tpu.sem_alloc : memref<!tpu.dma_semaphore, #tpu.memory_space<semaphore_mem>>
      %dma_start3A_101 = arith.constant 0 : i32
      %dma_start3A_102 = tpu.memref_slice %arg6[%add3A_14, %dma_start3A_101] : memref<10240x128xf32, #tpu.memory_space<vmem_shared>> -> memref<80x128xf32, #tpu.memory_space<vmem_shared>>
      %dma_start3A_103 = arith.constant 0 : i32
      %dma_start3A_104 = tpu.memref_slice %arg6[%add3A_14, %dma_start3A_103] : memref<10240x128xf32, #tpu.memory_space<vmem_shared>> -> memref<80x128xf32, #tpu.memory_space<vmem_shared>>
      tpu.enqueue_dma source(%arg11 : memref<80x128xf32, #tpu.memory_space<vmem>>) target(%dma_start3A_104 : memref<80x128xf32, #tpu.memory_space<vmem_shared>>) target_semaphore(%run_scoped3A : memref<!tpu.dma_semaphore, #tpu.memory_space<semaphore_mem>>)
      %dma_wait3A_105 = arith.constant 0 : i32
      %dma_wait3A_106 = tpu.memref_slice %arg6[%add3A_14, %dma_wait3A_105] : memref<10240x128xf32, #tpu.memory_space<vmem_shared>> -> memref<80x128xf32, #tpu.memory_space<vmem_shared>>
      %dma_wait3A_107 = arith.constant 0 : i32
      %dma_wait3A_108 = tpu.memref_slice %arg6[%add3A_14, %dma_wait3A_107] : memref<10240x128xf32, #tpu.memory_space<vmem_shared>> -> memref<80x128xf32, #tpu.memory_space<vmem_shared>>
      tpu.wait_dma2 semaphore(%run_scoped3A : memref<!tpu.dma_semaphore, #tpu.memory_space<semaphore_mem>>) src(%arg11 : memref<80x128xf32, #tpu.memory_space<vmem>>) dst(%dma_wait3A_108 : memref<80x128xf32, #tpu.memory_space<vmem_shared>>)
      tpu.yield
    }) : () -> ()
    %add3A_15 = arith.constant 320 : i32
    %add3A_16 = arith.addi %mul3A_6, %add3A_15 : i32
    "tpu.region"() ({
      %run_scoped3A = tpu.sem_alloc : memref<!tpu.dma_semaphore, #tpu.memory_space<semaphore_mem>>
      %dma_start3A_101 = arith.constant 0 : i32
      %dma_start3A_102 = tpu.memref_slice %arg6[%add3A_16, %dma_start3A_101] : memref<10240x128xf32, #tpu.memory_space<vmem_shared>> -> memref<80x128xf32, #tpu.memory_space<vmem_shared>>
      %dma_start3A_103 = arith.constant 0 : i32
      %dma_start3A_104 = tpu.memref_slice %arg6[%add3A_16, %dma_start3A_103] : memref<10240x128xf32, #tpu.memory_space<vmem_shared>> -> memref<80x128xf32, #tpu.memory_space<vmem_shared>>
      tpu.enqueue_dma source(%arg11 : memref<80x128xf32, #tpu.memory_space<vmem>>) target(%dma_start3A_104 : memref<80x128xf32, #tpu.memory_space<vmem_shared>>) target_semaphore(%run_scoped3A : memref<!tpu.dma_semaphore, #tpu.memory_space<semaphore_mem>>)
      %dma_wait3A_105 = arith.constant 0 : i32
      %dma_wait3A_106 = tpu.memref_slice %arg6[%add3A_16, %dma_wait3A_105] : memref<10240x128xf32, #tpu.memory_space<vmem_shared>> -> memref<80x128xf32, #tpu.memory_space<vmem_shared>>
      %dma_wait3A_107 = arith.constant 0 : i32
      %dma_wait3A_108 = tpu.memref_slice %arg6[%add3A_16, %dma_wait3A_107] : memref<10240x128xf32, #tpu.memory_space<vmem_shared>> -> memref<80x128xf32, #tpu.memory_space<vmem_shared>>
      tpu.wait_dma2 semaphore(%run_scoped3A : memref<!tpu.dma_semaphore, #tpu.memory_space<semaphore_mem>>) src(%arg11 : memref<80x128xf32, #tpu.memory_space<vmem>>) dst(%dma_wait3A_108 : memref<80x128xf32, #tpu.memory_space<vmem_shared>>)
      tpu.yield
    }) : () -> ()
    %add3A_17 = arith.constant 400 : i32
    %add3A_18 = arith.addi %mul3A_6, %add3A_17 : i32
    "tpu.region"() ({
      %run_scoped3A = tpu.sem_alloc : memref<!tpu.dma_semaphore, #tpu.memory_space<semaphore_mem>>
      %dma_start3A_101 = arith.constant 0 : i32
      %dma_start3A_102 = tpu.memref_slice %arg6[%add3A_18, %dma_start3A_101] : memref<10240x128xf32, #tpu.memory_space<vmem_shared>> -> memref<80x128xf32, #tpu.memory_space<vmem_shared>>
      %dma_start3A_103 = arith.constant 0 : i32
      %dma_start3A_104 = tpu.memref_slice %arg6[%add3A_18, %dma_start3A_103] : memref<10240x128xf32, #tpu.memory_space<vmem_shared>> -> memref<80x128xf32, #tpu.memory_space<vmem_shared>>
      tpu.enqueue_dma source(%arg11 : memref<80x128xf32, #tpu.memory_space<vmem>>) target(%dma_start3A_104 : memref<80x128xf32, #tpu.memory_space<vmem_shared>>) target_semaphore(%run_scoped3A : memref<!tpu.dma_semaphore, #tpu.memory_space<semaphore_mem>>)
      %dma_wait3A_105 = arith.constant 0 : i32
      %dma_wait3A_106 = tpu.memref_slice %arg6[%add3A_18, %dma_wait3A_105] : memref<10240x128xf32, #tpu.memory_space<vmem_shared>> -> memref<80x128xf32, #tpu.memory_space<vmem_shared>>
      %dma_wait3A_107 = arith.constant 0 : i32
      %dma_wait3A_108 = tpu.memref_slice %arg6[%add3A_18, %dma_wait3A_107] : memref<10240x128xf32, #tpu.memory_space<vmem_shared>> -> memref<80x128xf32, #tpu.memory_space<vmem_shared>>
      tpu.wait_dma2 semaphore(%run_scoped3A : memref<!tpu.dma_semaphore, #tpu.memory_space<semaphore_mem>>) src(%arg11 : memref<80x128xf32, #tpu.memory_space<vmem>>) dst(%dma_wait3A_108 : memref<80x128xf32, #tpu.memory_space<vmem_shared>>)
      tpu.yield
    }) : () -> ()
    %add3A_19 = arith.constant 480 : i32
    %add3A_20 = arith.addi %mul3A_6, %add3A_19 : i32
    "tpu.region"() ({
      %run_scoped3A = tpu.sem_alloc : memref<!tpu.dma_semaphore, #tpu.memory_space<semaphore_mem>>
      %dma_start3A_101 = arith.constant 0 : i32
      %dma_start3A_102 = tpu.memref_slice %arg6[%add3A_20, %dma_start3A_101] : memref<10240x128xf32, #tpu.memory_space<vmem_shared>> -> memref<80x128xf32, #tpu.memory_space<vmem_shared>>
      %dma_start3A_103 = arith.constant 0 : i32
      %dma_start3A_104 = tpu.memref_slice %arg6[%add3A_20, %dma_start3A_103] : memref<10240x128xf32, #tpu.memory_space<vmem_shared>> -> memref<80x128xf32, #tpu.memory_space<vmem_shared>>
      tpu.enqueue_dma source(%arg11 : memref<80x128xf32, #tpu.memory_space<vmem>>) target(%dma_start3A_104 : memref<80x128xf32, #tpu.memory_space<vmem_shared>>) target_semaphore(%run_scoped3A : memref<!tpu.dma_semaphore, #tpu.memory_space<semaphore_mem>>)
      %dma_wait3A_105 = arith.constant 0 : i32
      %dma_wait3A_106 = tpu.memref_slice %arg6[%add3A_20, %dma_wait3A_105] : memref<10240x128xf32, #tpu.memory_space<vmem_shared>> -> memref<80x128xf32, #tpu.memory_space<vmem_shared>>
      %dma_wait3A_107 = arith.constant 0 : i32
      %dma_wait3A_108 = tpu.memref_slice %arg6[%add3A_20, %dma_wait3A_107] : memref<10240x128xf32, #tpu.memory_space<vmem_shared>> -> memref<80x128xf32, #tpu.memory_space<vmem_shared>>
      tpu.wait_dma2 semaphore(%run_scoped3A : memref<!tpu.dma_semaphore, #tpu.memory_space<semaphore_mem>>) src(%arg11 : memref<80x128xf32, #tpu.memory_space<vmem>>) dst(%dma_wait3A_108 : memref<80x128xf32, #tpu.memory_space<vmem_shared>>)
      tpu.yield
    }) : () -> ()
    %add3A_21 = arith.constant 560 : i32
    %add3A_22 = arith.addi %mul3A_6, %add3A_21 : i32
    "tpu.region"() ({
      %run_scoped3A = tpu.sem_alloc : memref<!tpu.dma_semaphore, #tpu.memory_space<semaphore_mem>>
      %dma_start3A_101 = arith.constant 0 : i32
      %dma_start3A_102 = tpu.memref_slice %arg6[%add3A_22, %dma_start3A_101] : memref<10240x128xf32, #tpu.memory_space<vmem_shared>> -> memref<80x128xf32, #tpu.memory_space<vmem_shared>>
      %dma_start3A_103 = arith.constant 0 : i32
      %dma_start3A_104 = tpu.memref_slice %arg6[%add3A_22, %dma_start3A_103] : memref<10240x128xf32, #tpu.memory_space<vmem_shared>> -> memref<80x128xf32, #tpu.memory_space<vmem_shared>>
      tpu.enqueue_dma source(%arg11 : memref<80x128xf32, #tpu.memory_space<vmem>>) target(%dma_start3A_104 : memref<80x128xf32, #tpu.memory_space<vmem_shared>>) target_semaphore(%run_scoped3A : memref<!tpu.dma_semaphore, #tpu.memory_space<semaphore_mem>>)
      %dma_wait3A_105 = arith.constant 0 : i32
      %dma_wait3A_106 = tpu.memref_slice %arg6[%add3A_22, %dma_wait3A_105] : memref<10240x128xf32, #tpu.memory_space<vmem_shared>> -> memref<80x128xf32, #tpu.memory_space<vmem_shared>>
      %dma_wait3A_107 = arith.constant 0 : i32
      %dma_wait3A_108 = tpu.memref_slice %arg6[%add3A_22, %dma_wait3A_107] : memref<10240x128xf32, #tpu.memory_space<vmem_shared>> -> memref<80x128xf32, #tpu.memory_space<vmem_shared>>
      tpu.wait_dma2 semaphore(%run_scoped3A : memref<!tpu.dma_semaphore, #tpu.memory_space<semaphore_mem>>) src(%arg11 : memref<80x128xf32, #tpu.memory_space<vmem>>) dst(%dma_wait3A_108 : memref<80x128xf32, #tpu.memory_space<vmem_shared>>)
      tpu.yield
    }) : () -> ()
    %barrier3A = arith.constant 0 : index
    tpu.barrier barrier_id(%barrier3A)
    "tpu.region"() ({
      %run_scoped3A = tpu.sem_alloc : memref<!tpu.dma_semaphore, #tpu.memory_space<semaphore_mem>>
      %dma_start3A_101 = arith.constant 0 : i32
      %dma_start3A_102 = arith.constant 0 : i32
      %dma_start3A_103 = tpu.memref_slice %arg3[%add3A, %dma_start3A_101, %dma_start3A_102] : memref<32x125x80xi32, #tpu.memory_space<hbm>> -> memref<1x125x80xi32, #tpu.memory_space<hbm>>
      %dma_start3A_104 = tpu.memref_squeeze %dma_start3A_103 : memref<1x125x80xi32, #tpu.memory_space<hbm>> -> memref<125x80xi32, #tpu.memory_space<hbm>>
      %dma_start3A_105 = arith.constant 0 : i32
      %dma_start3A_106 = arith.constant 0 : i32
      %dma_start3A_107 = tpu.memref_slice %arg3[%add3A, %dma_start3A_105, %dma_start3A_106] : memref<32x125x80xi32, #tpu.memory_space<hbm>> -> memref<1x125x80xi32, #tpu.memory_space<hbm>>
      %dma_start3A_108 = tpu.memref_squeeze %dma_start3A_107 : memref<1x125x80xi32, #tpu.memory_space<hbm>> -> memref<125x80xi32, #tpu.memory_space<hbm>>
      tpu.enqueue_dma source(%dma_start3A_108 : memref<125x80xi32, #tpu.memory_space<hbm>>) target(%arg7 : memref<125x80xi32, #tpu.memory_space<vmem>>) target_semaphore(%run_scoped3A : memref<!tpu.dma_semaphore, #tpu.memory_space<semaphore_mem>>)
      %dma_wait3A_109 = arith.constant 0 : i32
      %dma_wait3A_110 = arith.constant 0 : i32
      %dma_wait3A_111 = tpu.memref_slice %arg3[%add3A, %dma_wait3A_109, %dma_wait3A_110] : memref<32x125x80xi32, #tpu.memory_space<hbm>> -> memref<1x125x80xi32, #tpu.memory_space<hbm>>
      %dma_wait3A_112 = tpu.memref_squeeze %dma_wait3A_111 : memref<1x125x80xi32, #tpu.memory_space<hbm>> -> memref<125x80xi32, #tpu.memory_space<hbm>>
      %dma_wait3A_113 = arith.constant 0 : i32
      %dma_wait3A_114 = arith.constant 0 : i32
      %dma_wait3A_115 = tpu.memref_slice %arg3[%add3A, %dma_wait3A_113, %dma_wait3A_114] : memref<32x125x80xi32, #tpu.memory_space<hbm>> -> memref<1x125x80xi32, #tpu.memory_space<hbm>>
      %dma_wait3A_116 = tpu.memref_squeeze %dma_wait3A_115 : memref<1x125x80xi32, #tpu.memory_space<hbm>> -> memref<125x80xi32, #tpu.memory_space<hbm>>
      tpu.wait_dma2 semaphore(%run_scoped3A : memref<!tpu.dma_semaphore, #tpu.memory_space<semaphore_mem>>) src(%dma_wait3A_116 : memref<125x80xi32, #tpu.memory_space<hbm>>) dst(%arg7 : memref<125x80xi32, #tpu.memory_space<vmem>>)
      tpu.yield
    }) : () -> ()
    %mul3A_23 = arith.constant 10000 : i32
    %mul3A_24 = arith.muli %add3A, %mul3A_23 : i32
    %add3A_25 = arith.constant 0 : i32
    %add3A_26 = arith.addi %mul3A_24, %add3A_25 : i32
    "tpu.region"() ({
      %run_scoped3A = tpu.sem_alloc : memref<!tpu.dma_semaphore, #tpu.memory_space<semaphore_mem>>
      %dma_start3A_101 = tpu.memref_slice %arg4[%add3A_26] : memref<320000xi32, #tpu.memory_space<hbm>> -> memref<80xi32, #tpu.memory_space<hbm>>
      %dma_start3A_102 = tpu.memref_slice %arg4[%add3A_26] : memref<320000xi32, #tpu.memory_space<hbm>> -> memref<80xi32, #tpu.memory_space<hbm>>
      tpu.enqueue_dma source(%dma_start3A_102 : memref<80xi32, #tpu.memory_space<hbm>>) target(%arg8 : memref<80xi32, #tpu.memory_space<vmem>>) target_semaphore(%run_scoped3A : memref<!tpu.dma_semaphore, #tpu.memory_space<semaphore_mem>>)
      %dma_wait3A_103 = tpu.memref_slice %arg4[%add3A_26] : memref<320000xi32, #tpu.memory_space<hbm>> -> memref<80xi32, #tpu.memory_space<hbm>>
      %dma_wait3A_104 = tpu.memref_slice %arg4[%add3A_26] : memref<320000xi32, #tpu.memory_space<hbm>> -> memref<80xi32, #tpu.memory_space<hbm>>
      tpu.wait_dma2 semaphore(%run_scoped3A : memref<!tpu.dma_semaphore, #tpu.memory_space<semaphore_mem>>) src(%dma_wait3A_104 : memref<80xi32, #tpu.memory_space<hbm>>) dst(%arg8 : memref<80xi32, #tpu.memory_space<vmem>>)
      tpu.yield
    }) : () -> ()
    %dma_start3A = arith.constant 0 : i32
    %dma_start3A_27 = arith.constant 0 : i32
    %dma_start3A_28 = tpu.memref_slice %arg7[%dma_start3A, %dma_start3A_27] : memref<125x80xi32, #tpu.memory_space<vmem>> -> memref<1x80xi32, #tpu.memory_space<vmem>>
    %dma_start3A_29 = tpu.memref_squeeze %dma_start3A_28 : memref<1x80xi32, #tpu.memory_space<vmem>> -> memref<80xi32, #tpu.memory_space<vmem>>
    %dma_start3A_30 = arith.constant 0 : i32
    %dma_start3A_31 = arith.constant 0 : i32
    %dma_start3A_32 = tpu.memref_slice %arg2[%dma_start3A_30, %dma_start3A_31] : memref<10240x128xf32, #tpu.memory_space<hbm>> -> memref<10240x128xf32, #tpu.memory_space<hbm>>
    tpu.enqueue_indirect_dma source(%dma_start3A_32 : memref<10240x128xf32, #tpu.memory_space<hbm>>) target(%arg11 : memref<80x128xf32, #tpu.memory_space<vmem>>) offsets(%dma_start3A_29 : memref<80xi32, #tpu.memory_space<vmem>>) semaphore(%arg14 : memref<!tpu.dma_semaphore, #tpu.memory_space<semaphore_mem>>)
    %add3A_33 = arith.constant 80 : i32
    %add3A_34 = arith.addi %mul3A_24, %add3A_33 : i32
    "tpu.region"() ({
      %run_scoped3A = tpu.sem_alloc : memref<!tpu.dma_semaphore, #tpu.memory_space<semaphore_mem>>
      %dma_start3A_101 = tpu.memref_slice %arg4[%add3A_34] : memref<320000xi32, #tpu.memory_space<hbm>> -> memref<80xi32, #tpu.memory_space<hbm>>
      %dma_start3A_102 = tpu.memref_slice %arg4[%add3A_34] : memref<320000xi32, #tpu.memory_space<hbm>> -> memref<80xi32, #tpu.memory_space<hbm>>
      tpu.enqueue_dma source(%dma_start3A_102 : memref<80xi32, #tpu.memory_space<hbm>>) target(%arg9 : memref<80xi32, #tpu.memory_space<vmem>>) target_semaphore(%run_scoped3A : memref<!tpu.dma_semaphore, #tpu.memory_space<semaphore_mem>>)
      %dma_wait3A_103 = tpu.memref_slice %arg4[%add3A_34] : memref<320000xi32, #tpu.memory_space<hbm>> -> memref<80xi32, #tpu.memory_space<hbm>>
      %dma_wait3A_104 = tpu.memref_slice %arg4[%add3A_34] : memref<320000xi32, #tpu.memory_space<hbm>> -> memref<80xi32, #tpu.memory_space<hbm>>
      tpu.wait_dma2 semaphore(%run_scoped3A : memref<!tpu.dma_semaphore, #tpu.memory_space<semaphore_mem>>) src(%dma_wait3A_104 : memref<80xi32, #tpu.memory_space<hbm>>) dst(%arg9 : memref<80xi32, #tpu.memory_space<vmem>>)
      tpu.yield
    }) : () -> ()
    %dma_start3A_35 = arith.constant 1 : i32
    %dma_start3A_36 = arith.constant 0 : i32
    %dma_start3A_37 = tpu.memref_slice %arg7[%dma_start3A_35, %dma_start3A_36] : memref<125x80xi32, #tpu.memory_space<vmem>> -> memref<1x80xi32, #tpu.memory_space<vmem>>
    %dma_start3A_38 = tpu.memref_squeeze %dma_start3A_37 : memref<1x80xi32, #tpu.memory_space<vmem>> -> memref<80xi32, #tpu.memory_space<vmem>>
    %dma_start3A_39 = arith.constant 0 : i32
    %dma_start3A_40 = arith.constant 0 : i32
    %dma_start3A_41 = tpu.memref_slice %arg2[%dma_start3A_39, %dma_start3A_40] : memref<10240x128xf32, #tpu.memory_space<hbm>> -> memref<10240x128xf32, #tpu.memory_space<hbm>>
    tpu.enqueue_indirect_dma source(%dma_start3A_41 : memref<10240x128xf32, #tpu.memory_space<hbm>>) target(%arg12 : memref<80x128xf32, #tpu.memory_space<vmem>>) offsets(%dma_start3A_38 : memref<80xi32, #tpu.memory_space<vmem>>) semaphore(%arg15 : memref<!tpu.dma_semaphore, #tpu.memory_space<semaphore_mem>>)
    %add3A_42 = arith.constant 160 : i32
    %add3A_43 = arith.addi %mul3A_24, %add3A_42 : i32
    "tpu.region"() ({
      %run_scoped3A = tpu.sem_alloc : memref<!tpu.dma_semaphore, #tpu.memory_space<semaphore_mem>>
      %dma_start3A_101 = tpu.memref_slice %arg4[%add3A_43] : memref<320000xi32, #tpu.memory_space<hbm>> -> memref<80xi32, #tpu.memory_space<hbm>>
      %dma_start3A_102 = tpu.memref_slice %arg4[%add3A_43] : memref<320000xi32, #tpu.memory_space<hbm>> -> memref<80xi32, #tpu.memory_space<hbm>>
      tpu.enqueue_dma source(%dma_start3A_102 : memref<80xi32, #tpu.memory_space<hbm>>) target(%arg10 : memref<80xi32, #tpu.memory_space<vmem>>) target_semaphore(%run_scoped3A : memref<!tpu.dma_semaphore, #tpu.memory_space<semaphore_mem>>)
      %dma_wait3A_103 = tpu.memref_slice %arg4[%add3A_43] : memref<320000xi32, #tpu.memory_space<hbm>> -> memref<80xi32, #tpu.memory_space<hbm>>
      %dma_wait3A_104 = tpu.memref_slice %arg4[%add3A_43] : memref<320000xi32, #tpu.memory_space<hbm>> -> memref<80xi32, #tpu.memory_space<hbm>>
      tpu.wait_dma2 semaphore(%run_scoped3A : memref<!tpu.dma_semaphore, #tpu.memory_space<semaphore_mem>>) src(%dma_wait3A_104 : memref<80xi32, #tpu.memory_space<hbm>>) dst(%arg10 : memref<80xi32, #tpu.memory_space<vmem>>)
      tpu.yield
    }) : () -> ()
    %dma_start3A_44 = arith.constant 2 : i32
    %dma_start3A_45 = arith.constant 0 : i32
    %dma_start3A_46 = tpu.memref_slice %arg7[%dma_start3A_44, %dma_start3A_45] : memref<125x80xi32, #tpu.memory_space<vmem>> -> memref<1x80xi32, #tpu.memory_space<vmem>>
    %dma_start3A_47 = tpu.memref_squeeze %dma_start3A_46 : memref<1x80xi32, #tpu.memory_space<vmem>> -> memref<80xi32, #tpu.memory_space<vmem>>
    %dma_start3A_48 = arith.constant 0 : i32
    %dma_start3A_49 = arith.constant 0 : i32
    %dma_start3A_50 = tpu.memref_slice %arg2[%dma_start3A_48, %dma_start3A_49] : memref<10240x128xf32, #tpu.memory_space<hbm>> -> memref<10240x128xf32, #tpu.memory_space<hbm>>
    tpu.enqueue_indirect_dma source(%dma_start3A_50 : memref<10240x128xf32, #tpu.memory_space<hbm>>) target(%arg13 : memref<80x128xf32, #tpu.memory_space<vmem>>) offsets(%dma_start3A_47 : memref<80xi32, #tpu.memory_space<vmem>>) semaphore(%arg16 : memref<!tpu.dma_semaphore, #tpu.memory_space<semaphore_mem>>)
    %scan3A_51 = arith.constant 0 : i32
    %scan3A_52 = arith.constant 41 : i32
    %scan3A_53 = arith.addi %scan3A_51, %scan3A_52 : i32
    %scan3A_54 = arith.constant 1 : i32
    scf.for %scan3A_101 = %scan3A_51 to %scan3A_53 step %scan3A_54  : i32 {
      %mul3A_102 = arith.constant 3 : i32
      %mul3A_103 = arith.muli %scan3A_101, %mul3A_102 : i32
      %add3A_104 = arith.constant 0 : i32
      %add3A_105 = arith.addi %mul3A_103, %add3A_104 : i32
      %dma_wait3A_106 = arith.constant 0 : i32
      %dma_wait3A_107 = tpu.memref_slice %arg7[%add3A_105, %dma_wait3A_106] : memref<125x80xi32, #tpu.memory_space<vmem>> -> memref<1x80xi32, #tpu.memory_space<vmem>>
      %dma_wait3A_108 = tpu.memref_squeeze %dma_wait3A_107 : memref<1x80xi32, #tpu.memory_space<vmem>> -> memref<80xi32, #tpu.memory_space<vmem>>
      %dma_wait3A_109 = arith.constant 0 : i32
      %dma_wait3A_110 = arith.constant 0 : i32
      %dma_wait3A_111 = tpu.memref_slice %arg2[%dma_wait3A_109, %dma_wait3A_110] : memref<10240x128xf32, #tpu.memory_space<hbm>> -> memref<10240x128xf32, #tpu.memory_space<hbm>>
      tpu.wait_indirect_dma semaphore(%arg14 : memref<!tpu.dma_semaphore, #tpu.memory_space<semaphore_mem>>) src(%dma_wait3A_111 : memref<10240x128xf32, #tpu.memory_space<hbm>>) dst(%arg11 : memref<80x128xf32, #tpu.memory_space<vmem>>)
      %dma_start3A_112 = arith.constant 0 : i32
      %dma_start3A_113 = arith.constant 0 : i32
      %dma_start3A_114 = tpu.memref_slice %arg6[%dma_start3A_112, %dma_start3A_113] : memref<10240x128xf32, #tpu.memory_space<vmem_shared>> -> memref<10240x128xf32, #tpu.memory_space<vmem_shared>>
      tpu.enqueue_indirect_dma source(%arg11 : memref<80x128xf32, #tpu.memory_space<vmem>>) target(%dma_start3A_114 : memref<10240x128xf32, #tpu.memory_space<vmem_shared>>) offsets(%arg8 : memref<80xi32, #tpu.memory_space<vmem>>) semaphore(%arg17 : memref<!tpu.dma_semaphore, #tpu.memory_space<semaphore_mem>>) {add = true}
      %add3A_115 = arith.constant 3 : i32
      %add3A_116 = arith.addi %add3A_105, %add3A_115 : i32
      %lt3A = arith.constant 125 : i32
      %lt3A_117 = arith.cmpi slt, %add3A_116, %lt3A : i32
      %convert_element_type3A = arith.extui %lt3A_117 : i1 to i32
      %cond3A = arith.constant 0 : i32
      %cond3A_118 = arith.cmpi ne, %convert_element_type3A, %cond3A : i32
      scf.if %cond3A_118 {
        %dma_wait3A_159 = arith.constant 0 : i32
        %dma_wait3A_160 = arith.constant 0 : i32
        %dma_wait3A_161 = tpu.memref_slice %arg6[%dma_wait3A_159, %dma_wait3A_160] : memref<10240x128xf32, #tpu.memory_space<vmem_shared>> -> memref<10240x128xf32, #tpu.memory_space<vmem_shared>>
        tpu.wait_indirect_dma semaphore(%arg17 : memref<!tpu.dma_semaphore, #tpu.memory_space<semaphore_mem>>) src(%arg11 : memref<80x128xf32, #tpu.memory_space<vmem>>) dst(%dma_wait3A_161 : memref<10240x128xf32, #tpu.memory_space<vmem_shared>>)
        %mul3A_162 = arith.constant 80 : i32
        %mul3A_163 = arith.muli %add3A_116, %mul3A_162 : i32
        %add3A_164 = arith.addi %mul3A_24, %mul3A_163 : i32
        "tpu.region"() ({
          %run_scoped3A = tpu.sem_alloc : memref<!tpu.dma_semaphore, #tpu.memory_space<semaphore_mem>>
          %dma_start3A_171 = tpu.memref_slice %arg4[%add3A_164] : memref<320000xi32, #tpu.memory_space<hbm>> -> memref<80xi32, #tpu.memory_space<hbm>>
          %dma_start3A_172 = tpu.memref_slice %arg4[%add3A_164] : memref<320000xi32, #tpu.memory_space<hbm>> -> memref<80xi32, #tpu.memory_space<hbm>>
          tpu.enqueue_dma source(%dma_start3A_172 : memref<80xi32, #tpu.memory_space<hbm>>) target(%arg8 : memref<80xi32, #tpu.memory_space<vmem>>) target_semaphore(%run_scoped3A : memref<!tpu.dma_semaphore, #tpu.memory_space<semaphore_mem>>)
          %dma_wait3A_173 = tpu.memref_slice %arg4[%add3A_164] : memref<320000xi32, #tpu.memory_space<hbm>> -> memref<80xi32, #tpu.memory_space<hbm>>
          %dma_wait3A_174 = tpu.memref_slice %arg4[%add3A_164] : memref<320000xi32, #tpu.memory_space<hbm>> -> memref<80xi32, #tpu.memory_space<hbm>>
          tpu.wait_dma2 semaphore(%run_scoped3A : memref<!tpu.dma_semaphore, #tpu.memory_space<semaphore_mem>>) src(%dma_wait3A_174 : memref<80xi32, #tpu.memory_space<hbm>>) dst(%arg8 : memref<80xi32, #tpu.memory_space<vmem>>)
          tpu.yield
        }) : () -> ()
        %dma_start3A_165 = arith.constant 0 : i32
        %dma_start3A_166 = tpu.memref_slice %arg7[%add3A_116, %dma_start3A_165] : memref<125x80xi32, #tpu.memory_space<vmem>> -> memref<1x80xi32, #tpu.memory_space<vmem>>
        %dma_start3A_167 = tpu.memref_squeeze %dma_start3A_166 : memref<1x80xi32, #tpu.memory_space<vmem>> -> memref<80xi32, #tpu.memory_space<vmem>>
        %dma_start3A_168 = arith.constant 0 : i32
        %dma_start3A_169 = arith.constant 0 : i32
        %dma_start3A_170 = tpu.memref_slice %arg2[%dma_start3A_168, %dma_start3A_169] : memref<10240x128xf32, #tpu.memory_space<hbm>> -> memref<10240x128xf32, #tpu.memory_space<hbm>>
        tpu.enqueue_indirect_dma source(%dma_start3A_170 : memref<10240x128xf32, #tpu.memory_space<hbm>>) target(%arg11 : memref<80x128xf32, #tpu.memory_space<vmem>>) offsets(%dma_start3A_167 : memref<80xi32, #tpu.memory_space<vmem>>) semaphore(%arg14 : memref<!tpu.dma_semaphore, #tpu.memory_space<semaphore_mem>>)
      } else {
      }
      %mul3A_119 = arith.constant 3 : i32
      %mul3A_120 = arith.muli %scan3A_101, %mul3A_119 : i32
      %add3A_121 = arith.constant 1 : i32
      %add3A_122 = arith.addi %mul3A_120, %add3A_121 : i32
      %dma_wait3A_123 = arith.constant 0 : i32
      %dma_wait3A_124 = tpu.memref_slice %arg7[%add3A_122, %dma_wait3A_123] : memref<125x80xi32, #tpu.memory_space<vmem>> -> memref<1x80xi32, #tpu.memory_space<vmem>>
      %dma_wait3A_125 = tpu.memref_squeeze %dma_wait3A_124 : memref<1x80xi32, #tpu.memory_space<vmem>> -> memref<80xi32, #tpu.memory_space<vmem>>
      %dma_wait3A_126 = arith.constant 0 : i32
      %dma_wait3A_127 = arith.constant 0 : i32
      %dma_wait3A_128 = tpu.memref_slice %arg2[%dma_wait3A_126, %dma_wait3A_127] : memref<10240x128xf32, #tpu.memory_space<hbm>> -> memref<10240x128xf32, #tpu.memory_space<hbm>>
      tpu.wait_indirect_dma semaphore(%arg15 : memref<!tpu.dma_semaphore, #tpu.memory_space<semaphore_mem>>) src(%dma_wait3A_128 : memref<10240x128xf32, #tpu.memory_space<hbm>>) dst(%arg12 : memref<80x128xf32, #tpu.memory_space<vmem>>)
      %dma_start3A_129 = arith.constant 0 : i32
      %dma_start3A_130 = arith.constant 0 : i32
      %dma_start3A_131 = tpu.memref_slice %arg6[%dma_start3A_129, %dma_start3A_130] : memref<10240x128xf32, #tpu.memory_space<vmem_shared>> -> memref<10240x128xf32, #tpu.memory_space<vmem_shared>>
      tpu.enqueue_indirect_dma source(%arg12 : memref<80x128xf32, #tpu.memory_space<vmem>>) target(%dma_start3A_131 : memref<10240x128xf32, #tpu.memory_space<vmem_shared>>) offsets(%arg9 : memref<80xi32, #tpu.memory_space<vmem>>) semaphore(%arg18 : memref<!tpu.dma_semaphore, #tpu.memory_space<semaphore_mem>>) {add = true}
      %add3A_132 = arith.constant 3 : i32
      %add3A_133 = arith.addi %add3A_122, %add3A_132 : i32
      %lt3A_134 = arith.constant 125 : i32
      %lt3A_135 = arith.cmpi slt, %add3A_133, %lt3A_134 : i32
      %convert_element_type3A_136 = arith.extui %lt3A_135 : i1 to i32
      %cond3A_137 = arith.constant 0 : i32
      %cond3A_138 = arith.cmpi ne, %convert_element_type3A_136, %cond3A_137 : i32
      scf.if %cond3A_138 {
        %dma_wait3A_159 = arith.constant 0 : i32
        %dma_wait3A_160 = arith.constant 0 : i32
        %dma_wait3A_161 = tpu.memref_slice %arg6[%dma_wait3A_159, %dma_wait3A_160] : memref<10240x128xf32, #tpu.memory_space<vmem_shared>> -> memref<10240x128xf32, #tpu.memory_space<vmem_shared>>
        tpu.wait_indirect_dma semaphore(%arg18 : memref<!tpu.dma_semaphore, #tpu.memory_space<semaphore_mem>>) src(%arg12 : memref<80x128xf32, #tpu.memory_space<vmem>>) dst(%dma_wait3A_161 : memref<10240x128xf32, #tpu.memory_space<vmem_shared>>)
        %mul3A_162 = arith.constant 80 : i32
        %mul3A_163 = arith.muli %add3A_133, %mul3A_162 : i32
        %add3A_164 = arith.addi %mul3A_24, %mul3A_163 : i32
        "tpu.region"() ({
          %run_scoped3A = tpu.sem_alloc : memref<!tpu.dma_semaphore, #tpu.memory_space<semaphore_mem>>
          %dma_start3A_171 = tpu.memref_slice %arg4[%add3A_164] : memref<320000xi32, #tpu.memory_space<hbm>> -> memref<80xi32, #tpu.memory_space<hbm>>
          %dma_start3A_172 = tpu.memref_slice %arg4[%add3A_164] : memref<320000xi32, #tpu.memory_space<hbm>> -> memref<80xi32, #tpu.memory_space<hbm>>
          tpu.enqueue_dma source(%dma_start3A_172 : memref<80xi32, #tpu.memory_space<hbm>>) target(%arg9 : memref<80xi32, #tpu.memory_space<vmem>>) target_semaphore(%run_scoped3A : memref<!tpu.dma_semaphore, #tpu.memory_space<semaphore_mem>>)
          %dma_wait3A_173 = tpu.memref_slice %arg4[%add3A_164] : memref<320000xi32, #tpu.memory_space<hbm>> -> memref<80xi32, #tpu.memory_space<hbm>>
          %dma_wait3A_174 = tpu.memref_slice %arg4[%add3A_164] : memref<320000xi32, #tpu.memory_space<hbm>> -> memref<80xi32, #tpu.memory_space<hbm>>
          tpu.wait_dma2 semaphore(%run_scoped3A : memref<!tpu.dma_semaphore, #tpu.memory_space<semaphore_mem>>) src(%dma_wait3A_174 : memref<80xi32, #tpu.memory_space<hbm>>) dst(%arg9 : memref<80xi32, #tpu.memory_space<vmem>>)
          tpu.yield
        }) : () -> ()
        %dma_start3A_165 = arith.constant 0 : i32
        %dma_start3A_166 = tpu.memref_slice %arg7[%add3A_133, %dma_start3A_165] : memref<125x80xi32, #tpu.memory_space<vmem>> -> memref<1x80xi32, #tpu.memory_space<vmem>>
        %dma_start3A_167 = tpu.memref_squeeze %dma_start3A_166 : memref<1x80xi32, #tpu.memory_space<vmem>> -> memref<80xi32, #tpu.memory_space<vmem>>
        %dma_start3A_168 = arith.constant 0 : i32
        %dma_start3A_169 = arith.constant 0 : i32
        %dma_start3A_170 = tpu.memref_slice %arg2[%dma_start3A_168, %dma_start3A_169] : memref<10240x128xf32, #tpu.memory_space<hbm>> -> memref<10240x128xf32, #tpu.memory_space<hbm>>
        tpu.enqueue_indirect_dma source(%dma_start3A_170 : memref<10240x128xf32, #tpu.memory_space<hbm>>) target(%arg12 : memref<80x128xf32, #tpu.memory_space<vmem>>) offsets(%dma_start3A_167 : memref<80xi32, #tpu.memory_space<vmem>>) semaphore(%arg15 : memref<!tpu.dma_semaphore, #tpu.memory_space<semaphore_mem>>)
      } else {
      }
      %mul3A_139 = arith.constant 3 : i32
      %mul3A_140 = arith.muli %scan3A_101, %mul3A_139 : i32
      %add3A_141 = arith.constant 2 : i32
      %add3A_142 = arith.addi %mul3A_140, %add3A_141 : i32
      %dma_wait3A_143 = arith.constant 0 : i32
      %dma_wait3A_144 = tpu.memref_slice %arg7[%add3A_142, %dma_wait3A_143] : memref<125x80xi32, #tpu.memory_space<vmem>> -> memref<1x80xi32, #tpu.memory_space<vmem>>
      %dma_wait3A_145 = tpu.memref_squeeze %dma_wait3A_144 : memref<1x80xi32, #tpu.memory_space<vmem>> -> memref<80xi32, #tpu.memory_space<vmem>>
      %dma_wait3A_146 = arith.constant 0 : i32
      %dma_wait3A_147 = arith.constant 0 : i32
      %dma_wait3A_148 = tpu.memref_slice %arg2[%dma_wait3A_146, %dma_wait3A_147] : memref<10240x128xf32, #tpu.memory_space<hbm>> -> memref<10240x128xf32, #tpu.memory_space<hbm>>
      tpu.wait_indirect_dma semaphore(%arg16 : memref<!tpu.dma_semaphore, #tpu.memory_space<semaphore_mem>>) src(%dma_wait3A_148 : memref<10240x128xf32, #tpu.memory_space<hbm>>) dst(%arg13 : memref<80x128xf32, #tpu.memory_space<vmem>>)
      %dma_start3A_149 = arith.constant 0 : i32
      %dma_start3A_150 = arith.constant 0 : i32
      %dma_start3A_151 = tpu.memref_slice %arg6[%dma_start3A_149, %dma_start3A_150] : memref<10240x128xf32, #tpu.memory_space<vmem_shared>> -> memref<10240x128xf32, #tpu.memory_space<vmem_shared>>
      tpu.enqueue_indirect_dma source(%arg13 : memref<80x128xf32, #tpu.memory_space<vmem>>) target(%dma_start3A_151 : memref<10240x128xf32, #tpu.memory_space<vmem_shared>>) offsets(%arg10 : memref<80xi32, #tpu.memory_space<vmem>>) semaphore(%arg19 : memref<!tpu.dma_semaphore, #tpu.memory_space<semaphore_mem>>) {add = true}
      %add3A_152 = arith.constant 3 : i32
      %add3A_153 = arith.addi %add3A_142, %add3A_152 : i32
      %lt3A_154 = arith.constant 125 : i32
      %lt3A_155 = arith.cmpi slt, %add3A_153, %lt3A_154 : i32
      %convert_element_type3A_156 = arith.extui %lt3A_155 : i1 to i32
      %cond3A_157 = arith.constant 0 : i32
      %cond3A_158 = arith.cmpi ne, %convert_element_type3A_156, %cond3A_157 : i32
      scf.if %cond3A_158 {
        %dma_wait3A_159 = arith.constant 0 : i32
        %dma_wait3A_160 = arith.constant 0 : i32
        %dma_wait3A_161 = tpu.memref_slice %arg6[%dma_wait3A_159, %dma_wait3A_160] : memref<10240x128xf32, #tpu.memory_space<vmem_shared>> -> memref<10240x128xf32, #tpu.memory_space<vmem_shared>>
        tpu.wait_indirect_dma semaphore(%arg19 : memref<!tpu.dma_semaphore, #tpu.memory_space<semaphore_mem>>) src(%arg13 : memref<80x128xf32, #tpu.memory_space<vmem>>) dst(%dma_wait3A_161 : memref<10240x128xf32, #tpu.memory_space<vmem_shared>>)
        %mul3A_162 = arith.constant 80 : i32
        %mul3A_163 = arith.muli %add3A_153, %mul3A_162 : i32
        %add3A_164 = arith.addi %mul3A_24, %mul3A_163 : i32
        "tpu.region"() ({
          %run_scoped3A = tpu.sem_alloc : memref<!tpu.dma_semaphore, #tpu.memory_space<semaphore_mem>>
          %dma_start3A_171 = tpu.memref_slice %arg4[%add3A_164] : memref<320000xi32, #tpu.memory_space<hbm>> -> memref<80xi32, #tpu.memory_space<hbm>>
          %dma_start3A_172 = tpu.memref_slice %arg4[%add3A_164] : memref<320000xi32, #tpu.memory_space<hbm>> -> memref<80xi32, #tpu.memory_space<hbm>>
          tpu.enqueue_dma source(%dma_start3A_172 : memref<80xi32, #tpu.memory_space<hbm>>) target(%arg10 : memref<80xi32, #tpu.memory_space<vmem>>) target_semaphore(%run_scoped3A : memref<!tpu.dma_semaphore, #tpu.memory_space<semaphore_mem>>)
          %dma_wait3A_173 = tpu.memref_slice %arg4[%add3A_164] : memref<320000xi32, #tpu.memory_space<hbm>> -> memref<80xi32, #tpu.memory_space<hbm>>
          %dma_wait3A_174 = tpu.memref_slice %arg4[%add3A_164] : memref<320000xi32, #tpu.memory_space<hbm>> -> memref<80xi32, #tpu.memory_space<hbm>>
          tpu.wait_dma2 semaphore(%run_scoped3A : memref<!tpu.dma_semaphore, #tpu.memory_space<semaphore_mem>>) src(%dma_wait3A_174 : memref<80xi32, #tpu.memory_space<hbm>>) dst(%arg10 : memref<80xi32, #tpu.memory_space<vmem>>)
          tpu.yield
        }) : () -> ()
        %dma_start3A_165 = arith.constant 0 : i32
        %dma_start3A_166 = tpu.memref_slice %arg7[%add3A_153, %dma_start3A_165] : memref<125x80xi32, #tpu.memory_space<vmem>> -> memref<1x80xi32, #tpu.memory_space<vmem>>
        %dma_start3A_167 = tpu.memref_squeeze %dma_start3A_166 : memref<1x80xi32, #tpu.memory_space<vmem>> -> memref<80xi32, #tpu.memory_space<vmem>>
        %dma_start3A_168 = arith.constant 0 : i32
        %dma_start3A_169 = arith.constant 0 : i32
        %dma_start3A_170 = tpu.memref_slice %arg2[%dma_start3A_168, %dma_start3A_169] : memref<10240x128xf32, #tpu.memory_space<hbm>> -> memref<10240x128xf32, #tpu.memory_space<hbm>>
        tpu.enqueue_indirect_dma source(%dma_start3A_170 : memref<10240x128xf32, #tpu.memory_space<hbm>>) target(%arg13 : memref<80x128xf32, #tpu.memory_space<vmem>>) offsets(%dma_start3A_167 : memref<80xi32, #tpu.memory_space<vmem>>) semaphore(%arg16 : memref<!tpu.dma_semaphore, #tpu.memory_space<semaphore_mem>>)
      } else {
      }
    }
    %scan3A_55 = arith.constant 41 : i32
    %dma_wait3A = arith.constant 123 : i32
    %dma_wait3A_56 = arith.constant 0 : i32
    %dma_wait3A_57 = tpu.memref_slice %arg7[%dma_wait3A, %dma_wait3A_56] : memref<125x80xi32, #tpu.memory_space<vmem>> -> memref<1x80xi32, #tpu.memory_space<vmem>>
    %dma_wait3A_58 = tpu.memref_squeeze %dma_wait3A_57 : memref<1x80xi32, #tpu.memory_space<vmem>> -> memref<80xi32, #tpu.memory_space<vmem>>
    %dma_wait3A_59 = arith.constant 0 : i32
    %dma_wait3A_60 = arith.constant 0 : i32
    %dma_wait3A_61 = tpu.memref_slice %arg2[%dma_wait3A_59, %dma_wait3A_60] : memref<10240x128xf32, #tpu.memory_space<hbm>> -> memref<10240x128xf32, #tpu.memory_space<hbm>>
    tpu.wait_indirect_dma semaphore(%arg14 : memref<!tpu.dma_semaphore, #tpu.memory_space<semaphore_mem>>) src(%dma_wait3A_61 : memref<10240x128xf32, #tpu.memory_space<hbm>>) dst(%arg11 : memref<80x128xf32, #tpu.memory_space<vmem>>)
    %dma_start3A_62 = arith.constant 0 : i32
    %dma_start3A_63 = arith.constant 0 : i32
    %dma_start3A_64 = tpu.memref_slice %arg6[%dma_start3A_62, %dma_start3A_63] : memref<10240x128xf32, #tpu.memory_space<vmem_shared>> -> memref<10240x128xf32, #tpu.memory_space<vmem_shared>>
    tpu.enqueue_indirect_dma source(%arg11 : memref<80x128xf32, #tpu.memory_space<vmem>>) target(%dma_start3A_64 : memref<10240x128xf32, #tpu.memory_space<vmem_shared>>) offsets(%arg8 : memref<80xi32, #tpu.memory_space<vmem>>) semaphore(%arg17 : memref<!tpu.dma_semaphore, #tpu.memory_space<semaphore_mem>>) {add = true}
    %dma_wait3A_65 = arith.constant 124 : i32
    %dma_wait3A_66 = arith.constant 0 : i32
    %dma_wait3A_67 = tpu.memref_slice %arg7[%dma_wait3A_65, %dma_wait3A_66] : memref<125x80xi32, #tpu.memory_space<vmem>> -> memref<1x80xi32, #tpu.memory_space<vmem>>
    %dma_wait3A_68 = tpu.memref_squeeze %dma_wait3A_67 : memref<1x80xi32, #tpu.memory_space<vmem>> -> memref<80xi32, #tpu.memory_space<vmem>>
    %dma_wait3A_69 = arith.constant 0 : i32
    %dma_wait3A_70 = arith.constant 0 : i32
    %dma_wait3A_71 = tpu.memref_slice %arg2[%dma_wait3A_69, %dma_wait3A_70] : memref<10240x128xf32, #tpu.memory_space<hbm>> -> memref<10240x128xf32, #tpu.memory_space<hbm>>
    tpu.wait_indirect_dma semaphore(%arg15 : memref<!tpu.dma_semaphore, #tpu.memory_space<semaphore_mem>>) src(%dma_wait3A_71 : memref<10240x128xf32, #tpu.memory_space<hbm>>) dst(%arg12 : memref<80x128xf32, #tpu.memory_space<vmem>>)
    %dma_start3A_72 = arith.constant 0 : i32
    %dma_start3A_73 = arith.constant 0 : i32
    %dma_start3A_74 = tpu.memref_slice %arg6[%dma_start3A_72, %dma_start3A_73] : memref<10240x128xf32, #tpu.memory_space<vmem_shared>> -> memref<10240x128xf32, #tpu.memory_space<vmem_shared>>
    tpu.enqueue_indirect_dma source(%arg12 : memref<80x128xf32, #tpu.memory_space<vmem>>) target(%dma_start3A_74 : memref<10240x128xf32, #tpu.memory_space<vmem_shared>>) offsets(%arg9 : memref<80xi32, #tpu.memory_space<vmem>>) semaphore(%arg18 : memref<!tpu.dma_semaphore, #tpu.memory_space<semaphore_mem>>) {add = true}
    %dma_wait3A_75 = arith.constant 0 : i32
    %dma_wait3A_76 = arith.constant 0 : i32
    %dma_wait3A_77 = tpu.memref_slice %arg6[%dma_wait3A_75, %dma_wait3A_76] : memref<10240x128xf32, #tpu.memory_space<vmem_shared>> -> memref<10240x128xf32, #tpu.memory_space<vmem_shared>>
    tpu.wait_indirect_dma semaphore(%arg17 : memref<!tpu.dma_semaphore, #tpu.memory_space<semaphore_mem>>) src(%arg11 : memref<80x128xf32, #tpu.memory_space<vmem>>) dst(%dma_wait3A_77 : memref<10240x128xf32, #tpu.memory_space<vmem_shared>>)
    %dma_wait3A_78 = arith.constant 0 : i32
    %dma_wait3A_79 = arith.constant 0 : i32
    %dma_wait3A_80 = tpu.memref_slice %arg6[%dma_wait3A_78, %dma_wait3A_79] : memref<10240x128xf32, #tpu.memory_space<vmem_shared>> -> memref<10240x128xf32, #tpu.memory_space<vmem_shared>>
    tpu.wait_indirect_dma semaphore(%arg18 : memref<!tpu.dma_semaphore, #tpu.memory_space<semaphore_mem>>) src(%arg12 : memref<80x128xf32, #tpu.memory_space<vmem>>) dst(%dma_wait3A_80 : memref<10240x128xf32, #tpu.memory_space<vmem_shared>>)
    %dma_wait3A_81 = arith.constant 0 : i32
    %dma_wait3A_82 = arith.constant 0 : i32
    %dma_wait3A_83 = tpu.memref_slice %arg6[%dma_wait3A_81, %dma_wait3A_82] : memref<10240x128xf32, #tpu.memory_space<vmem_shared>> -> memref<10240x128xf32, #tpu.memory_space<vmem_shared>>
    tpu.wait_indirect_dma semaphore(%arg19 : memref<!tpu.dma_semaphore, #tpu.memory_space<semaphore_mem>>) src(%arg13 : memref<80x128xf32, #tpu.memory_space<vmem>>) dst(%dma_wait3A_83 : memref<10240x128xf32, #tpu.memory_space<vmem_shared>>)
    %barrier3A_84 = arith.constant 0 : index
    tpu.barrier barrier_id(%barrier3A_84)
    %add3A_85 = arith.constant 0 : i32
    %add3A_86 = arith.addi %mul3A_6, %add3A_85 : i32
    "tpu.region"() ({
      %run_scoped3A = tpu.sem_alloc : memref<!tpu.dma_semaphore, #tpu.memory_space<semaphore_mem>>
      %dma_start3A_101 = arith.constant 0 : i32
      %dma_start3A_102 = tpu.memref_slice %arg6[%add3A_86, %dma_start3A_101] : memref<10240x128xf32, #tpu.memory_space<vmem_shared>> -> memref<80x128xf32, #tpu.memory_space<vmem_shared>>
      %dma_start3A_103 = arith.constant 0 : i32
      %dma_start3A_104 = tpu.memref_slice %arg6[%add3A_86, %dma_start3A_103] : memref<10240x128xf32, #tpu.memory_space<vmem_shared>> -> memref<80x128xf32, #tpu.memory_space<vmem_shared>>
      tpu.enqueue_dma source(%dma_start3A_104 : memref<80x128xf32, #tpu.memory_space<vmem_shared>>) target(%arg11 : memref<80x128xf32, #tpu.memory_space<vmem>>) target_semaphore(%run_scoped3A : memref<!tpu.dma_semaphore, #tpu.memory_space<semaphore_mem>>)
      %dma_wait3A_105 = arith.constant 0 : i32
      %dma_wait3A_106 = tpu.memref_slice %arg6[%add3A_86, %dma_wait3A_105] : memref<10240x128xf32, #tpu.memory_space<vmem_shared>> -> memref<80x128xf32, #tpu.memory_space<vmem_shared>>
      %dma_wait3A_107 = arith.constant 0 : i32
      %dma_wait3A_108 = tpu.memref_slice %arg6[%add3A_86, %dma_wait3A_107] : memref<10240x128xf32, #tpu.memory_space<vmem_shared>> -> memref<80x128xf32, #tpu.memory_space<vmem_shared>>
      tpu.wait_dma2 semaphore(%run_scoped3A : memref<!tpu.dma_semaphore, #tpu.memory_space<semaphore_mem>>) src(%dma_wait3A_108 : memref<80x128xf32, #tpu.memory_space<vmem_shared>>) dst(%arg11 : memref<80x128xf32, #tpu.memory_space<vmem>>)
      tpu.yield
    }) : () -> ()
    "tpu.region"() ({
      %run_scoped3A = tpu.sem_alloc : memref<!tpu.dma_semaphore, #tpu.memory_space<semaphore_mem>>
      %dma_start3A_101 = arith.constant 0 : i32
      %dma_start3A_102 = tpu.memref_slice %arg5[%arg0, %add3A_86, %dma_start3A_101] : memref<2x10240x128xf32, #tpu.memory_space<hbm>> -> memref<1x80x128xf32, #tpu.memory_space<hbm>>
      %dma_start3A_103 = tpu.memref_squeeze %dma_start3A_102 : memref<1x80x128xf32, #tpu.memory_space<hbm>> -> memref<80x128xf32, #tpu.memory_space<hbm>>
      %dma_start3A_104 = arith.constant 0 : i32
      %dma_start3A_105 = tpu.memref_slice %arg5[%arg0, %add3A_86, %dma_start3A_104] : memref<2x10240x128xf32, #tpu.memory_space<hbm>> -> memref<1x80x128xf32, #tpu.memory_space<hbm>>
      %dma_start3A_106 = tpu.memref_squeeze %dma_start3A_105 : memref<1x80x128xf32, #tpu.memory_space<hbm>> -> memref<80x128xf32, #tpu.memory_space<hbm>>
      tpu.enqueue_dma source(%arg11 : memref<80x128xf32, #tpu.memory_space<vmem>>) target(%dma_start3A_106 : memref<80x128xf32, #tpu.memory_space<hbm>>) target_semaphore(%run_scoped3A : memref<!tpu.dma_semaphore, #tpu.memory_space<semaphore_mem>>)
      %dma_wait3A_107 = arith.constant 0 : i32
      %dma_wait3A_108 = tpu.memref_slice %arg5[%arg0, %add3A_86, %dma_wait3A_107] : memref<2x10240x128xf32, #tpu.memory_space<hbm>> -> memref<1x80x128xf32, #tpu.memory_space<hbm>>
      %dma_wait3A_109 = tpu.memref_squeeze %dma_wait3A_108 : memref<1x80x128xf32, #tpu.memory_space<hbm>> -> memref<80x128xf32, #tpu.memory_space<hbm>>
      %dma_wait3A_110 = arith.constant 0 : i32
      %dma_wait3A_111 = tpu.memref_slice %arg5[%arg0, %add3A_86, %dma_wait3A_110] : memref<2x10240x128xf32, #tpu.memory_space<hbm>> -> memref<1x80x128xf32, #tpu.memory_space<hbm>>
      %dma_wait3A_112 = tpu.memref_squeeze %dma_wait3A_111 : memref<1x80x128xf32, #tpu.memory_space<hbm>> -> memref<80x128xf32, #tpu.memory_space<hbm>>
      tpu.wait_dma2 semaphore(%run_scoped3A : memref<!tpu.dma_semaphore, #tpu.memory_space<semaphore_mem>>) src(%arg11 : memref<80x128xf32, #tpu.memory_space<vmem>>) dst(%dma_wait3A_112 : memref<80x128xf32, #tpu.memory_space<hbm>>)
      tpu.yield
    }) : () -> ()
    %add3A_87 = arith.constant 80 : i32
    %add3A_88 = arith.addi %mul3A_6, %add3A_87 : i32
    "tpu.region"() ({
      %run_scoped3A = tpu.sem_alloc : memref<!tpu.dma_semaphore, #tpu.memory_space<semaphore_mem>>
      %dma_start3A_101 = arith.constant 0 : i32
      %dma_start3A_102 = tpu.memref_slice %arg6[%add3A_88, %dma_start3A_101] : memref<10240x128xf32, #tpu.memory_space<vmem_shared>> -> memref<80x128xf32, #tpu.memory_space<vmem_shared>>
      %dma_start3A_103 = arith.constant 0 : i32
      %dma_start3A_104 = tpu.memref_slice %arg6[%add3A_88, %dma_start3A_103] : memref<10240x128xf32, #tpu.memory_space<vmem_shared>> -> memref<80x128xf32, #tpu.memory_space<vmem_shared>>
      tpu.enqueue_dma source(%dma_start3A_104 : memref<80x128xf32, #tpu.memory_space<vmem_shared>>) target(%arg11 : memref<80x128xf32, #tpu.memory_space<vmem>>) target_semaphore(%run_scoped3A : memref<!tpu.dma_semaphore, #tpu.memory_space<semaphore_mem>>)
      %dma_wait3A_105 = arith.constant 0 : i32
      %dma_wait3A_106 = tpu.memref_slice %arg6[%add3A_88, %dma_wait3A_105] : memref<10240x128xf32, #tpu.memory_space<vmem_shared>> -> memref<80x128xf32, #tpu.memory_space<vmem_shared>>
      %dma_wait3A_107 = arith.constant 0 : i32
      %dma_wait3A_108 = tpu.memref_slice %arg6[%add3A_88, %dma_wait3A_107] : memref<10240x128xf32, #tpu.memory_space<vmem_shared>> -> memref<80x128xf32, #tpu.memory_space<vmem_shared>>
      tpu.wait_dma2 semaphore(%run_scoped3A : memref<!tpu.dma_semaphore, #tpu.memory_space<semaphore_mem>>) src(%dma_wait3A_108 : memref<80x128xf32, #tpu.memory_space<vmem_shared>>) dst(%arg11 : memref<80x128xf32, #tpu.memory_space<vmem>>)
      tpu.yield
    }) : () -> ()
    "tpu.region"() ({
      %run_scoped3A = tpu.sem_alloc : memref<!tpu.dma_semaphore, #tpu.memory_space<semaphore_mem>>
      %dma_start3A_101 = arith.constant 0 : i32
      %dma_start3A_102 = tpu.memref_slice %arg5[%arg0, %add3A_88, %dma_start3A_101] : memref<2x10240x128xf32, #tpu.memory_space<hbm>> -> memref<1x80x128xf32, #tpu.memory_space<hbm>>
      %dma_start3A_103 = tpu.memref_squeeze %dma_start3A_102 : memref<1x80x128xf32, #tpu.memory_space<hbm>> -> memref<80x128xf32, #tpu.memory_space<hbm>>
      %dma_start3A_104 = arith.constant 0 : i32
      %dma_start3A_105 = tpu.memref_slice %arg5[%arg0, %add3A_88, %dma_start3A_104] : memref<2x10240x128xf32, #tpu.memory_space<hbm>> -> memref<1x80x128xf32, #tpu.memory_space<hbm>>
      %dma_start3A_106 = tpu.memref_squeeze %dma_start3A_105 : memref<1x80x128xf32, #tpu.memory_space<hbm>> -> memref<80x128xf32, #tpu.memory_space<hbm>>
      tpu.enqueue_dma source(%arg11 : memref<80x128xf32, #tpu.memory_space<vmem>>) target(%dma_start3A_106 : memref<80x128xf32, #tpu.memory_space<hbm>>) target_semaphore(%run_scoped3A : memref<!tpu.dma_semaphore, #tpu.memory_space<semaphore_mem>>)
      %dma_wait3A_107 = arith.constant 0 : i32
      %dma_wait3A_108 = tpu.memref_slice %arg5[%arg0, %add3A_88, %dma_wait3A_107] : memref<2x10240x128xf32, #tpu.memory_space<hbm>> -> memref<1x80x128xf32, #tpu.memory_space<hbm>>
      %dma_wait3A_109 = tpu.memref_squeeze %dma_wait3A_108 : memref<1x80x128xf32, #tpu.memory_space<hbm>> -> memref<80x128xf32, #tpu.memory_space<hbm>>
      %dma_wait3A_110 = arith.constant 0 : i32
      %dma_wait3A_111 = tpu.memref_slice %arg5[%arg0, %add3A_88, %dma_wait3A_110] : memref<2x10240x128xf32, #tpu.memory_space<hbm>> -> memref<1x80x128xf32, #tpu.memory_space<hbm>>
      %dma_wait3A_112 = tpu.memref_squeeze %dma_wait3A_111 : memref<1x80x128xf32, #tpu.memory_space<hbm>> -> memref<80x128xf32, #tpu.memory_space<hbm>>
      tpu.wait_dma2 semaphore(%run_scoped3A : memref<!tpu.dma_semaphore, #tpu.memory_space<semaphore_mem>>) src(%arg11 : memref<80x128xf32, #tpu.memory_space<vmem>>) dst(%dma_wait3A_112 : memref<80x128xf32, #tpu.memory_space<hbm>>)
      tpu.yield
    }) : () -> ()
    %add3A_89 = arith.constant 160 : i32
    %add3A_90 = arith.addi %mul3A_6, %add3A_89 : i32
    "tpu.region"() ({
      %run_scoped3A = tpu.sem_alloc : memref<!tpu.dma_semaphore, #tpu.memory_space<semaphore_mem>>
      %dma_start3A_101 = arith.constant 0 : i32
      %dma_start3A_102 = tpu.memref_slice %arg6[%add3A_90, %dma_start3A_101] : memref<10240x128xf32, #tpu.memory_space<vmem_shared>> -> memref<80x128xf32, #tpu.memory_space<vmem_shared>>
      %dma_start3A_103 = arith.constant 0 : i32
      %dma_start3A_104 = tpu.memref_slice %arg6[%add3A_90, %dma_start3A_103] : memref<10240x128xf32, #tpu.memory_space<vmem_shared>> -> memref<80x128xf32, #tpu.memory_space<vmem_shared>>
      tpu.enqueue_dma source(%dma_start3A_104 : memref<80x128xf32, #tpu.memory_space<vmem_shared>>) target(%arg11 : memref<80x128xf32, #tpu.memory_space<vmem>>) target_semaphore(%run_scoped3A : memref<!tpu.dma_semaphore, #tpu.memory_space<semaphore_mem>>)
      %dma_wait3A_105 = arith.constant 0 : i32
      %dma_wait3A_106 = tpu.memref_slice %arg6[%add3A_90, %dma_wait3A_105] : memref<10240x128xf32, #tpu.memory_space<vmem_shared>> -> memref<80x128xf32, #tpu.memory_space<vmem_shared>>
      %dma_wait3A_107 = arith.constant 0 : i32
      %dma_wait3A_108 = tpu.memref_slice %arg6[%add3A_90, %dma_wait3A_107] : memref<10240x128xf32, #tpu.memory_space<vmem_shared>> -> memref<80x128xf32, #tpu.memory_space<vmem_shared>>
      tpu.wait_dma2 semaphore(%run_scoped3A : memref<!tpu.dma_semaphore, #tpu.memory_space<semaphore_mem>>) src(%dma_wait3A_108 : memref<80x128xf32, #tpu.memory_space<vmem_shared>>) dst(%arg11 : memref<80x128xf32, #tpu.memory_space<vmem>>)
      tpu.yield
    }) : () -> ()
    "tpu.region"() ({
      %run_scoped3A = tpu.sem_alloc : memref<!tpu.dma_semaphore, #tpu.memory_space<semaphore_mem>>
      %dma_start3A_101 = arith.constant 0 : i32
      %dma_start3A_102 = tpu.memref_slice %arg5[%arg0, %add3A_90, %dma_start3A_101] : memref<2x10240x128xf32, #tpu.memory_space<hbm>> -> memref<1x80x128xf32, #tpu.memory_space<hbm>>
      %dma_start3A_103 = tpu.memref_squeeze %dma_start3A_102 : memref<1x80x128xf32, #tpu.memory_space<hbm>> -> memref<80x128xf32, #tpu.memory_space<hbm>>
      %dma_start3A_104 = arith.constant 0 : i32
      %dma_start3A_105 = tpu.memref_slice %arg5[%arg0, %add3A_90, %dma_start3A_104] : memref<2x10240x128xf32, #tpu.memory_space<hbm>> -> memref<1x80x128xf32, #tpu.memory_space<hbm>>
      %dma_start3A_106 = tpu.memref_squeeze %dma_start3A_105 : memref<1x80x128xf32, #tpu.memory_space<hbm>> -> memref<80x128xf32, #tpu.memory_space<hbm>>
      tpu.enqueue_dma source(%arg11 : memref<80x128xf32, #tpu.memory_space<vmem>>) target(%dma_start3A_106 : memref<80x128xf32, #tpu.memory_space<hbm>>) target_semaphore(%run_scoped3A : memref<!tpu.dma_semaphore, #tpu.memory_space<semaphore_mem>>)
      %dma_wait3A_107 = arith.constant 0 : i32
      %dma_wait3A_108 = tpu.memref_slice %arg5[%arg0, %add3A_90, %dma_wait3A_107] : memref<2x10240x128xf32, #tpu.memory_space<hbm>> -> memref<1x80x128xf32, #tpu.memory_space<hbm>>
      %dma_wait3A_109 = tpu.memref_squeeze %dma_wait3A_108 : memref<1x80x128xf32, #tpu.memory_space<hbm>> -> memref<80x128xf32, #tpu.memory_space<hbm>>
      %dma_wait3A_110 = arith.constant 0 : i32
      %dma_wait3A_111 = tpu.memref_slice %arg5[%arg0, %add3A_90, %dma_wait3A_110] : memref<2x10240x128xf32, #tpu.memory_space<hbm>> -> memref<1x80x128xf32, #tpu.memory_space<hbm>>
      %dma_wait3A_112 = tpu.memref_squeeze %dma_wait3A_111 : memref<1x80x128xf32, #tpu.memory_space<hbm>> -> memref<80x128xf32, #tpu.memory_space<hbm>>
      tpu.wait_dma2 semaphore(%run_scoped3A : memref<!tpu.dma_semaphore, #tpu.memory_space<semaphore_mem>>) src(%arg11 : memref<80x128xf32, #tpu.memory_space<vmem>>) dst(%dma_wait3A_112 : memref<80x128xf32, #tpu.memory_space<hbm>>)
      tpu.yield
    }) : () -> ()
    %add3A_91 = arith.constant 240 : i32
    %add3A_92 = arith.addi %mul3A_6, %add3A_91 : i32
    "tpu.region"() ({
      %run_scoped3A = tpu.sem_alloc : memref<!tpu.dma_semaphore, #tpu.memory_space<semaphore_mem>>
      %dma_start3A_101 = arith.constant 0 : i32
      %dma_start3A_102 = tpu.memref_slice %arg6[%add3A_92, %dma_start3A_101] : memref<10240x128xf32, #tpu.memory_space<vmem_shared>> -> memref<80x128xf32, #tpu.memory_space<vmem_shared>>
      %dma_start3A_103 = arith.constant 0 : i32
      %dma_start3A_104 = tpu.memref_slice %arg6[%add3A_92, %dma_start3A_103] : memref<10240x128xf32, #tpu.memory_space<vmem_shared>> -> memref<80x128xf32, #tpu.memory_space<vmem_shared>>
      tpu.enqueue_dma source(%dma_start3A_104 : memref<80x128xf32, #tpu.memory_space<vmem_shared>>) target(%arg11 : memref<80x128xf32, #tpu.memory_space<vmem>>) target_semaphore(%run_scoped3A : memref<!tpu.dma_semaphore, #tpu.memory_space<semaphore_mem>>)
      %dma_wait3A_105 = arith.constant 0 : i32
      %dma_wait3A_106 = tpu.memref_slice %arg6[%add3A_92, %dma_wait3A_105] : memref<10240x128xf32, #tpu.memory_space<vmem_shared>> -> memref<80x128xf32, #tpu.memory_space<vmem_shared>>
      %dma_wait3A_107 = arith.constant 0 : i32
      %dma_wait3A_108 = tpu.memref_slice %arg6[%add3A_92, %dma_wait3A_107] : memref<10240x128xf32, #tpu.memory_space<vmem_shared>> -> memref<80x128xf32, #tpu.memory_space<vmem_shared>>
      tpu.wait_dma2 semaphore(%run_scoped3A : memref<!tpu.dma_semaphore, #tpu.memory_space<semaphore_mem>>) src(%dma_wait3A_108 : memref<80x128xf32, #tpu.memory_space<vmem_shared>>) dst(%arg11 : memref<80x128xf32, #tpu.memory_space<vmem>>)
      tpu.yield
    }) : () -> ()
    "tpu.region"() ({
      %run_scoped3A = tpu.sem_alloc : memref<!tpu.dma_semaphore, #tpu.memory_space<semaphore_mem>>
      %dma_start3A_101 = arith.constant 0 : i32
      %dma_start3A_102 = tpu.memref_slice %arg5[%arg0, %add3A_92, %dma_start3A_101] : memref<2x10240x128xf32, #tpu.memory_space<hbm>> -> memref<1x80x128xf32, #tpu.memory_space<hbm>>
      %dma_start3A_103 = tpu.memref_squeeze %dma_start3A_102 : memref<1x80x128xf32, #tpu.memory_space<hbm>> -> memref<80x128xf32, #tpu.memory_space<hbm>>
      %dma_start3A_104 = arith.constant 0 : i32
      %dma_start3A_105 = tpu.memref_slice %arg5[%arg0, %add3A_92, %dma_start3A_104] : memref<2x10240x128xf32, #tpu.memory_space<hbm>> -> memref<1x80x128xf32, #tpu.memory_space<hbm>>
      %dma_start3A_106 = tpu.memref_squeeze %dma_start3A_105 : memref<1x80x128xf32, #tpu.memory_space<hbm>> -> memref<80x128xf32, #tpu.memory_space<hbm>>
      tpu.enqueue_dma source(%arg11 : memref<80x128xf32, #tpu.memory_space<vmem>>) target(%dma_start3A_106 : memref<80x128xf32, #tpu.memory_space<hbm>>) target_semaphore(%run_scoped3A : memref<!tpu.dma_semaphore, #tpu.memory_space<semaphore_mem>>)
      %dma_wait3A_107 = arith.constant 0 : i32
      %dma_wait3A_108 = tpu.memref_slice %arg5[%arg0, %add3A_92, %dma_wait3A_107] : memref<2x10240x128xf32, #tpu.memory_space<hbm>> -> memref<1x80x128xf32, #tpu.memory_space<hbm>>
      %dma_wait3A_109 = tpu.memref_squeeze %dma_wait3A_108 : memref<1x80x128xf32, #tpu.memory_space<hbm>> -> memref<80x128xf32, #tpu.memory_space<hbm>>
      %dma_wait3A_110 = arith.constant 0 : i32
      %dma_wait3A_111 = tpu.memref_slice %arg5[%arg0, %add3A_92, %dma_wait3A_110] : memref<2x10240x128xf32, #tpu.memory_space<hbm>> -> memref<1x80x128xf32, #tpu.memory_space<hbm>>
      %dma_wait3A_112 = tpu.memref_squeeze %dma_wait3A_111 : memref<1x80x128xf32, #tpu.memory_space<hbm>> -> memref<80x128xf32, #tpu.memory_space<hbm>>
      tpu.wait_dma2 semaphore(%run_scoped3A : memref<!tpu.dma_semaphore, #tpu.memory_space<semaphore_mem>>) src(%arg11 : memref<80x128xf32, #tpu.memory_space<vmem>>) dst(%dma_wait3A_112 : memref<80x128xf32, #tpu.memory_space<hbm>>)
      tpu.yield
    }) : () -> ()
    %add3A_93 = arith.constant 320 : i32
    %add3A_94 = arith.addi %mul3A_6, %add3A_93 : i32
    "tpu.region"() ({
      %run_scoped3A = tpu.sem_alloc : memref<!tpu.dma_semaphore, #tpu.memory_space<semaphore_mem>>
      %dma_start3A_101 = arith.constant 0 : i32
      %dma_start3A_102 = tpu.memref_slice %arg6[%add3A_94, %dma_start3A_101] : memref<10240x128xf32, #tpu.memory_space<vmem_shared>> -> memref<80x128xf32, #tpu.memory_space<vmem_shared>>
      %dma_start3A_103 = arith.constant 0 : i32
      %dma_start3A_104 = tpu.memref_slice %arg6[%add3A_94, %dma_start3A_103] : memref<10240x128xf32, #tpu.memory_space<vmem_shared>> -> memref<80x128xf32, #tpu.memory_space<vmem_shared>>
      tpu.enqueue_dma source(%dma_start3A_104 : memref<80x128xf32, #tpu.memory_space<vmem_shared>>) target(%arg11 : memref<80x128xf32, #tpu.memory_space<vmem>>) target_semaphore(%run_scoped3A : memref<!tpu.dma_semaphore, #tpu.memory_space<semaphore_mem>>)
      %dma_wait3A_105 = arith.constant 0 : i32
      %dma_wait3A_106 = tpu.memref_slice %arg6[%add3A_94, %dma_wait3A_105] : memref<10240x128xf32, #tpu.memory_space<vmem_shared>> -> memref<80x128xf32, #tpu.memory_space<vmem_shared>>
      %dma_wait3A_107 = arith.constant 0 : i32
      %dma_wait3A_108 = tpu.memref_slice %arg6[%add3A_94, %dma_wait3A_107] : memref<10240x128xf32, #tpu.memory_space<vmem_shared>> -> memref<80x128xf32, #tpu.memory_space<vmem_shared>>
      tpu.wait_dma2 semaphore(%run_scoped3A : memref<!tpu.dma_semaphore, #tpu.memory_space<semaphore_mem>>) src(%dma_wait3A_108 : memref<80x128xf32, #tpu.memory_space<vmem_shared>>) dst(%arg11 : memref<80x128xf32, #tpu.memory_space<vmem>>)
      tpu.yield
    }) : () -> ()
    "tpu.region"() ({
      %run_scoped3A = tpu.sem_alloc : memref<!tpu.dma_semaphore, #tpu.memory_space<semaphore_mem>>
      %dma_start3A_101 = arith.constant 0 : i32
      %dma_start3A_102 = tpu.memref_slice %arg5[%arg0, %add3A_94, %dma_start3A_101] : memref<2x10240x128xf32, #tpu.memory_space<hbm>> -> memref<1x80x128xf32, #tpu.memory_space<hbm>>
      %dma_start3A_103 = tpu.memref_squeeze %dma_start3A_102 : memref<1x80x128xf32, #tpu.memory_space<hbm>> -> memref<80x128xf32, #tpu.memory_space<hbm>>
      %dma_start3A_104 = arith.constant 0 : i32
      %dma_start3A_105 = tpu.memref_slice %arg5[%arg0, %add3A_94, %dma_start3A_104] : memref<2x10240x128xf32, #tpu.memory_space<hbm>> -> memref<1x80x128xf32, #tpu.memory_space<hbm>>
      %dma_start3A_106 = tpu.memref_squeeze %dma_start3A_105 : memref<1x80x128xf32, #tpu.memory_space<hbm>> -> memref<80x128xf32, #tpu.memory_space<hbm>>
      tpu.enqueue_dma source(%arg11 : memref<80x128xf32, #tpu.memory_space<vmem>>) target(%dma_start3A_106 : memref<80x128xf32, #tpu.memory_space<hbm>>) target_semaphore(%run_scoped3A : memref<!tpu.dma_semaphore, #tpu.memory_space<semaphore_mem>>)
      %dma_wait3A_107 = arith.constant 0 : i32
      %dma_wait3A_108 = tpu.memref_slice %arg5[%arg0, %add3A_94, %dma_wait3A_107] : memref<2x10240x128xf32, #tpu.memory_space<hbm>> -> memref<1x80x128xf32, #tpu.memory_space<hbm>>
      %dma_wait3A_109 = tpu.memref_squeeze %dma_wait3A_108 : memref<1x80x128xf32, #tpu.memory_space<hbm>> -> memref<80x128xf32, #tpu.memory_space<hbm>>
      %dma_wait3A_110 = arith.constant 0 : i32
      %dma_wait3A_111 = tpu.memref_slice %arg5[%arg0, %add3A_94, %dma_wait3A_110] : memref<2x10240x128xf32, #tpu.memory_space<hbm>> -> memref<1x80x128xf32, #tpu.memory_space<hbm>>
      %dma_wait3A_112 = tpu.memref_squeeze %dma_wait3A_111 : memref<1x80x128xf32, #tpu.memory_space<hbm>> -> memref<80x128xf32, #tpu.memory_space<hbm>>
      tpu.wait_dma2 semaphore(%run_scoped3A : memref<!tpu.dma_semaphore, #tpu.memory_space<semaphore_mem>>) src(%arg11 : memref<80x128xf32, #tpu.memory_space<vmem>>) dst(%dma_wait3A_112 : memref<80x128xf32, #tpu.memory_space<hbm>>)
      tpu.yield
    }) : () -> ()
    %add3A_95 = arith.constant 400 : i32
    %add3A_96 = arith.addi %mul3A_6, %add3A_95 : i32
    "tpu.region"() ({
      %run_scoped3A = tpu.sem_alloc : memref<!tpu.dma_semaphore, #tpu.memory_space<semaphore_mem>>
      %dma_start3A_101 = arith.constant 0 : i32
      %dma_start3A_102 = tpu.memref_slice %arg6[%add3A_96, %dma_start3A_101] : memref<10240x128xf32, #tpu.memory_space<vmem_shared>> -> memref<80x128xf32, #tpu.memory_space<vmem_shared>>
      %dma_start3A_103 = arith.constant 0 : i32
      %dma_start3A_104 = tpu.memref_slice %arg6[%add3A_96, %dma_start3A_103] : memref<10240x128xf32, #tpu.memory_space<vmem_shared>> -> memref<80x128xf32, #tpu.memory_space<vmem_shared>>
      tpu.enqueue_dma source(%dma_start3A_104 : memref<80x128xf32, #tpu.memory_space<vmem_shared>>) target(%arg11 : memref<80x128xf32, #tpu.memory_space<vmem>>) target_semaphore(%run_scoped3A : memref<!tpu.dma_semaphore, #tpu.memory_space<semaphore_mem>>)
      %dma_wait3A_105 = arith.constant 0 : i32
      %dma_wait3A_106 = tpu.memref_slice %arg6[%add3A_96, %dma_wait3A_105] : memref<10240x128xf32, #tpu.memory_space<vmem_shared>> -> memref<80x128xf32, #tpu.memory_space<vmem_shared>>
      %dma_wait3A_107 = arith.constant 0 : i32
      %dma_wait3A_108 = tpu.memref_slice %arg6[%add3A_96, %dma_wait3A_107] : memref<10240x128xf32, #tpu.memory_space<vmem_shared>> -> memref<80x128xf32, #tpu.memory_space<vmem_shared>>
      tpu.wait_dma2 semaphore(%run_scoped3A : memref<!tpu.dma_semaphore, #tpu.memory_space<semaphore_mem>>) src(%dma_wait3A_108 : memref<80x128xf32, #tpu.memory_space<vmem_shared>>) dst(%arg11 : memref<80x128xf32, #tpu.memory_space<vmem>>)
      tpu.yield
    }) : () -> ()
    "tpu.region"() ({
      %run_scoped3A = tpu.sem_alloc : memref<!tpu.dma_semaphore, #tpu.memory_space<semaphore_mem>>
      %dma_start3A_101 = arith.constant 0 : i32
      %dma_start3A_102 = tpu.memref_slice %arg5[%arg0, %add3A_96, %dma_start3A_101] : memref<2x10240x128xf32, #tpu.memory_space<hbm>> -> memref<1x80x128xf32, #tpu.memory_space<hbm>>
      %dma_start3A_103 = tpu.memref_squeeze %dma_start3A_102 : memref<1x80x128xf32, #tpu.memory_space<hbm>> -> memref<80x128xf32, #tpu.memory_space<hbm>>
      %dma_start3A_104 = arith.constant 0 : i32
      %dma_start3A_105 = tpu.memref_slice %arg5[%arg0, %add3A_96, %dma_start3A_104] : memref<2x10240x128xf32, #tpu.memory_space<hbm>> -> memref<1x80x128xf32, #tpu.memory_space<hbm>>
      %dma_start3A_106 = tpu.memref_squeeze %dma_start3A_105 : memref<1x80x128xf32, #tpu.memory_space<hbm>> -> memref<80x128xf32, #tpu.memory_space<hbm>>
      tpu.enqueue_dma source(%arg11 : memref<80x128xf32, #tpu.memory_space<vmem>>) target(%dma_start3A_106 : memref<80x128xf32, #tpu.memory_space<hbm>>) target_semaphore(%run_scoped3A : memref<!tpu.dma_semaphore, #tpu.memory_space<semaphore_mem>>)
      %dma_wait3A_107 = arith.constant 0 : i32
      %dma_wait3A_108 = tpu.memref_slice %arg5[%arg0, %add3A_96, %dma_wait3A_107] : memref<2x10240x128xf32, #tpu.memory_space<hbm>> -> memref<1x80x128xf32, #tpu.memory_space<hbm>>
      %dma_wait3A_109 = tpu.memref_squeeze %dma_wait3A_108 : memref<1x80x128xf32, #tpu.memory_space<hbm>> -> memref<80x128xf32, #tpu.memory_space<hbm>>
      %dma_wait3A_110 = arith.constant 0 : i32
      %dma_wait3A_111 = tpu.memref_slice %arg5[%arg0, %add3A_96, %dma_wait3A_110] : memref<2x10240x128xf32, #tpu.memory_space<hbm>> -> memref<1x80x128xf32, #tpu.memory_space<hbm>>
      %dma_wait3A_112 = tpu.memref_squeeze %dma_wait3A_111 : memref<1x80x128xf32, #tpu.memory_space<hbm>> -> memref<80x128xf32, #tpu.memory_space<hbm>>
      tpu.wait_dma2 semaphore(%run_scoped3A : memref<!tpu.dma_semaphore, #tpu.memory_space<semaphore_mem>>) src(%arg11 : memref<80x128xf32, #tpu.memory_space<vmem>>) dst(%dma_wait3A_112 : memref<80x128xf32, #tpu.memory_space<hbm>>)
      tpu.yield
    }) : () -> ()
    %add3A_97 = arith.constant 480 : i32
    %add3A_98 = arith.addi %mul3A_6, %add3A_97 : i32
    "tpu.region"() ({
      %run_scoped3A = tpu.sem_alloc : memref<!tpu.dma_semaphore, #tpu.memory_space<semaphore_mem>>
      %dma_start3A_101 = arith.constant 0 : i32
      %dma_start3A_102 = tpu.memref_slice %arg6[%add3A_98, %dma_start3A_101] : memref<10240x128xf32, #tpu.memory_space<vmem_shared>> -> memref<80x128xf32, #tpu.memory_space<vmem_shared>>
      %dma_start3A_103 = arith.constant 0 : i32
      %dma_start3A_104 = tpu.memref_slice %arg6[%add3A_98, %dma_start3A_103] : memref<10240x128xf32, #tpu.memory_space<vmem_shared>> -> memref<80x128xf32, #tpu.memory_space<vmem_shared>>
      tpu.enqueue_dma source(%dma_start3A_104 : memref<80x128xf32, #tpu.memory_space<vmem_shared>>) target(%arg11 : memref<80x128xf32, #tpu.memory_space<vmem>>) target_semaphore(%run_scoped3A : memref<!tpu.dma_semaphore, #tpu.memory_space<semaphore_mem>>)
      %dma_wait3A_105 = arith.constant 0 : i32
      %dma_wait3A_106 = tpu.memref_slice %arg6[%add3A_98, %dma_wait3A_105] : memref<10240x128xf32, #tpu.memory_space<vmem_shared>> -> memref<80x128xf32, #tpu.memory_space<vmem_shared>>
      %dma_wait3A_107 = arith.constant 0 : i32
      %dma_wait3A_108 = tpu.memref_slice %arg6[%add3A_98, %dma_wait3A_107] : memref<10240x128xf32, #tpu.memory_space<vmem_shared>> -> memref<80x128xf32, #tpu.memory_space<vmem_shared>>
      tpu.wait_dma2 semaphore(%run_scoped3A : memref<!tpu.dma_semaphore, #tpu.memory_space<semaphore_mem>>) src(%dma_wait3A_108 : memref<80x128xf32, #tpu.memory_space<vmem_shared>>) dst(%arg11 : memref<80x128xf32, #tpu.memory_space<vmem>>)
      tpu.yield
    }) : () -> ()
    "tpu.region"() ({
      %run_scoped3A = tpu.sem_alloc : memref<!tpu.dma_semaphore, #tpu.memory_space<semaphore_mem>>
      %dma_start3A_101 = arith.constant 0 : i32
      %dma_start3A_102 = tpu.memref_slice %arg5[%arg0, %add3A_98, %dma_start3A_101] : memref<2x10240x128xf32, #tpu.memory_space<hbm>> -> memref<1x80x128xf32, #tpu.memory_space<hbm>>
      %dma_start3A_103 = tpu.memref_squeeze %dma_start3A_102 : memref<1x80x128xf32, #tpu.memory_space<hbm>> -> memref<80x128xf32, #tpu.memory_space<hbm>>
      %dma_start3A_104 = arith.constant 0 : i32
      %dma_start3A_105 = tpu.memref_slice %arg5[%arg0, %add3A_98, %dma_start3A_104] : memref<2x10240x128xf32, #tpu.memory_space<hbm>> -> memref<1x80x128xf32, #tpu.memory_space<hbm>>
      %dma_start3A_106 = tpu.memref_squeeze %dma_start3A_105 : memref<1x80x128xf32, #tpu.memory_space<hbm>> -> memref<80x128xf32, #tpu.memory_space<hbm>>
      tpu.enqueue_dma source(%arg11 : memref<80x128xf32, #tpu.memory_space<vmem>>) target(%dma_start3A_106 : memref<80x128xf32, #tpu.memory_space<hbm>>) target_semaphore(%run_scoped3A : memref<!tpu.dma_semaphore, #tpu.memory_space<semaphore_mem>>)
      %dma_wait3A_107 = arith.constant 0 : i32
      %dma_wait3A_108 = tpu.memref_slice %arg5[%arg0, %add3A_98, %dma_wait3A_107] : memref<2x10240x128xf32, #tpu.memory_space<hbm>> -> memref<1x80x128xf32, #tpu.memory_space<hbm>>
      %dma_wait3A_109 = tpu.memref_squeeze %dma_wait3A_108 : memref<1x80x128xf32, #tpu.memory_space<hbm>> -> memref<80x128xf32, #tpu.memory_space<hbm>>
      %dma_wait3A_110 = arith.constant 0 : i32
      %dma_wait3A_111 = tpu.memref_slice %arg5[%arg0, %add3A_98, %dma_wait3A_110] : memref<2x10240x128xf32, #tpu.memory_space<hbm>> -> memref<1x80x128xf32, #tpu.memory_space<hbm>>
      %dma_wait3A_112 = tpu.memref_squeeze %dma_wait3A_111 : memref<1x80x128xf32, #tpu.memory_space<hbm>> -> memref<80x128xf32, #tpu.memory_space<hbm>>
      tpu.wait_dma2 semaphore(%run_scoped3A : memref<!tpu.dma_semaphore, #tpu.memory_space<semaphore_mem>>) src(%arg11 : memref<80x128xf32, #tpu.memory_space<vmem>>) dst(%dma_wait3A_112 : memref<80x128xf32, #tpu.memory_space<hbm>>)
      tpu.yield
    }) : () -> ()
    %add3A_99 = arith.constant 560 : i32
    %add3A_100 = arith.addi %mul3A_6, %add3A_99 : i32
    "tpu.region"() ({
      %run_scoped3A = tpu.sem_alloc : memref<!tpu.dma_semaphore, #tpu.memory_space<semaphore_mem>>
      %dma_start3A_101 = arith.constant 0 : i32
      %dma_start3A_102 = tpu.memref_slice %arg6[%add3A_100, %dma_start3A_101] : memref<10240x128xf32, #tpu.memory_space<vmem_shared>> -> memref<80x128xf32, #tpu.memory_space<vmem_shared>>
      %dma_start3A_103 = arith.constant 0 : i32
      %dma_start3A_104 = tpu.memref_slice %arg6[%add3A_100, %dma_start3A_103] : memref<10240x128xf32, #tpu.memory_space<vmem_shared>> -> memref<80x128xf32, #tpu.memory_space<vmem_shared>>
      tpu.enqueue_dma source(%dma_start3A_104 : memref<80x128xf32, #tpu.memory_space<vmem_shared>>) target(%arg11 : memref<80x128xf32, #tpu.memory_space<vmem>>) target_semaphore(%run_scoped3A : memref<!tpu.dma_semaphore, #tpu.memory_space<semaphore_mem>>)
      %dma_wait3A_105 = arith.constant 0 : i32
      %dma_wait3A_106 = tpu.memref_slice %arg6[%add3A_100, %dma_wait3A_105] : memref<10240x128xf32, #tpu.memory_space<vmem_shared>> -> memref<80x128xf32, #tpu.memory_space<vmem_shared>>
      %dma_wait3A_107 = arith.constant 0 : i32
      %dma_wait3A_108 = tpu.memref_slice %arg6[%add3A_100, %dma_wait3A_107] : memref<10240x128xf32, #tpu.memory_space<vmem_shared>> -> memref<80x128xf32, #tpu.memory_space<vmem_shared>>
      tpu.wait_dma2 semaphore(%run_scoped3A : memref<!tpu.dma_semaphore, #tpu.memory_space<semaphore_mem>>) src(%dma_wait3A_108 : memref<80x128xf32, #tpu.memory_space<vmem_shared>>) dst(%arg11 : memref<80x128xf32, #tpu.memory_space<vmem>>)
      tpu.yield
    }) : () -> ()
    "tpu.region"() ({
      %run_scoped3A = tpu.sem_alloc : memref<!tpu.dma_semaphore, #tpu.memory_space<semaphore_mem>>
      %dma_start3A_101 = arith.constant 0 : i32
      %dma_start3A_102 = tpu.memref_slice %arg5[%arg0, %add3A_100, %dma_start3A_101] : memref<2x10240x128xf32, #tpu.memory_space<hbm>> -> memref<1x80x128xf32, #tpu.memory_space<hbm>>
      %dma_start3A_103 = tpu.memref_squeeze %dma_start3A_102 : memref<1x80x128xf32, #tpu.memory_space<hbm>> -> memref<80x128xf32, #tpu.memory_space<hbm>>
      %dma_start3A_104 = arith.constant 0 : i32
      %dma_start3A_105 = tpu.memref_slice %arg5[%arg0, %add3A_100, %dma_start3A_104] : memref<2x10240x128xf32, #tpu.memory_space<hbm>> -> memref<1x80x128xf32, #tpu.memory_space<hbm>>
      %dma_start3A_106 = tpu.memref_squeeze %dma_start3A_105 : memref<1x80x128xf32, #tpu.memory_space<hbm>> -> memref<80x128xf32, #tpu.memory_space<hbm>>
      tpu.enqueue_dma source(%arg11 : memref<80x128xf32, #tpu.memory_space<vmem>>) target(%dma_start3A_106 : memref<80x128xf32, #tpu.memory_space<hbm>>) target_semaphore(%run_scoped3A : memref<!tpu.dma_semaphore, #tpu.memory_space<semaphore_mem>>)
      %dma_wait3A_107 = arith.constant 0 : i32
      %dma_wait3A_108 = tpu.memref_slice %arg5[%arg0, %add3A_100, %dma_wait3A_107] : memref<2x10240x128xf32, #tpu.memory_space<hbm>> -> memref<1x80x128xf32, #tpu.memory_space<hbm>>
      %dma_wait3A_109 = tpu.memref_squeeze %dma_wait3A_108 : memref<1x80x128xf32, #tpu.memory_space<hbm>> -> memref<80x128xf32, #tpu.memory_space<hbm>>
      %dma_wait3A_110 = arith.constant 0 : i32
      %dma_wait3A_111 = tpu.memref_slice %arg5[%arg0, %add3A_100, %dma_wait3A_110] : memref<2x10240x128xf32, #tpu.memory_space<hbm>> -> memref<1x80x128xf32, #tpu.memory_space<hbm>>
      %dma_wait3A_112 = tpu.memref_squeeze %dma_wait3A_111 : memref<1x80x128xf32, #tpu.memory_space<hbm>> -> memref<80x128xf32, #tpu.memory_space<hbm>>
      tpu.wait_dma2 semaphore(%run_scoped3A : memref<!tpu.dma_semaphore, #tpu.memory_space<semaphore_mem>>) src(%arg11 : memref<80x128xf32, #tpu.memory_space<vmem>>) dst(%dma_wait3A_112 : memref<80x128xf32, #tpu.memory_space<hbm>>)
      tpu.yield
    }) : () -> ()
    return
  }
}

#map = affine_map<(d0, d1) -> (0, 0)>
#map1 = affine_map<(d0, d1) -> (0, 0, 0)>
#map2 = affine_map<(d0, d1) -> (0)>
module attributes {stable_mosaic.version = 14 : i64} {
  func.func @sc_agg(%arg0: i32, %arg1: i32, %arg2: memref<10240x128xf32, #tpu.memory_space<hbm>>, %arg3: memref<32x125x80xi32, #tpu.memory_space<hbm>>, %arg4: memref<320000xi32, #tpu.memory_space<hbm>>, %arg5: memref<2x10240x128xf32, #tpu.memory_space<hbm>>, %arg6: memref<10240x128xf32, #tpu.memory_space<vmem_shared>>, %arg7: memref<125x80xi32, #tpu.memory_space<vmem>>, %arg8: memref<80xi32, #tpu.memory_space<vmem>>, %arg9: memref<80xi32, #tpu.memory_space<vmem>>, %arg10: memref<80xi32, #tpu.memory_space<vmem>>, %arg11: memref<80x128xf32, #tpu.memory_space<vmem>>, %arg12: memref<80x128xf32, #tpu.memory_space<vmem>>, %arg13: memref<80x128xf32, #tpu.memory_space<vmem>>, %arg14: memref<!tpu.dma_semaphore, #tpu.memory_space<semaphore_mem>>, %arg15: memref<!tpu.dma_semaphore, #tpu.memory_space<semaphore_mem>>, %arg16: memref<!tpu.dma_semaphore, #tpu.memory_space<semaphore_mem>>, %arg17: memref<!tpu.dma_semaphore, #tpu.memory_space<semaphore_mem>>, %arg18: memref<!tpu.dma_semaphore, #tpu.memory_space<semaphore_mem>>, %arg19: memref<!tpu.dma_semaphore, #tpu.memory_space<semaphore_mem>>) attributes {dimension_semantics = [#tpu.dimension_semantics<core_parallel>, #tpu.dimension_semantics<subcore_parallel>], iteration_bounds = array<i64: 2, 16>, scalar_prefetch = 0 : i64, scratch_operands = 14 : i64, tpu.core_type = #tpu.core_type<sc_vector_subcore>, window_params = [{transform_indices = #map}, {transform_indices = #map1}, {transform_indices = #map2}, {transform_indices = #map1}]} {
    %mul3A = arith.constant 2 : i32
    %mul3A_0 = arith.muli %arg1, %mul3A : i32
    %add3A = arith.addi %mul3A_0, %arg0 : i32
    %scan3A = arith.constant 0 : i32
    %scan3A_1 = arith.constant 640 : i32
    %scan3A_2 = arith.addi %scan3A, %scan3A_1 : i32
    %scan3A_3 = arith.constant 1 : i32
    scf.for %scan3A_101 = %scan3A to %scan3A_2 step %scan3A_3  : i32 {
      %broadcast_in_dim3A = arith.constant 0.000000e+00 : f32
      %broadcast_in_dim3A_102 = vector.broadcast %broadcast_in_dim3A : f32 to vector<16xf32>
      %jit3A = arith.constant 8 : i32
      %div3A = arith.divsi %scan3A_101, %jit3A : i32
      %sign3A = arith.constant 0 : i32
      %sign3A_103 = arith.cmpi sgt, %scan3A_101, %sign3A : i32
      %sign3A_104 = arith.extui %sign3A_103 : i1 to i32
      %sign3A_105 = arith.constant 0 : i32
      %sign3A_106 = arith.cmpi slt, %scan3A_101, %sign3A_105 : i32
      %sign3A_107 = arith.extui %sign3A_106 : i1 to i32
      %sign3A_108 = arith.subi %sign3A_104, %sign3A_107 : i32
      %sign3A_109 = arith.constant 0 : i32
      %sign3A_110 = arith.cmpi sgt, %jit3A, %sign3A_109 : i32
      %sign3A_111 = arith.extui %sign3A_110 : i1 to i32
      %sign3A_112 = arith.constant 0 : i32
      %sign3A_113 = arith.cmpi slt, %jit3A, %sign3A_112 : i32
      %sign3A_114 = arith.extui %sign3A_113 : i1 to i32
      %sign3A_115 = arith.subi %sign3A_111, %sign3A_114 : i32
      %ne3A = arith.cmpi ne, %sign3A_108, %sign3A_115 : i32
      %rem3A = arith.remsi %scan3A_101, %jit3A : i32
      %ne3A_116 = arith.constant 0 : i32
      %ne3A_117 = arith.cmpi ne, %rem3A, %ne3A_116 : i32
      %and3A = arith.andi %ne3A, %ne3A_117 : i1
      %sub3A = arith.constant 1 : i32
      %sub3A_118 = arith.subi %div3A, %sub3A : i32
      %select_n3A = arith.select %and3A, %sub3A_118, %div3A : i32
      %jit3A_119 = arith.constant 8 : i32
      %eq3A = arith.constant 0 : i32
      %eq3A_120 = arith.cmpi eq, %jit3A_119, %eq3A : i32
      %jit3A_121 = arith.constant 1 : i32
      %select_n3A_122 = arith.select %eq3A_120, %jit3A_121, %jit3A_119 : i32
      %rem3A_123 = arith.remsi %scan3A_101, %select_n3A_122 : i32
      %ne3A_124 = arith.constant 0 : i32
      %ne3A_125 = arith.cmpi ne, %rem3A_123, %ne3A_124 : i32
      %lt3A = arith.constant 0 : i32
      %lt3A_126 = arith.cmpi slt, %rem3A_123, %lt3A : i32
      %lt3A_127 = arith.constant 0 : i32
      %lt3A_128 = arith.cmpi slt, %select_n3A_122, %lt3A_127 : i32
      %ne3A_129 = arith.xori %lt3A_126, %lt3A_128 : i1
      %and3A_130 = arith.andi %ne3A_129, %ne3A_125 : i1
      %add3A_131 = arith.addi %rem3A_123, %select_n3A_122 : i32
      %select_n3A_132 = arith.select %and3A_130, %add3A_131, %rem3A_123 : i32
      %mul3A_133 = arith.constant 16 : i32
      %mul3A_134 = arith.muli %select_n3A_132, %mul3A_133 : i32
      %swap3A = arith.index_cast %select_n3A : i32 to index
      %swap3A_135 = arith.index_cast %mul3A_134 : i32 to index
      %swap3A_136 = tpu.vector_load %arg11[%swap3A, %swap3A_135] {strides = array<i32>} : memref<80x128xf32, #tpu.memory_space<vmem>>, vector<1x16xf32>,
      %swap3A_137 = vector.shape_cast %swap3A_136 : vector<1x16xf32> to vector<16xf32>
      %swap3A_138 = vector.shape_cast %broadcast_in_dim3A_102 : vector<16xf32> to vector<1x16xf32>
      tpu.vector_store %arg11[%swap3A, %swap3A_135], %swap3A_138 {strides = array<i32>} : memref<80x128xf32, #tpu.memory_space<vmem>>, vector<1x16xf32>,
    }
    %scan3A_4 = arith.constant 640 : i32
    %mul3A_5 = arith.constant 640 : i32
    %mul3A_6 = arith.muli %arg1, %mul3A_5 : i32
    %add3A_7 = arith.constant 0 : i32
    %add3A_8 = arith.addi %mul3A_6, %add3A_7 : i32
    "tpu.region"() ({
      %run_scoped3A = tpu.sem_alloc : memref<!tpu.dma_semaphore, #tpu.memory_space<semaphore_mem>>
      %dma_start3A_101 = arith.constant 0 : i32
      %dma_start3A_102 = tpu.memref_slice %arg6[%add3A_8, %dma_start3A_101] : memref<10240x128xf32, #tpu.memory_space<vmem_shared>> -> memref<80x128xf32, #tpu.memory_space<vmem_shared>>
      %dma_start3A_103 = arith.constant 0 : i32
      %dma_start3A_104 = tpu.memref_slice %arg6[%add3A_8, %dma_start3A_103] : memref<10240x128xf32, #tpu.memory_space<vmem_shared>> -> memref<80x128xf32, #tpu.memory_space<vmem_shared>>
      tpu.enqueue_dma source(%arg11 : memref<80x128xf32, #tpu.memory_space<vmem>>) target(%dma_start3A_104 : memref<80x128xf32, #tpu.memory_space<vmem_shared>>) target_semaphore(%run_scoped3A : memref<!tpu.dma_semaphore, #tpu.memory_space<semaphore_mem>>)
      %dma_wait3A_105 = arith.constant 0 : i32
      %dma_wait3A_106 = tpu.memref_slice %arg6[%add3A_8, %dma_wait3A_105] : memref<10240x128xf32, #tpu.memory_space<vmem_shared>> -> memref<80x128xf32, #tpu.memory_space<vmem_shared>>
      %dma_wait3A_107 = arith.constant 0 : i32
      %dma_wait3A_108 = tpu.memref_slice %arg6[%add3A_8, %dma_wait3A_107] : memref<10240x128xf32, #tpu.memory_space<vmem_shared>> -> memref<80x128xf32, #tpu.memory_space<vmem_shared>>
      tpu.wait_dma2 semaphore(%run_scoped3A : memref<!tpu.dma_semaphore, #tpu.memory_space<semaphore_mem>>) src(%arg11 : memref<80x128xf32, #tpu.memory_space<vmem>>) dst(%dma_wait3A_108 : memref<80x128xf32, #tpu.memory_space<vmem_shared>>)
      tpu.yield
    }) : () -> ()
    %add3A_9 = arith.constant 80 : i32
    %add3A_10 = arith.addi %mul3A_6, %add3A_9 : i32
    "tpu.region"() ({
      %run_scoped3A = tpu.sem_alloc : memref<!tpu.dma_semaphore, #tpu.memory_space<semaphore_mem>>
      %dma_start3A_101 = arith.constant 0 : i32
      %dma_start3A_102 = tpu.memref_slice %arg6[%add3A_10, %dma_start3A_101] : memref<10240x128xf32, #tpu.memory_space<vmem_shared>> -> memref<80x128xf32, #tpu.memory_space<vmem_shared>>
      %dma_start3A_103 = arith.constant 0 : i32
      %dma_start3A_104 = tpu.memref_slice %arg6[%add3A_10, %dma_start3A_103] : memref<10240x128xf32, #tpu.memory_space<vmem_shared>> -> memref<80x128xf32, #tpu.memory_space<vmem_shared>>
      tpu.enqueue_dma source(%arg11 : memref<80x128xf32, #tpu.memory_space<vmem>>) target(%dma_start3A_104 : memref<80x128xf32, #tpu.memory_space<vmem_shared>>) target_semaphore(%run_scoped3A : memref<!tpu.dma_semaphore, #tpu.memory_space<semaphore_mem>>)
      %dma_wait3A_105 = arith.constant 0 : i32
      %dma_wait3A_106 = tpu.memref_slice %arg6[%add3A_10, %dma_wait3A_105] : memref<10240x128xf32, #tpu.memory_space<vmem_shared>> -> memref<80x128xf32, #tpu.memory_space<vmem_shared>>
      %dma_wait3A_107 = arith.constant 0 : i32
      %dma_wait3A_108 = tpu.memref_slice %arg6[%add3A_10, %dma_wait3A_107] : memref<10240x128xf32, #tpu.memory_space<vmem_shared>> -> memref<80x128xf32, #tpu.memory_space<vmem_shared>>
      tpu.wait_dma2 semaphore(%run_scoped3A : memref<!tpu.dma_semaphore, #tpu.memory_space<semaphore_mem>>) src(%arg11 : memref<80x128xf32, #tpu.memory_space<vmem>>) dst(%dma_wait3A_108 : memref<80x128xf32, #tpu.memory_space<vmem_shared>>)
      tpu.yield
    }) : () -> ()
    %add3A_11 = arith.constant 160 : i32
    %add3A_12 = arith.addi %mul3A_6, %add3A_11 : i32
    "tpu.region"() ({
      %run_scoped3A = tpu.sem_alloc : memref<!tpu.dma_semaphore, #tpu.memory_space<semaphore_mem>>
      %dma_start3A_101 = arith.constant 0 : i32
      %dma_start3A_102 = tpu.memref_slice %arg6[%add3A_12, %dma_start3A_101] : memref<10240x128xf32, #tpu.memory_space<vmem_shared>> -> memref<80x128xf32, #tpu.memory_space<vmem_shared>>
      %dma_start3A_103 = arith.constant 0 : i32
      %dma_start3A_104 = tpu.memref_slice %arg6[%add3A_12, %dma_start3A_103] : memref<10240x128xf32, #tpu.memory_space<vmem_shared>> -> memref<80x128xf32, #tpu.memory_space<vmem_shared>>
      tpu.enqueue_dma source(%arg11 : memref<80x128xf32, #tpu.memory_space<vmem>>) target(%dma_start3A_104 : memref<80x128xf32, #tpu.memory_space<vmem_shared>>) target_semaphore(%run_scoped3A : memref<!tpu.dma_semaphore, #tpu.memory_space<semaphore_mem>>)
      %dma_wait3A_105 = arith.constant 0 : i32
      %dma_wait3A_106 = tpu.memref_slice %arg6[%add3A_12, %dma_wait3A_105] : memref<10240x128xf32, #tpu.memory_space<vmem_shared>> -> memref<80x128xf32, #tpu.memory_space<vmem_shared>>
      %dma_wait3A_107 = arith.constant 0 : i32
      %dma_wait3A_108 = tpu.memref_slice %arg6[%add3A_12, %dma_wait3A_107] : memref<10240x128xf32, #tpu.memory_space<vmem_shared>> -> memref<80x128xf32, #tpu.memory_space<vmem_shared>>
      tpu.wait_dma2 semaphore(%run_scoped3A : memref<!tpu.dma_semaphore, #tpu.memory_space<semaphore_mem>>) src(%arg11 : memref<80x128xf32, #tpu.memory_space<vmem>>) dst(%dma_wait3A_108 : memref<80x128xf32, #tpu.memory_space<vmem_shared>>)
      tpu.yield
    }) : () -> ()
    %add3A_13 = arith.constant 240 : i32
    %add3A_14 = arith.addi %mul3A_6, %add3A_13 : i32
    "tpu.region"() ({
      %run_scoped3A = tpu.sem_alloc : memref<!tpu.dma_semaphore, #tpu.memory_space<semaphore_mem>>
      %dma_start3A_101 = arith.constant 0 : i32
      %dma_start3A_102 = tpu.memref_slice %arg6[%add3A_14, %dma_start3A_101] : memref<10240x128xf32, #tpu.memory_space<vmem_shared>> -> memref<80x128xf32, #tpu.memory_space<vmem_shared>>
      %dma_start3A_103 = arith.constant 0 : i32
      %dma_start3A_104 = tpu.memref_slice %arg6[%add3A_14, %dma_start3A_103] : memref<10240x128xf32, #tpu.memory_space<vmem_shared>> -> memref<80x128xf32, #tpu.memory_space<vmem_shared>>
      tpu.enqueue_dma source(%arg11 : memref<80x128xf32, #tpu.memory_space<vmem>>) target(%dma_start3A_104 : memref<80x128xf32, #tpu.memory_space<vmem_shared>>) target_semaphore(%run_scoped3A : memref<!tpu.dma_semaphore, #tpu.memory_space<semaphore_mem>>)
      %dma_wait3A_105 = arith.constant 0 : i32
      %dma_wait3A_106 = tpu.memref_slice %arg6[%add3A_14, %dma_wait3A_105] : memref<10240x128xf32, #tpu.memory_space<vmem_shared>> -> memref<80x128xf32, #tpu.memory_space<vmem_shared>>
      %dma_wait3A_107 = arith.constant 0 : i32
      %dma_wait3A_108 = tpu.memref_slice %arg6[%add3A_14, %dma_wait3A_107] : memref<10240x128xf32, #tpu.memory_space<vmem_shared>> -> memref<80x128xf32, #tpu.memory_space<vmem_shared>>
      tpu.wait_dma2 semaphore(%run_scoped3A : memref<!tpu.dma_semaphore, #tpu.memory_space<semaphore_mem>>) src(%arg11 : memref<80x128xf32, #tpu.memory_space<vmem>>) dst(%dma_wait3A_108 : memref<80x128xf32, #tpu.memory_space<vmem_shared>>)
      tpu.yield
    }) : () -> ()
    %add3A_15 = arith.constant 320 : i32
    %add3A_16 = arith.addi %mul3A_6, %add3A_15 : i32
    "tpu.region"() ({
      %run_scoped3A = tpu.sem_alloc : memref<!tpu.dma_semaphore, #tpu.memory_space<semaphore_mem>>
      %dma_start3A_101 = arith.constant 0 : i32
      %dma_start3A_102 = tpu.memref_slice %arg6[%add3A_16, %dma_start3A_101] : memref<10240x128xf32, #tpu.memory_space<vmem_shared>> -> memref<80x128xf32, #tpu.memory_space<vmem_shared>>
      %dma_start3A_103 = arith.constant 0 : i32
      %dma_start3A_104 = tpu.memref_slice %arg6[%add3A_16, %dma_start3A_103] : memref<10240x128xf32, #tpu.memory_space<vmem_shared>> -> memref<80x128xf32, #tpu.memory_space<vmem_shared>>
      tpu.enqueue_dma source(%arg11 : memref<80x128xf32, #tpu.memory_space<vmem>>) target(%dma_start3A_104 : memref<80x128xf32, #tpu.memory_space<vmem_shared>>) target_semaphore(%run_scoped3A : memref<!tpu.dma_semaphore, #tpu.memory_space<semaphore_mem>>)
      %dma_wait3A_105 = arith.constant 0 : i32
      %dma_wait3A_106 = tpu.memref_slice %arg6[%add3A_16, %dma_wait3A_105] : memref<10240x128xf32, #tpu.memory_space<vmem_shared>> -> memref<80x128xf32, #tpu.memory_space<vmem_shared>>
      %dma_wait3A_107 = arith.constant 0 : i32
      %dma_wait3A_108 = tpu.memref_slice %arg6[%add3A_16, %dma_wait3A_107] : memref<10240x128xf32, #tpu.memory_space<vmem_shared>> -> memref<80x128xf32, #tpu.memory_space<vmem_shared>>
      tpu.wait_dma2 semaphore(%run_scoped3A : memref<!tpu.dma_semaphore, #tpu.memory_space<semaphore_mem>>) src(%arg11 : memref<80x128xf32, #tpu.memory_space<vmem>>) dst(%dma_wait3A_108 : memref<80x128xf32, #tpu.memory_space<vmem_shared>>)
      tpu.yield
    }) : () -> ()
    %add3A_17 = arith.constant 400 : i32
    %add3A_18 = arith.addi %mul3A_6, %add3A_17 : i32
    "tpu.region"() ({
      %run_scoped3A = tpu.sem_alloc : memref<!tpu.dma_semaphore, #tpu.memory_space<semaphore_mem>>
      %dma_start3A_101 = arith.constant 0 : i32
      %dma_start3A_102 = tpu.memref_slice %arg6[%add3A_18, %dma_start3A_101] : memref<10240x128xf32, #tpu.memory_space<vmem_shared>> -> memref<80x128xf32, #tpu.memory_space<vmem_shared>>
      %dma_start3A_103 = arith.constant 0 : i32
      %dma_start3A_104 = tpu.memref_slice %arg6[%add3A_18, %dma_start3A_103] : memref<10240x128xf32, #tpu.memory_space<vmem_shared>> -> memref<80x128xf32, #tpu.memory_space<vmem_shared>>
      tpu.enqueue_dma source(%arg11 : memref<80x128xf32, #tpu.memory_space<vmem>>) target(%dma_start3A_104 : memref<80x128xf32, #tpu.memory_space<vmem_shared>>) target_semaphore(%run_scoped3A : memref<!tpu.dma_semaphore, #tpu.memory_space<semaphore_mem>>)
      %dma_wait3A_105 = arith.constant 0 : i32
      %dma_wait3A_106 = tpu.memref_slice %arg6[%add3A_18, %dma_wait3A_105] : memref<10240x128xf32, #tpu.memory_space<vmem_shared>> -> memref<80x128xf32, #tpu.memory_space<vmem_shared>>
      %dma_wait3A_107 = arith.constant 0 : i32
      %dma_wait3A_108 = tpu.memref_slice %arg6[%add3A_18, %dma_wait3A_107] : memref<10240x128xf32, #tpu.memory_space<vmem_shared>> -> memref<80x128xf32, #tpu.memory_space<vmem_shared>>
      tpu.wait_dma2 semaphore(%run_scoped3A : memref<!tpu.dma_semaphore, #tpu.memory_space<semaphore_mem>>) src(%arg11 : memref<80x128xf32, #tpu.memory_space<vmem>>) dst(%dma_wait3A_108 : memref<80x128xf32, #tpu.memory_space<vmem_shared>>)
      tpu.yield
    }) : () -> ()
    %add3A_19 = arith.constant 480 : i32
    %add3A_20 = arith.addi %mul3A_6, %add3A_19 : i32
    "tpu.region"() ({
      %run_scoped3A = tpu.sem_alloc : memref<!tpu.dma_semaphore, #tpu.memory_space<semaphore_mem>>
      %dma_start3A_101 = arith.constant 0 : i32
      %dma_start3A_102 = tpu.memref_slice %arg6[%add3A_20, %dma_start3A_101] : memref<10240x128xf32, #tpu.memory_space<vmem_shared>> -> memref<80x128xf32, #tpu.memory_space<vmem_shared>>
      %dma_start3A_103 = arith.constant 0 : i32
      %dma_start3A_104 = tpu.memref_slice %arg6[%add3A_20, %dma_start3A_103] : memref<10240x128xf32, #tpu.memory_space<vmem_shared>> -> memref<80x128xf32, #tpu.memory_space<vmem_shared>>
      tpu.enqueue_dma source(%arg11 : memref<80x128xf32, #tpu.memory_space<vmem>>) target(%dma_start3A_104 : memref<80x128xf32, #tpu.memory_space<vmem_shared>>) target_semaphore(%run_scoped3A : memref<!tpu.dma_semaphore, #tpu.memory_space<semaphore_mem>>)
      %dma_wait3A_105 = arith.constant 0 : i32
      %dma_wait3A_106 = tpu.memref_slice %arg6[%add3A_20, %dma_wait3A_105] : memref<10240x128xf32, #tpu.memory_space<vmem_shared>> -> memref<80x128xf32, #tpu.memory_space<vmem_shared>>
      %dma_wait3A_107 = arith.constant 0 : i32
      %dma_wait3A_108 = tpu.memref_slice %arg6[%add3A_20, %dma_wait3A_107] : memref<10240x128xf32, #tpu.memory_space<vmem_shared>> -> memref<80x128xf32, #tpu.memory_space<vmem_shared>>
      tpu.wait_dma2 semaphore(%run_scoped3A : memref<!tpu.dma_semaphore, #tpu.memory_space<semaphore_mem>>) src(%arg11 : memref<80x128xf32, #tpu.memory_space<vmem>>) dst(%dma_wait3A_108 : memref<80x128xf32, #tpu.memory_space<vmem_shared>>)
      tpu.yield
    }) : () -> ()
    %add3A_21 = arith.constant 560 : i32
    %add3A_22 = arith.addi %mul3A_6, %add3A_21 : i32
    "tpu.region"() ({
      %run_scoped3A = tpu.sem_alloc : memref<!tpu.dma_semaphore, #tpu.memory_space<semaphore_mem>>
      %dma_start3A_101 = arith.constant 0 : i32
      %dma_start3A_102 = tpu.memref_slice %arg6[%add3A_22, %dma_start3A_101] : memref<10240x128xf32, #tpu.memory_space<vmem_shared>> -> memref<80x128xf32, #tpu.memory_space<vmem_shared>>
      %dma_start3A_103 = arith.constant 0 : i32
      %dma_start3A_104 = tpu.memref_slice %arg6[%add3A_22, %dma_start3A_103] : memref<10240x128xf32, #tpu.memory_space<vmem_shared>> -> memref<80x128xf32, #tpu.memory_space<vmem_shared>>
      tpu.enqueue_dma source(%arg11 : memref<80x128xf32, #tpu.memory_space<vmem>>) target(%dma_start3A_104 : memref<80x128xf32, #tpu.memory_space<vmem_shared>>) target_semaphore(%run_scoped3A : memref<!tpu.dma_semaphore, #tpu.memory_space<semaphore_mem>>)
      %dma_wait3A_105 = arith.constant 0 : i32
      %dma_wait3A_106 = tpu.memref_slice %arg6[%add3A_22, %dma_wait3A_105] : memref<10240x128xf32, #tpu.memory_space<vmem_shared>> -> memref<80x128xf32, #tpu.memory_space<vmem_shared>>
      %dma_wait3A_107 = arith.constant 0 : i32
      %dma_wait3A_108 = tpu.memref_slice %arg6[%add3A_22, %dma_wait3A_107] : memref<10240x128xf32, #tpu.memory_space<vmem_shared>> -> memref<80x128xf32, #tpu.memory_space<vmem_shared>>
      tpu.wait_dma2 semaphore(%run_scoped3A : memref<!tpu.dma_semaphore, #tpu.memory_space<semaphore_mem>>) src(%arg11 : memref<80x128xf32, #tpu.memory_space<vmem>>) dst(%dma_wait3A_108 : memref<80x128xf32, #tpu.memory_space<vmem_shared>>)
      tpu.yield
    }) : () -> ()
    %barrier3A = arith.constant 0 : index
    tpu.barrier barrier_id(%barrier3A)
    "tpu.region"() ({
      %run_scoped3A = tpu.sem_alloc : memref<!tpu.dma_semaphore, #tpu.memory_space<semaphore_mem>>
      %dma_start3A_101 = arith.constant 0 : i32
      %dma_start3A_102 = arith.constant 0 : i32
      %dma_start3A_103 = tpu.memref_slice %arg3[%add3A, %dma_start3A_101, %dma_start3A_102] : memref<32x125x80xi32, #tpu.memory_space<hbm>> -> memref<1x125x80xi32, #tpu.memory_space<hbm>>
      %dma_start3A_104 = tpu.memref_squeeze %dma_start3A_103 : memref<1x125x80xi32, #tpu.memory_space<hbm>> -> memref<125x80xi32, #tpu.memory_space<hbm>>
      %dma_start3A_105 = arith.constant 0 : i32
      %dma_start3A_106 = arith.constant 0 : i32
      %dma_start3A_107 = tpu.memref_slice %arg3[%add3A, %dma_start3A_105, %dma_start3A_106] : memref<32x125x80xi32, #tpu.memory_space<hbm>> -> memref<1x125x80xi32, #tpu.memory_space<hbm>>
      %dma_start3A_108 = tpu.memref_squeeze %dma_start3A_107 : memref<1x125x80xi32, #tpu.memory_space<hbm>> -> memref<125x80xi32, #tpu.memory_space<hbm>>
      tpu.enqueue_dma source(%dma_start3A_108 : memref<125x80xi32, #tpu.memory_space<hbm>>) target(%arg7 : memref<125x80xi32, #tpu.memory_space<vmem>>) target_semaphore(%run_scoped3A : memref<!tpu.dma_semaphore, #tpu.memory_space<semaphore_mem>>)
      %dma_wait3A_109 = arith.constant 0 : i32
      %dma_wait3A_110 = arith.constant 0 : i32
      %dma_wait3A_111 = tpu.memref_slice %arg3[%add3A, %dma_wait3A_109, %dma_wait3A_110] : memref<32x125x80xi32, #tpu.memory_space<hbm>> -> memref<1x125x80xi32, #tpu.memory_space<hbm>>
      %dma_wait3A_112 = tpu.memref_squeeze %dma_wait3A_111 : memref<1x125x80xi32, #tpu.memory_space<hbm>> -> memref<125x80xi32, #tpu.memory_space<hbm>>
      %dma_wait3A_113 = arith.constant 0 : i32
      %dma_wait3A_114 = arith.constant 0 : i32
      %dma_wait3A_115 = tpu.memref_slice %arg3[%add3A, %dma_wait3A_113, %dma_wait3A_114] : memref<32x125x80xi32, #tpu.memory_space<hbm>> -> memref<1x125x80xi32, #tpu.memory_space<hbm>>
      %dma_wait3A_116 = tpu.memref_squeeze %dma_wait3A_115 : memref<1x125x80xi32, #tpu.memory_space<hbm>> -> memref<125x80xi32, #tpu.memory_space<hbm>>
      tpu.wait_dma2 semaphore(%run_scoped3A : memref<!tpu.dma_semaphore, #tpu.memory_space<semaphore_mem>>) src(%dma_wait3A_116 : memref<125x80xi32, #tpu.memory_space<hbm>>) dst(%arg7 : memref<125x80xi32, #tpu.memory_space<vmem>>)
      tpu.yield
    }) : () -> ()
    %mul3A_23 = arith.constant 10000 : i32
    %mul3A_24 = arith.muli %add3A, %mul3A_23 : i32
    %add3A_25 = arith.constant 0 : i32
    %add3A_26 = arith.addi %mul3A_24, %add3A_25 : i32
    "tpu.region"() ({
      %run_scoped3A = tpu.sem_alloc : memref<!tpu.dma_semaphore, #tpu.memory_space<semaphore_mem>>
      %dma_start3A_101 = tpu.memref_slice %arg4[%add3A_26] : memref<320000xi32, #tpu.memory_space<hbm>> -> memref<80xi32, #tpu.memory_space<hbm>>
      %dma_start3A_102 = tpu.memref_slice %arg4[%add3A_26] : memref<320000xi32, #tpu.memory_space<hbm>> -> memref<80xi32, #tpu.memory_space<hbm>>
      tpu.enqueue_dma source(%dma_start3A_102 : memref<80xi32, #tpu.memory_space<hbm>>) target(%arg8 : memref<80xi32, #tpu.memory_space<vmem>>) target_semaphore(%run_scoped3A : memref<!tpu.dma_semaphore, #tpu.memory_space<semaphore_mem>>)
      %dma_wait3A_103 = tpu.memref_slice %arg4[%add3A_26] : memref<320000xi32, #tpu.memory_space<hbm>> -> memref<80xi32, #tpu.memory_space<hbm>>
      %dma_wait3A_104 = tpu.memref_slice %arg4[%add3A_26] : memref<320000xi32, #tpu.memory_space<hbm>> -> memref<80xi32, #tpu.memory_space<hbm>>
      tpu.wait_dma2 semaphore(%run_scoped3A : memref<!tpu.dma_semaphore, #tpu.memory_space<semaphore_mem>>) src(%dma_wait3A_104 : memref<80xi32, #tpu.memory_space<hbm>>) dst(%arg8 : memref<80xi32, #tpu.memory_space<vmem>>)
      tpu.yield
    }) : () -> ()
    %dma_start3A = arith.constant 0 : i32
    %dma_start3A_27 = arith.constant 0 : i32
    %dma_start3A_28 = tpu.memref_slice %arg7[%dma_start3A, %dma_start3A_27] : memref<125x80xi32, #tpu.memory_space<vmem>> -> memref<1x80xi32, #tpu.memory_space<vmem>>
    %dma_start3A_29 = tpu.memref_squeeze %dma_start3A_28 : memref<1x80xi32, #tpu.memory_space<vmem>> -> memref<80xi32, #tpu.memory_space<vmem>>
    %dma_start3A_30 = arith.constant 0 : i32
    %dma_start3A_31 = arith.constant 0 : i32
    %dma_start3A_32 = tpu.memref_slice %arg2[%dma_start3A_30, %dma_start3A_31] : memref<10240x128xf32, #tpu.memory_space<hbm>> -> memref<10240x128xf32, #tpu.memory_space<hbm>>
    tpu.enqueue_indirect_dma source(%dma_start3A_32 : memref<10240x128xf32, #tpu.memory_space<hbm>>) target(%arg11 : memref<80x128xf32, #tpu.memory_space<vmem>>) offsets(%dma_start3A_29 : memref<80xi32, #tpu.memory_space<vmem>>) semaphore(%arg14 : memref<!tpu.dma_semaphore, #tpu.memory_space<semaphore_mem>>)
    %add3A_33 = arith.constant 80 : i32
    %add3A_34 = arith.addi %mul3A_24, %add3A_33 : i32
    "tpu.region"() ({
      %run_scoped3A = tpu.sem_alloc : memref<!tpu.dma_semaphore, #tpu.memory_space<semaphore_mem>>
      %dma_start3A_101 = tpu.memref_slice %arg4[%add3A_34] : memref<320000xi32, #tpu.memory_space<hbm>> -> memref<80xi32, #tpu.memory_space<hbm>>
      %dma_start3A_102 = tpu.memref_slice %arg4[%add3A_34] : memref<320000xi32, #tpu.memory_space<hbm>> -> memref<80xi32, #tpu.memory_space<hbm>>
      tpu.enqueue_dma source(%dma_start3A_102 : memref<80xi32, #tpu.memory_space<hbm>>) target(%arg9 : memref<80xi32, #tpu.memory_space<vmem>>) target_semaphore(%run_scoped3A : memref<!tpu.dma_semaphore, #tpu.memory_space<semaphore_mem>>)
      %dma_wait3A_103 = tpu.memref_slice %arg4[%add3A_34] : memref<320000xi32, #tpu.memory_space<hbm>> -> memref<80xi32, #tpu.memory_space<hbm>>
      %dma_wait3A_104 = tpu.memref_slice %arg4[%add3A_34] : memref<320000xi32, #tpu.memory_space<hbm>> -> memref<80xi32, #tpu.memory_space<hbm>>
      tpu.wait_dma2 semaphore(%run_scoped3A : memref<!tpu.dma_semaphore, #tpu.memory_space<semaphore_mem>>) src(%dma_wait3A_104 : memref<80xi32, #tpu.memory_space<hbm>>) dst(%arg9 : memref<80xi32, #tpu.memory_space<vmem>>)
      tpu.yield
    }) : () -> ()
    %dma_start3A_35 = arith.constant 1 : i32
    %dma_start3A_36 = arith.constant 0 : i32
    %dma_start3A_37 = tpu.memref_slice %arg7[%dma_start3A_35, %dma_start3A_36] : memref<125x80xi32, #tpu.memory_space<vmem>> -> memref<1x80xi32, #tpu.memory_space<vmem>>
    %dma_start3A_38 = tpu.memref_squeeze %dma_start3A_37 : memref<1x80xi32, #tpu.memory_space<vmem>> -> memref<80xi32, #tpu.memory_space<vmem>>
    %dma_start3A_39 = arith.constant 0 : i32
    %dma_start3A_40 = arith.constant 0 : i32
    %dma_start3A_41 = tpu.memref_slice %arg2[%dma_start3A_39, %dma_start3A_40] : memref<10240x128xf32, #tpu.memory_space<hbm>> -> memref<10240x128xf32, #tpu.memory_space<hbm>>
    tpu.enqueue_indirect_dma source(%dma_start3A_41 : memref<10240x128xf32, #tpu.memory_space<hbm>>) target(%arg12 : memref<80x128xf32, #tpu.memory_space<vmem>>) offsets(%dma_start3A_38 : memref<80xi32, #tpu.memory_space<vmem>>) semaphore(%arg15 : memref<!tpu.dma_semaphore, #tpu.memory_space<semaphore_mem>>)
    %add3A_42 = arith.constant 160 : i32
    %add3A_43 = arith.addi %mul3A_24, %add3A_42 : i32
    "tpu.region"() ({
      %run_scoped3A = tpu.sem_alloc : memref<!tpu.dma_semaphore, #tpu.memory_space<semaphore_mem>>
      %dma_start3A_101 = tpu.memref_slice %arg4[%add3A_43] : memref<320000xi32, #tpu.memory_space<hbm>> -> memref<80xi32, #tpu.memory_space<hbm>>
      %dma_start3A_102 = tpu.memref_slice %arg4[%add3A_43] : memref<320000xi32, #tpu.memory_space<hbm>> -> memref<80xi32, #tpu.memory_space<hbm>>
      tpu.enqueue_dma source(%dma_start3A_102 : memref<80xi32, #tpu.memory_space<hbm>>) target(%arg10 : memref<80xi32, #tpu.memory_space<vmem>>) target_semaphore(%run_scoped3A : memref<!tpu.dma_semaphore, #tpu.memory_space<semaphore_mem>>)
      %dma_wait3A_103 = tpu.memref_slice %arg4[%add3A_43] : memref<320000xi32, #tpu.memory_space<hbm>> -> memref<80xi32, #tpu.memory_space<hbm>>
      %dma_wait3A_104 = tpu.memref_slice %arg4[%add3A_43] : memref<320000xi32, #tpu.memory_space<hbm>> -> memref<80xi32, #tpu.memory_space<hbm>>
      tpu.wait_dma2 semaphore(%run_scoped3A : memref<!tpu.dma_semaphore, #tpu.memory_space<semaphore_mem>>) src(%dma_wait3A_104 : memref<80xi32, #tpu.memory_space<hbm>>) dst(%arg10 : memref<80xi32, #tpu.memory_space<vmem>>)
      tpu.yield
    }) : () -> ()
    %dma_start3A_44 = arith.constant 2 : i32
    %dma_start3A_45 = arith.constant 0 : i32
    %dma_start3A_46 = tpu.memref_slice %arg7[%dma_start3A_44, %dma_start3A_45] : memref<125x80xi32, #tpu.memory_space<vmem>> -> memref<1x80xi32, #tpu.memory_space<vmem>>
    %dma_start3A_47 = tpu.memref_squeeze %dma_start3A_46 : memref<1x80xi32, #tpu.memory_space<vmem>> -> memref<80xi32, #tpu.memory_space<vmem>>
    %dma_start3A_48 = arith.constant 0 : i32
    %dma_start3A_49 = arith.constant 0 : i32
    %dma_start3A_50 = tpu.memref_slice %arg2[%dma_start3A_48, %dma_start3A_49] : memref<10240x128xf32, #tpu.memory_space<hbm>> -> memref<10240x128xf32, #tpu.memory_space<hbm>>
    tpu.enqueue_indirect_dma source(%dma_start3A_50 : memref<10240x128xf32, #tpu.memory_space<hbm>>) target(%arg13 : memref<80x128xf32, #tpu.memory_space<vmem>>) offsets(%dma_start3A_47 : memref<80xi32, #tpu.memory_space<vmem>>) semaphore(%arg16 : memref<!tpu.dma_semaphore, #tpu.memory_space<semaphore_mem>>)
    %scan3A_51 = arith.constant 0 : i32
    %scan3A_52 = arith.constant 41 : i32
    %scan3A_53 = arith.addi %scan3A_51, %scan3A_52 : i32
    %scan3A_54 = arith.constant 1 : i32
    scf.for %scan3A_101 = %scan3A_51 to %scan3A_53 step %scan3A_54  : i32 {
      %mul3A_102 = arith.constant 3 : i32
      %mul3A_103 = arith.muli %scan3A_101, %mul3A_102 : i32
      %add3A_104 = arith.constant 0 : i32
      %add3A_105 = arith.addi %mul3A_103, %add3A_104 : i32
      %dma_wait3A_106 = arith.constant 0 : i32
      %dma_wait3A_107 = tpu.memref_slice %arg7[%add3A_105, %dma_wait3A_106] : memref<125x80xi32, #tpu.memory_space<vmem>> -> memref<1x80xi32, #tpu.memory_space<vmem>>
      %dma_wait3A_108 = tpu.memref_squeeze %dma_wait3A_107 : memref<1x80xi32, #tpu.memory_space<vmem>> -> memref<80xi32, #tpu.memory_space<vmem>>
      %dma_wait3A_109 = arith.constant 0 : i32
      %dma_wait3A_110 = arith.constant 0 : i32
      %dma_wait3A_111 = tpu.memref_slice %arg2[%dma_wait3A_109, %dma_wait3A_110] : memref<10240x128xf32, #tpu.memory_space<hbm>> -> memref<10240x128xf32, #tpu.memory_space<hbm>>
      tpu.wait_indirect_dma semaphore(%arg14 : memref<!tpu.dma_semaphore, #tpu.memory_space<semaphore_mem>>) src(%dma_wait3A_111 : memref<10240x128xf32, #tpu.memory_space<hbm>>) dst(%arg11 : memref<80x128xf32, #tpu.memory_space<vmem>>)
      %dma_start3A_112 = arith.constant 0 : i32
      %dma_start3A_113 = arith.constant 0 : i32
      %dma_start3A_114 = tpu.memref_slice %arg6[%dma_start3A_112, %dma_start3A_113] : memref<10240x128xf32, #tpu.memory_space<vmem_shared>> -> memref<10240x128xf32, #tpu.memory_space<vmem_shared>>
      tpu.enqueue_indirect_dma source(%arg11 : memref<80x128xf32, #tpu.memory_space<vmem>>) target(%dma_start3A_114 : memref<10240x128xf32, #tpu.memory_space<vmem_shared>>) offsets(%arg8 : memref<80xi32, #tpu.memory_space<vmem>>) semaphore(%arg17 : memref<!tpu.dma_semaphore, #tpu.memory_space<semaphore_mem>>) {add = true}
      %add3A_115 = arith.constant 3 : i32
      %add3A_116 = arith.addi %add3A_105, %add3A_115 : i32
      %lt3A = arith.constant 125 : i32
      %lt3A_117 = arith.cmpi slt, %add3A_116, %lt3A : i32
      %convert_element_type3A = arith.extui %lt3A_117 : i1 to i32
      %cond3A = arith.constant 0 : i32
      %cond3A_118 = arith.cmpi ne, %convert_element_type3A, %cond3A : i32
      scf.if %cond3A_118 {
        %dma_wait3A_159 = arith.constant 0 : i32
        %dma_wait3A_160 = arith.constant 0 : i32
        %dma_wait3A_161 = tpu.memref_slice %arg6[%dma_wait3A_159, %dma_wait3A_160] : memref<10240x128xf32, #tpu.memory_space<vmem_shared>> -> memref<10240x128xf32, #tpu.memory_space<vmem_shared>>
        tpu.wait_indirect_dma semaphore(%arg17 : memref<!tpu.dma_semaphore, #tpu.memory_space<semaphore_mem>>) src(%arg11 : memref<80x128xf32, #tpu.memory_space<vmem>>) dst(%dma_wait3A_161 : memref<10240x128xf32, #tpu.memory_space<vmem_shared>>)
        %mul3A_162 = arith.constant 80 : i32
        %mul3A_163 = arith.muli %add3A_116, %mul3A_162 : i32
        %add3A_164 = arith.addi %mul3A_24, %mul3A_163 : i32
        "tpu.region"() ({
          %run_scoped3A = tpu.sem_alloc : memref<!tpu.dma_semaphore, #tpu.memory_space<semaphore_mem>>
          %dma_start3A_171 = tpu.memref_slice %arg4[%add3A_164] : memref<320000xi32, #tpu.memory_space<hbm>> -> memref<80xi32, #tpu.memory_space<hbm>>
          %dma_start3A_172 = tpu.memref_slice %arg4[%add3A_164] : memref<320000xi32, #tpu.memory_space<hbm>> -> memref<80xi32, #tpu.memory_space<hbm>>
          tpu.enqueue_dma source(%dma_start3A_172 : memref<80xi32, #tpu.memory_space<hbm>>) target(%arg8 : memref<80xi32, #tpu.memory_space<vmem>>) target_semaphore(%run_scoped3A : memref<!tpu.dma_semaphore, #tpu.memory_space<semaphore_mem>>)
          %dma_wait3A_173 = tpu.memref_slice %arg4[%add3A_164] : memref<320000xi32, #tpu.memory_space<hbm>> -> memref<80xi32, #tpu.memory_space<hbm>>
          %dma_wait3A_174 = tpu.memref_slice %arg4[%add3A_164] : memref<320000xi32, #tpu.memory_space<hbm>> -> memref<80xi32, #tpu.memory_space<hbm>>
          tpu.wait_dma2 semaphore(%run_scoped3A : memref<!tpu.dma_semaphore, #tpu.memory_space<semaphore_mem>>) src(%dma_wait3A_174 : memref<80xi32, #tpu.memory_space<hbm>>) dst(%arg8 : memref<80xi32, #tpu.memory_space<vmem>>)
          tpu.yield
        }) : () -> ()
        %dma_start3A_165 = arith.constant 0 : i32
        %dma_start3A_166 = tpu.memref_slice %arg7[%add3A_116, %dma_start3A_165] : memref<125x80xi32, #tpu.memory_space<vmem>> -> memref<1x80xi32, #tpu.memory_space<vmem>>
        %dma_start3A_167 = tpu.memref_squeeze %dma_start3A_166 : memref<1x80xi32, #tpu.memory_space<vmem>> -> memref<80xi32, #tpu.memory_space<vmem>>
        %dma_start3A_168 = arith.constant 0 : i32
        %dma_start3A_169 = arith.constant 0 : i32
        %dma_start3A_170 = tpu.memref_slice %arg2[%dma_start3A_168, %dma_start3A_169] : memref<10240x128xf32, #tpu.memory_space<hbm>> -> memref<10240x128xf32, #tpu.memory_space<hbm>>
        tpu.enqueue_indirect_dma source(%dma_start3A_170 : memref<10240x128xf32, #tpu.memory_space<hbm>>) target(%arg11 : memref<80x128xf32, #tpu.memory_space<vmem>>) offsets(%dma_start3A_167 : memref<80xi32, #tpu.memory_space<vmem>>) semaphore(%arg14 : memref<!tpu.dma_semaphore, #tpu.memory_space<semaphore_mem>>)
      } else {
      }
      %mul3A_119 = arith.constant 3 : i32
      %mul3A_120 = arith.muli %scan3A_101, %mul3A_119 : i32
      %add3A_121 = arith.constant 1 : i32
      %add3A_122 = arith.addi %mul3A_120, %add3A_121 : i32
      %dma_wait3A_123 = arith.constant 0 : i32
      %dma_wait3A_124 = tpu.memref_slice %arg7[%add3A_122, %dma_wait3A_123] : memref<125x80xi32, #tpu.memory_space<vmem>> -> memref<1x80xi32, #tpu.memory_space<vmem>>
      %dma_wait3A_125 = tpu.memref_squeeze %dma_wait3A_124 : memref<1x80xi32, #tpu.memory_space<vmem>> -> memref<80xi32, #tpu.memory_space<vmem>>
      %dma_wait3A_126 = arith.constant 0 : i32
      %dma_wait3A_127 = arith.constant 0 : i32
      %dma_wait3A_128 = tpu.memref_slice %arg2[%dma_wait3A_126, %dma_wait3A_127] : memref<10240x128xf32, #tpu.memory_space<hbm>> -> memref<10240x128xf32, #tpu.memory_space<hbm>>
      tpu.wait_indirect_dma semaphore(%arg15 : memref<!tpu.dma_semaphore, #tpu.memory_space<semaphore_mem>>) src(%dma_wait3A_128 : memref<10240x128xf32, #tpu.memory_space<hbm>>) dst(%arg12 : memref<80x128xf32, #tpu.memory_space<vmem>>)
      %dma_start3A_129 = arith.constant 0 : i32
      %dma_start3A_130 = arith.constant 0 : i32
      %dma_start3A_131 = tpu.memref_slice %arg6[%dma_start3A_129, %dma_start3A_130] : memref<10240x128xf32, #tpu.memory_space<vmem_shared>> -> memref<10240x128xf32, #tpu.memory_space<vmem_shared>>
      tpu.enqueue_indirect_dma source(%arg12 : memref<80x128xf32, #tpu.memory_space<vmem>>) target(%dma_start3A_131 : memref<10240x128xf32, #tpu.memory_space<vmem_shared>>) offsets(%arg9 : memref<80xi32, #tpu.memory_space<vmem>>) semaphore(%arg18 : memref<!tpu.dma_semaphore, #tpu.memory_space<semaphore_mem>>) {add = true}
      %add3A_132 = arith.constant 3 : i32
      %add3A_133 = arith.addi %add3A_122, %add3A_132 : i32
      %lt3A_134 = arith.constant 125 : i32
      %lt3A_135 = arith.cmpi slt, %add3A_133, %lt3A_134 : i32
      %convert_element_type3A_136 = arith.extui %lt3A_135 : i1 to i32
      %cond3A_137 = arith.constant 0 : i32
      %cond3A_138 = arith.cmpi ne, %convert_element_type3A_136, %cond3A_137 : i32
      scf.if %cond3A_138 {
        %dma_wait3A_159 = arith.constant 0 : i32
        %dma_wait3A_160 = arith.constant 0 : i32
        %dma_wait3A_161 = tpu.memref_slice %arg6[%dma_wait3A_159, %dma_wait3A_160] : memref<10240x128xf32, #tpu.memory_space<vmem_shared>> -> memref<10240x128xf32, #tpu.memory_space<vmem_shared>>
        tpu.wait_indirect_dma semaphore(%arg18 : memref<!tpu.dma_semaphore, #tpu.memory_space<semaphore_mem>>) src(%arg12 : memref<80x128xf32, #tpu.memory_space<vmem>>) dst(%dma_wait3A_161 : memref<10240x128xf32, #tpu.memory_space<vmem_shared>>)
        %mul3A_162 = arith.constant 80 : i32
        %mul3A_163 = arith.muli %add3A_133, %mul3A_162 : i32
        %add3A_164 = arith.addi %mul3A_24, %mul3A_163 : i32
        "tpu.region"() ({
          %run_scoped3A = tpu.sem_alloc : memref<!tpu.dma_semaphore, #tpu.memory_space<semaphore_mem>>
          %dma_start3A_171 = tpu.memref_slice %arg4[%add3A_164] : memref<320000xi32, #tpu.memory_space<hbm>> -> memref<80xi32, #tpu.memory_space<hbm>>
          %dma_start3A_172 = tpu.memref_slice %arg4[%add3A_164] : memref<320000xi32, #tpu.memory_space<hbm>> -> memref<80xi32, #tpu.memory_space<hbm>>
          tpu.enqueue_dma source(%dma_start3A_172 : memref<80xi32, #tpu.memory_space<hbm>>) target(%arg9 : memref<80xi32, #tpu.memory_space<vmem>>) target_semaphore(%run_scoped3A : memref<!tpu.dma_semaphore, #tpu.memory_space<semaphore_mem>>)
          %dma_wait3A_173 = tpu.memref_slice %arg4[%add3A_164] : memref<320000xi32, #tpu.memory_space<hbm>> -> memref<80xi32, #tpu.memory_space<hbm>>
          %dma_wait3A_174 = tpu.memref_slice %arg4[%add3A_164] : memref<320000xi32, #tpu.memory_space<hbm>> -> memref<80xi32, #tpu.memory_space<hbm>>
          tpu.wait_dma2 semaphore(%run_scoped3A : memref<!tpu.dma_semaphore, #tpu.memory_space<semaphore_mem>>) src(%dma_wait3A_174 : memref<80xi32, #tpu.memory_space<hbm>>) dst(%arg9 : memref<80xi32, #tpu.memory_space<vmem>>)
          tpu.yield
        }) : () -> ()
        %dma_start3A_165 = arith.constant 0 : i32
        %dma_start3A_166 = tpu.memref_slice %arg7[%add3A_133, %dma_start3A_165] : memref<125x80xi32, #tpu.memory_space<vmem>> -> memref<1x80xi32, #tpu.memory_space<vmem>>
        %dma_start3A_167 = tpu.memref_squeeze %dma_start3A_166 : memref<1x80xi32, #tpu.memory_space<vmem>> -> memref<80xi32, #tpu.memory_space<vmem>>
        %dma_start3A_168 = arith.constant 0 : i32
        %dma_start3A_169 = arith.constant 0 : i32
        %dma_start3A_170 = tpu.memref_slice %arg2[%dma_start3A_168, %dma_start3A_169] : memref<10240x128xf32, #tpu.memory_space<hbm>> -> memref<10240x128xf32, #tpu.memory_space<hbm>>
        tpu.enqueue_indirect_dma source(%dma_start3A_170 : memref<10240x128xf32, #tpu.memory_space<hbm>>) target(%arg12 : memref<80x128xf32, #tpu.memory_space<vmem>>) offsets(%dma_start3A_167 : memref<80xi32, #tpu.memory_space<vmem>>) semaphore(%arg15 : memref<!tpu.dma_semaphore, #tpu.memory_space<semaphore_mem>>)
      } else {
      }
      %mul3A_139 = arith.constant 3 : i32
      %mul3A_140 = arith.muli %scan3A_101, %mul3A_139 : i32
      %add3A_141 = arith.constant 2 : i32
      %add3A_142 = arith.addi %mul3A_140, %add3A_141 : i32
      %dma_wait3A_143 = arith.constant 0 : i32
      %dma_wait3A_144 = tpu.memref_slice %arg7[%add3A_142, %dma_wait3A_143] : memref<125x80xi32, #tpu.memory_space<vmem>> -> memref<1x80xi32, #tpu.memory_space<vmem>>
      %dma_wait3A_145 = tpu.memref_squeeze %dma_wait3A_144 : memref<1x80xi32, #tpu.memory_space<vmem>> -> memref<80xi32, #tpu.memory_space<vmem>>
      %dma_wait3A_146 = arith.constant 0 : i32
      %dma_wait3A_147 = arith.constant 0 : i32
      %dma_wait3A_148 = tpu.memref_slice %arg2[%dma_wait3A_146, %dma_wait3A_147] : memref<10240x128xf32, #tpu.memory_space<hbm>> -> memref<10240x128xf32, #tpu.memory_space<hbm>>
      tpu.wait_indirect_dma semaphore(%arg16 : memref<!tpu.dma_semaphore, #tpu.memory_space<semaphore_mem>>) src(%dma_wait3A_148 : memref<10240x128xf32, #tpu.memory_space<hbm>>) dst(%arg13 : memref<80x128xf32, #tpu.memory_space<vmem>>)
      %dma_start3A_149 = arith.constant 0 : i32
      %dma_start3A_150 = arith.constant 0 : i32
      %dma_start3A_151 = tpu.memref_slice %arg6[%dma_start3A_149, %dma_start3A_150] : memref<10240x128xf32, #tpu.memory_space<vmem_shared>> -> memref<10240x128xf32, #tpu.memory_space<vmem_shared>>
      tpu.enqueue_indirect_dma source(%arg13 : memref<80x128xf32, #tpu.memory_space<vmem>>) target(%dma_start3A_151 : memref<10240x128xf32, #tpu.memory_space<vmem_shared>>) offsets(%arg10 : memref<80xi32, #tpu.memory_space<vmem>>) semaphore(%arg19 : memref<!tpu.dma_semaphore, #tpu.memory_space<semaphore_mem>>) {add = true}
      %add3A_152 = arith.constant 3 : i32
      %add3A_153 = arith.addi %add3A_142, %add3A_152 : i32
      %lt3A_154 = arith.constant 125 : i32
      %lt3A_155 = arith.cmpi slt, %add3A_153, %lt3A_154 : i32
      %convert_element_type3A_156 = arith.extui %lt3A_155 : i1 to i32
      %cond3A_157 = arith.constant 0 : i32
      %cond3A_158 = arith.cmpi ne, %convert_element_type3A_156, %cond3A_157 : i32
      scf.if %cond3A_158 {
        %dma_wait3A_159 = arith.constant 0 : i32
        %dma_wait3A_160 = arith.constant 0 : i32
        %dma_wait3A_161 = tpu.memref_slice %arg6[%dma_wait3A_159, %dma_wait3A_160] : memref<10240x128xf32, #tpu.memory_space<vmem_shared>> -> memref<10240x128xf32, #tpu.memory_space<vmem_shared>>
        tpu.wait_indirect_dma semaphore(%arg19 : memref<!tpu.dma_semaphore, #tpu.memory_space<semaphore_mem>>) src(%arg13 : memref<80x128xf32, #tpu.memory_space<vmem>>) dst(%dma_wait3A_161 : memref<10240x128xf32, #tpu.memory_space<vmem_shared>>)
        %mul3A_162 = arith.constant 80 : i32
        %mul3A_163 = arith.muli %add3A_153, %mul3A_162 : i32
        %add3A_164 = arith.addi %mul3A_24, %mul3A_163 : i32
        "tpu.region"() ({
          %run_scoped3A = tpu.sem_alloc : memref<!tpu.dma_semaphore, #tpu.memory_space<semaphore_mem>>
          %dma_start3A_171 = tpu.memref_slice %arg4[%add3A_164] : memref<320000xi32, #tpu.memory_space<hbm>> -> memref<80xi32, #tpu.memory_space<hbm>>
          %dma_start3A_172 = tpu.memref_slice %arg4[%add3A_164] : memref<320000xi32, #tpu.memory_space<hbm>> -> memref<80xi32, #tpu.memory_space<hbm>>
          tpu.enqueue_dma source(%dma_start3A_172 : memref<80xi32, #tpu.memory_space<hbm>>) target(%arg10 : memref<80xi32, #tpu.memory_space<vmem>>) target_semaphore(%run_scoped3A : memref<!tpu.dma_semaphore, #tpu.memory_space<semaphore_mem>>)
          %dma_wait3A_173 = tpu.memref_slice %arg4[%add3A_164] : memref<320000xi32, #tpu.memory_space<hbm>> -> memref<80xi32, #tpu.memory_space<hbm>>
          %dma_wait3A_174 = tpu.memref_slice %arg4[%add3A_164] : memref<320000xi32, #tpu.memory_space<hbm>> -> memref<80xi32, #tpu.memory_space<hbm>>
          tpu.wait_dma2 semaphore(%run_scoped3A : memref<!tpu.dma_semaphore, #tpu.memory_space<semaphore_mem>>) src(%dma_wait3A_174 : memref<80xi32, #tpu.memory_space<hbm>>) dst(%arg10 : memref<80xi32, #tpu.memory_space<vmem>>)
          tpu.yield
        }) : () -> ()
        %dma_start3A_165 = arith.constant 0 : i32
        %dma_start3A_166 = tpu.memref_slice %arg7[%add3A_153, %dma_start3A_165] : memref<125x80xi32, #tpu.memory_space<vmem>> -> memref<1x80xi32, #tpu.memory_space<vmem>>
        %dma_start3A_167 = tpu.memref_squeeze %dma_start3A_166 : memref<1x80xi32, #tpu.memory_space<vmem>> -> memref<80xi32, #tpu.memory_space<vmem>>
        %dma_start3A_168 = arith.constant 0 : i32
        %dma_start3A_169 = arith.constant 0 : i32
        %dma_start3A_170 = tpu.memref_slice %arg2[%dma_start3A_168, %dma_start3A_169] : memref<10240x128xf32, #tpu.memory_space<hbm>> -> memref<10240x128xf32, #tpu.memory_space<hbm>>
        tpu.enqueue_indirect_dma source(%dma_start3A_170 : memref<10240x128xf32, #tpu.memory_space<hbm>>) target(%arg13 : memref<80x128xf32, #tpu.memory_space<vmem>>) offsets(%dma_start3A_167 : memref<80xi32, #tpu.memory_space<vmem>>) semaphore(%arg16 : memref<!tpu.dma_semaphore, #tpu.memory_space<semaphore_mem>>)
      } else {
      }
    }
    %scan3A_55 = arith.constant 41 : i32
    %dma_wait3A = arith.constant 123 : i32
    %dma_wait3A_56 = arith.constant 0 : i32
    %dma_wait3A_57 = tpu.memref_slice %arg7[%dma_wait3A, %dma_wait3A_56] : memref<125x80xi32, #tpu.memory_space<vmem>> -> memref<1x80xi32, #tpu.memory_space<vmem>>
    %dma_wait3A_58 = tpu.memref_squeeze %dma_wait3A_57 : memref<1x80xi32, #tpu.memory_space<vmem>> -> memref<80xi32, #tpu.memory_space<vmem>>
    %dma_wait3A_59 = arith.constant 0 : i32
    %dma_wait3A_60 = arith.constant 0 : i32
    %dma_wait3A_61 = tpu.memref_slice %arg2[%dma_wait3A_59, %dma_wait3A_60] : memref<10240x128xf32, #tpu.memory_space<hbm>> -> memref<10240x128xf32, #tpu.memory_space<hbm>>
    tpu.wait_indirect_dma semaphore(%arg14 : memref<!tpu.dma_semaphore, #tpu.memory_space<semaphore_mem>>) src(%dma_wait3A_61 : memref<10240x128xf32, #tpu.memory_space<hbm>>) dst(%arg11 : memref<80x128xf32, #tpu.memory_space<vmem>>)
    %dma_start3A_62 = arith.constant 0 : i32
    %dma_start3A_63 = arith.constant 0 : i32
    %dma_start3A_64 = tpu.memref_slice %arg6[%dma_start3A_62, %dma_start3A_63] : memref<10240x128xf32, #tpu.memory_space<vmem_shared>> -> memref<10240x128xf32, #tpu.memory_space<vmem_shared>>
    tpu.enqueue_indirect_dma source(%arg11 : memref<80x128xf32, #tpu.memory_space<vmem>>) target(%dma_start3A_64 : memref<10240x128xf32, #tpu.memory_space<vmem_shared>>) offsets(%arg8 : memref<80xi32, #tpu.memory_space<vmem>>) semaphore(%arg17 : memref<!tpu.dma_semaphore, #tpu.memory_space<semaphore_mem>>) {add = true}
    %dma_wait3A_65 = arith.constant 124 : i32
    %dma_wait3A_66 = arith.constant 0 : i32
    %dma_wait3A_67 = tpu.memref_slice %arg7[%dma_wait3A_65, %dma_wait3A_66] : memref<125x80xi32, #tpu.memory_space<vmem>> -> memref<1x80xi32, #tpu.memory_space<vmem>>
    %dma_wait3A_68 = tpu.memref_squeeze %dma_wait3A_67 : memref<1x80xi32, #tpu.memory_space<vmem>> -> memref<80xi32, #tpu.memory_space<vmem>>
    %dma_wait3A_69 = arith.constant 0 : i32
    %dma_wait3A_70 = arith.constant 0 : i32
    %dma_wait3A_71 = tpu.memref_slice %arg2[%dma_wait3A_69, %dma_wait3A_70] : memref<10240x128xf32, #tpu.memory_space<hbm>> -> memref<10240x128xf32, #tpu.memory_space<hbm>>
    tpu.wait_indirect_dma semaphore(%arg15 : memref<!tpu.dma_semaphore, #tpu.memory_space<semaphore_mem>>) src(%dma_wait3A_71 : memref<10240x128xf32, #tpu.memory_space<hbm>>) dst(%arg12 : memref<80x128xf32, #tpu.memory_space<vmem>>)
    %dma_start3A_72 = arith.constant 0 : i32
    %dma_start3A_73 = arith.constant 0 : i32
    %dma_start3A_74 = tpu.memref_slice %arg6[%dma_start3A_72, %dma_start3A_73] : memref<10240x128xf32, #tpu.memory_space<vmem_shared>> -> memref<10240x128xf32, #tpu.memory_space<vmem_shared>>
    tpu.enqueue_indirect_dma source(%arg12 : memref<80x128xf32, #tpu.memory_space<vmem>>) target(%dma_start3A_74 : memref<10240x128xf32, #tpu.memory_space<vmem_shared>>) offsets(%arg9 : memref<80xi32, #tpu.memory_space<vmem>>) semaphore(%arg18 : memref<!tpu.dma_semaphore, #tpu.memory_space<semaphore_mem>>) {add = true}
    %dma_wait3A_75 = arith.constant 0 : i32
    %dma_wait3A_76 = arith.constant 0 : i32
    %dma_wait3A_77 = tpu.memref_slice %arg6[%dma_wait3A_75, %dma_wait3A_76] : memref<10240x128xf32, #tpu.memory_space<vmem_shared>> -> memref<10240x128xf32, #tpu.memory_space<vmem_shared>>
    tpu.wait_indirect_dma semaphore(%arg17 : memref<!tpu.dma_semaphore, #tpu.memory_space<semaphore_mem>>) src(%arg11 : memref<80x128xf32, #tpu.memory_space<vmem>>) dst(%dma_wait3A_77 : memref<10240x128xf32, #tpu.memory_space<vmem_shared>>)
    %dma_wait3A_78 = arith.constant 0 : i32
    %dma_wait3A_79 = arith.constant 0 : i32
    %dma_wait3A_80 = tpu.memref_slice %arg6[%dma_wait3A_78, %dma_wait3A_79] : memref<10240x128xf32, #tpu.memory_space<vmem_shared>> -> memref<10240x128xf32, #tpu.memory_space<vmem_shared>>
    tpu.wait_indirect_dma semaphore(%arg18 : memref<!tpu.dma_semaphore, #tpu.memory_space<semaphore_mem>>) src(%arg12 : memref<80x128xf32, #tpu.memory_space<vmem>>) dst(%dma_wait3A_80 : memref<10240x128xf32, #tpu.memory_space<vmem_shared>>)
    %dma_wait3A_81 = arith.constant 0 : i32
    %dma_wait3A_82 = arith.constant 0 : i32
    %dma_wait3A_83 = tpu.memref_slice %arg6[%dma_wait3A_81, %dma_wait3A_82] : memref<10240x128xf32, #tpu.memory_space<vmem_shared>> -> memref<10240x128xf32, #tpu.memory_space<vmem_shared>>
    tpu.wait_indirect_dma semaphore(%arg19 : memref<!tpu.dma_semaphore, #tpu.memory_space<semaphore_mem>>) src(%arg13 : memref<80x128xf32, #tpu.memory_space<vmem>>) dst(%dma_wait3A_83 : memref<10240x128xf32, #tpu.memory_space<vmem_shared>>)
    %barrier3A_84 = arith.constant 0 : index
    tpu.barrier barrier_id(%barrier3A_84)
    %add3A_85 = arith.constant 0 : i32
    %add3A_86 = arith.addi %mul3A_6, %add3A_85 : i32
    "tpu.region"() ({
      %run_scoped3A = tpu.sem_alloc : memref<!tpu.dma_semaphore, #tpu.memory_space<semaphore_mem>>
      %dma_start3A_101 = arith.constant 0 : i32
      %dma_start3A_102 = tpu.memref_slice %arg6[%add3A_86, %dma_start3A_101] : memref<10240x128xf32, #tpu.memory_space<vmem_shared>> -> memref<80x128xf32, #tpu.memory_space<vmem_shared>>
      %dma_start3A_103 = arith.constant 0 : i32
      %dma_start3A_104 = tpu.memref_slice %arg6[%add3A_86, %dma_start3A_103] : memref<10240x128xf32, #tpu.memory_space<vmem_shared>> -> memref<80x128xf32, #tpu.memory_space<vmem_shared>>
      tpu.enqueue_dma source(%dma_start3A_104 : memref<80x128xf32, #tpu.memory_space<vmem_shared>>) target(%arg11 : memref<80x128xf32, #tpu.memory_space<vmem>>) target_semaphore(%run_scoped3A : memref<!tpu.dma_semaphore, #tpu.memory_space<semaphore_mem>>)
      %dma_wait3A_105 = arith.constant 0 : i32
      %dma_wait3A_106 = tpu.memref_slice %arg6[%add3A_86, %dma_wait3A_105] : memref<10240x128xf32, #tpu.memory_space<vmem_shared>> -> memref<80x128xf32, #tpu.memory_space<vmem_shared>>
      %dma_wait3A_107 = arith.constant 0 : i32
      %dma_wait3A_108 = tpu.memref_slice %arg6[%add3A_86, %dma_wait3A_107] : memref<10240x128xf32, #tpu.memory_space<vmem_shared>> -> memref<80x128xf32, #tpu.memory_space<vmem_shared>>
      tpu.wait_dma2 semaphore(%run_scoped3A : memref<!tpu.dma_semaphore, #tpu.memory_space<semaphore_mem>>) src(%dma_wait3A_108 : memref<80x128xf32, #tpu.memory_space<vmem_shared>>) dst(%arg11 : memref<80x128xf32, #tpu.memory_space<vmem>>)
      tpu.yield
    }) : () -> ()
    "tpu.region"() ({
      %run_scoped3A = tpu.sem_alloc : memref<!tpu.dma_semaphore, #tpu.memory_space<semaphore_mem>>
      %dma_start3A_101 = arith.constant 0 : i32
      %dma_start3A_102 = tpu.memref_slice %arg5[%arg0, %add3A_86, %dma_start3A_101] : memref<2x10240x128xf32, #tpu.memory_space<hbm>> -> memref<1x80x128xf32, #tpu.memory_space<hbm>>
      %dma_start3A_103 = tpu.memref_squeeze %dma_start3A_102 : memref<1x80x128xf32, #tpu.memory_space<hbm>> -> memref<80x128xf32, #tpu.memory_space<hbm>>
      %dma_start3A_104 = arith.constant 0 : i32
      %dma_start3A_105 = tpu.memref_slice %arg5[%arg0, %add3A_86, %dma_start3A_104] : memref<2x10240x128xf32, #tpu.memory_space<hbm>> -> memref<1x80x128xf32, #tpu.memory_space<hbm>>
      %dma_start3A_106 = tpu.memref_squeeze %dma_start3A_105 : memref<1x80x128xf32, #tpu.memory_space<hbm>> -> memref<80x128xf32, #tpu.memory_space<hbm>>
      tpu.enqueue_dma source(%arg11 : memref<80x128xf32, #tpu.memory_space<vmem>>) target(%dma_start3A_106 : memref<80x128xf32, #tpu.memory_space<hbm>>) target_semaphore(%run_scoped3A : memref<!tpu.dma_semaphore, #tpu.memory_space<semaphore_mem>>)
      %dma_wait3A_107 = arith.constant 0 : i32
      %dma_wait3A_108 = tpu.memref_slice %arg5[%arg0, %add3A_86, %dma_wait3A_107] : memref<2x10240x128xf32, #tpu.memory_space<hbm>> -> memref<1x80x128xf32, #tpu.memory_space<hbm>>
      %dma_wait3A_109 = tpu.memref_squeeze %dma_wait3A_108 : memref<1x80x128xf32, #tpu.memory_space<hbm>> -> memref<80x128xf32, #tpu.memory_space<hbm>>
      %dma_wait3A_110 = arith.constant 0 : i32
      %dma_wait3A_111 = tpu.memref_slice %arg5[%arg0, %add3A_86, %dma_wait3A_110] : memref<2x10240x128xf32, #tpu.memory_space<hbm>> -> memref<1x80x128xf32, #tpu.memory_space<hbm>>
      %dma_wait3A_112 = tpu.memref_squeeze %dma_wait3A_111 : memref<1x80x128xf32, #tpu.memory_space<hbm>> -> memref<80x128xf32, #tpu.memory_space<hbm>>
      tpu.wait_dma2 semaphore(%run_scoped3A : memref<!tpu.dma_semaphore, #tpu.memory_space<semaphore_mem>>) src(%arg11 : memref<80x128xf32, #tpu.memory_space<vmem>>) dst(%dma_wait3A_112 : memref<80x128xf32, #tpu.memory_space<hbm>>)
      tpu.yield
    }) : () -> ()
    %add3A_87 = arith.constant 80 : i32
    %add3A_88 = arith.addi %mul3A_6, %add3A_87 : i32
    "tpu.region"() ({
      %run_scoped3A = tpu.sem_alloc : memref<!tpu.dma_semaphore, #tpu.memory_space<semaphore_mem>>
      %dma_start3A_101 = arith.constant 0 : i32
      %dma_start3A_102 = tpu.memref_slice %arg6[%add3A_88, %dma_start3A_101] : memref<10240x128xf32, #tpu.memory_space<vmem_shared>> -> memref<80x128xf32, #tpu.memory_space<vmem_shared>>
      %dma_start3A_103 = arith.constant 0 : i32
      %dma_start3A_104 = tpu.memref_slice %arg6[%add3A_88, %dma_start3A_103] : memref<10240x128xf32, #tpu.memory_space<vmem_shared>> -> memref<80x128xf32, #tpu.memory_space<vmem_shared>>
      tpu.enqueue_dma source(%dma_start3A_104 : memref<80x128xf32, #tpu.memory_space<vmem_shared>>) target(%arg11 : memref<80x128xf32, #tpu.memory_space<vmem>>) target_semaphore(%run_scoped3A : memref<!tpu.dma_semaphore, #tpu.memory_space<semaphore_mem>>)
      %dma_wait3A_105 = arith.constant 0 : i32
      %dma_wait3A_106 = tpu.memref_slice %arg6[%add3A_88, %dma_wait3A_105] : memref<10240x128xf32, #tpu.memory_space<vmem_shared>> -> memref<80x128xf32, #tpu.memory_space<vmem_shared>>
      %dma_wait3A_107 = arith.constant 0 : i32
      %dma_wait3A_108 = tpu.memref_slice %arg6[%add3A_88, %dma_wait3A_107] : memref<10240x128xf32, #tpu.memory_space<vmem_shared>> -> memref<80x128xf32, #tpu.memory_space<vmem_shared>>
      tpu.wait_dma2 semaphore(%run_scoped3A : memref<!tpu.dma_semaphore, #tpu.memory_space<semaphore_mem>>) src(%dma_wait3A_108 : memref<80x128xf32, #tpu.memory_space<vmem_shared>>) dst(%arg11 : memref<80x128xf32, #tpu.memory_space<vmem>>)
      tpu.yield
    }) : () -> ()
    "tpu.region"() ({
      %run_scoped3A = tpu.sem_alloc : memref<!tpu.dma_semaphore, #tpu.memory_space<semaphore_mem>>
      %dma_start3A_101 = arith.constant 0 : i32
      %dma_start3A_102 = tpu.memref_slice %arg5[%arg0, %add3A_88, %dma_start3A_101] : memref<2x10240x128xf32, #tpu.memory_space<hbm>> -> memref<1x80x128xf32, #tpu.memory_space<hbm>>
      %dma_start3A_103 = tpu.memref_squeeze %dma_start3A_102 : memref<1x80x128xf32, #tpu.memory_space<hbm>> -> memref<80x128xf32, #tpu.memory_space<hbm>>
      %dma_start3A_104 = arith.constant 0 : i32
      %dma_start3A_105 = tpu.memref_slice %arg5[%arg0, %add3A_88, %dma_start3A_104] : memref<2x10240x128xf32, #tpu.memory_space<hbm>> -> memref<1x80x128xf32, #tpu.memory_space<hbm>>
      %dma_start3A_106 = tpu.memref_squeeze %dma_start3A_105 : memref<1x80x128xf32, #tpu.memory_space<hbm>> -> memref<80x128xf32, #tpu.memory_space<hbm>>
      tpu.enqueue_dma source(%arg11 : memref<80x128xf32, #tpu.memory_space<vmem>>) target(%dma_start3A_106 : memref<80x128xf32, #tpu.memory_space<hbm>>) target_semaphore(%run_scoped3A : memref<!tpu.dma_semaphore, #tpu.memory_space<semaphore_mem>>)
      %dma_wait3A_107 = arith.constant 0 : i32
      %dma_wait3A_108 = tpu.memref_slice %arg5[%arg0, %add3A_88, %dma_wait3A_107] : memref<2x10240x128xf32, #tpu.memory_space<hbm>> -> memref<1x80x128xf32, #tpu.memory_space<hbm>>
      %dma_wait3A_109 = tpu.memref_squeeze %dma_wait3A_108 : memref<1x80x128xf32, #tpu.memory_space<hbm>> -> memref<80x128xf32, #tpu.memory_space<hbm>>
      %dma_wait3A_110 = arith.constant 0 : i32
      %dma_wait3A_111 = tpu.memref_slice %arg5[%arg0, %add3A_88, %dma_wait3A_110] : memref<2x10240x128xf32, #tpu.memory_space<hbm>> -> memref<1x80x128xf32, #tpu.memory_space<hbm>>
      %dma_wait3A_112 = tpu.memref_squeeze %dma_wait3A_111 : memref<1x80x128xf32, #tpu.memory_space<hbm>> -> memref<80x128xf32, #tpu.memory_space<hbm>>
      tpu.wait_dma2 semaphore(%run_scoped3A : memref<!tpu.dma_semaphore, #tpu.memory_space<semaphore_mem>>) src(%arg11 : memref<80x128xf32, #tpu.memory_space<vmem>>) dst(%dma_wait3A_112 : memref<80x128xf32, #tpu.memory_space<hbm>>)
      tpu.yield
    }) : () -> ()
    %add3A_89 = arith.constant 160 : i32
    %add3A_90 = arith.addi %mul3A_6, %add3A_89 : i32
    "tpu.region"() ({
      %run_scoped3A = tpu.sem_alloc : memref<!tpu.dma_semaphore, #tpu.memory_space<semaphore_mem>>
      %dma_start3A_101 = arith.constant 0 : i32
      %dma_start3A_102 = tpu.memref_slice %arg6[%add3A_90, %dma_start3A_101] : memref<10240x128xf32, #tpu.memory_space<vmem_shared>> -> memref<80x128xf32, #tpu.memory_space<vmem_shared>>
      %dma_start3A_103 = arith.constant 0 : i32
      %dma_start3A_104 = tpu.memref_slice %arg6[%add3A_90, %dma_start3A_103] : memref<10240x128xf32, #tpu.memory_space<vmem_shared>> -> memref<80x128xf32, #tpu.memory_space<vmem_shared>>
      tpu.enqueue_dma source(%dma_start3A_104 : memref<80x128xf32, #tpu.memory_space<vmem_shared>>) target(%arg11 : memref<80x128xf32, #tpu.memory_space<vmem>>) target_semaphore(%run_scoped3A : memref<!tpu.dma_semaphore, #tpu.memory_space<semaphore_mem>>)
      %dma_wait3A_105 = arith.constant 0 : i32
      %dma_wait3A_106 = tpu.memref_slice %arg6[%add3A_90, %dma_wait3A_105] : memref<10240x128xf32, #tpu.memory_space<vmem_shared>> -> memref<80x128xf32, #tpu.memory_space<vmem_shared>>
      %dma_wait3A_107 = arith.constant 0 : i32
      %dma_wait3A_108 = tpu.memref_slice %arg6[%add3A_90, %dma_wait3A_107] : memref<10240x128xf32, #tpu.memory_space<vmem_shared>> -> memref<80x128xf32, #tpu.memory_space<vmem_shared>>
      tpu.wait_dma2 semaphore(%run_scoped3A : memref<!tpu.dma_semaphore, #tpu.memory_space<semaphore_mem>>) src(%dma_wait3A_108 : memref<80x128xf32, #tpu.memory_space<vmem_shared>>) dst(%arg11 : memref<80x128xf32, #tpu.memory_space<vmem>>)
      tpu.yield
    }) : () -> ()
    "tpu.region"() ({
      %run_scoped3A = tpu.sem_alloc : memref<!tpu.dma_semaphore, #tpu.memory_space<semaphore_mem>>
      %dma_start3A_101 = arith.constant 0 : i32
      %dma_start3A_102 = tpu.memref_slice %arg5[%arg0, %add3A_90, %dma_start3A_101] : memref<2x10240x128xf32, #tpu.memory_space<hbm>> -> memref<1x80x128xf32, #tpu.memory_space<hbm>>
      %dma_start3A_103 = tpu.memref_squeeze %dma_start3A_102 : memref<1x80x128xf32, #tpu.memory_space<hbm>> -> memref<80x128xf32, #tpu.memory_space<hbm>>
      %dma_start3A_104 = arith.constant 0 : i32
      %dma_start3A_105 = tpu.memref_slice %arg5[%arg0, %add3A_90, %dma_start3A_104] : memref<2x10240x128xf32, #tpu.memory_space<hbm>> -> memref<1x80x128xf32, #tpu.memory_space<hbm>>
      %dma_start3A_106 = tpu.memref_squeeze %dma_start3A_105 : memref<1x80x128xf32, #tpu.memory_space<hbm>> -> memref<80x128xf32, #tpu.memory_space<hbm>>
      tpu.enqueue_dma source(%arg11 : memref<80x128xf32, #tpu.memory_space<vmem>>) target(%dma_start3A_106 : memref<80x128xf32, #tpu.memory_space<hbm>>) target_semaphore(%run_scoped3A : memref<!tpu.dma_semaphore, #tpu.memory_space<semaphore_mem>>)
      %dma_wait3A_107 = arith.constant 0 : i32
      %dma_wait3A_108 = tpu.memref_slice %arg5[%arg0, %add3A_90, %dma_wait3A_107] : memref<2x10240x128xf32, #tpu.memory_space<hbm>> -> memref<1x80x128xf32, #tpu.memory_space<hbm>>
      %dma_wait3A_109 = tpu.memref_squeeze %dma_wait3A_108 : memref<1x80x128xf32, #tpu.memory_space<hbm>> -> memref<80x128xf32, #tpu.memory_space<hbm>>
      %dma_wait3A_110 = arith.constant 0 : i32
      %dma_wait3A_111 = tpu.memref_slice %arg5[%arg0, %add3A_90, %dma_wait3A_110] : memref<2x10240x128xf32, #tpu.memory_space<hbm>> -> memref<1x80x128xf32, #tpu.memory_space<hbm>>
      %dma_wait3A_112 = tpu.memref_squeeze %dma_wait3A_111 : memref<1x80x128xf32, #tpu.memory_space<hbm>> -> memref<80x128xf32, #tpu.memory_space<hbm>>
      tpu.wait_dma2 semaphore(%run_scoped3A : memref<!tpu.dma_semaphore, #tpu.memory_space<semaphore_mem>>) src(%arg11 : memref<80x128xf32, #tpu.memory_space<vmem>>) dst(%dma_wait3A_112 : memref<80x128xf32, #tpu.memory_space<hbm>>)
      tpu.yield
    }) : () -> ()
    %add3A_91 = arith.constant 240 : i32
    %add3A_92 = arith.addi %mul3A_6, %add3A_91 : i32
    "tpu.region"() ({
      %run_scoped3A = tpu.sem_alloc : memref<!tpu.dma_semaphore, #tpu.memory_space<semaphore_mem>>
      %dma_start3A_101 = arith.constant 0 : i32
      %dma_start3A_102 = tpu.memref_slice %arg6[%add3A_92, %dma_start3A_101] : memref<10240x128xf32, #tpu.memory_space<vmem_shared>> -> memref<80x128xf32, #tpu.memory_space<vmem_shared>>
      %dma_start3A_103 = arith.constant 0 : i32
      %dma_start3A_104 = tpu.memref_slice %arg6[%add3A_92, %dma_start3A_103] : memref<10240x128xf32, #tpu.memory_space<vmem_shared>> -> memref<80x128xf32, #tpu.memory_space<vmem_shared>>
      tpu.enqueue_dma source(%dma_start3A_104 : memref<80x128xf32, #tpu.memory_space<vmem_shared>>) target(%arg11 : memref<80x128xf32, #tpu.memory_space<vmem>>) target_semaphore(%run_scoped3A : memref<!tpu.dma_semaphore, #tpu.memory_space<semaphore_mem>>)
      %dma_wait3A_105 = arith.constant 0 : i32
      %dma_wait3A_106 = tpu.memref_slice %arg6[%add3A_92, %dma_wait3A_105] : memref<10240x128xf32, #tpu.memory_space<vmem_shared>> -> memref<80x128xf32, #tpu.memory_space<vmem_shared>>
      %dma_wait3A_107 = arith.constant 0 : i32
      %dma_wait3A_108 = tpu.memref_slice %arg6[%add3A_92, %dma_wait3A_107] : memref<10240x128xf32, #tpu.memory_space<vmem_shared>> -> memref<80x128xf32, #tpu.memory_space<vmem_shared>>
      tpu.wait_dma2 semaphore(%run_scoped3A : memref<!tpu.dma_semaphore, #tpu.memory_space<semaphore_mem>>) src(%dma_wait3A_108 : memref<80x128xf32, #tpu.memory_space<vmem_shared>>) dst(%arg11 : memref<80x128xf32, #tpu.memory_space<vmem>>)
      tpu.yield
    }) : () -> ()
    "tpu.region"() ({
      %run_scoped3A = tpu.sem_alloc : memref<!tpu.dma_semaphore, #tpu.memory_space<semaphore_mem>>
      %dma_start3A_101 = arith.constant 0 : i32
      %dma_start3A_102 = tpu.memref_slice %arg5[%arg0, %add3A_92, %dma_start3A_101] : memref<2x10240x128xf32, #tpu.memory_space<hbm>> -> memref<1x80x128xf32, #tpu.memory_space<hbm>>
      %dma_start3A_103 = tpu.memref_squeeze %dma_start3A_102 : memref<1x80x128xf32, #tpu.memory_space<hbm>> -> memref<80x128xf32, #tpu.memory_space<hbm>>
      %dma_start3A_104 = arith.constant 0 : i32
      %dma_start3A_105 = tpu.memref_slice %arg5[%arg0, %add3A_92, %dma_start3A_104] : memref<2x10240x128xf32, #tpu.memory_space<hbm>> -> memref<1x80x128xf32, #tpu.memory_space<hbm>>
      %dma_start3A_106 = tpu.memref_squeeze %dma_start3A_105 : memref<1x80x128xf32, #tpu.memory_space<hbm>> -> memref<80x128xf32, #tpu.memory_space<hbm>>
      tpu.enqueue_dma source(%arg11 : memref<80x128xf32, #tpu.memory_space<vmem>>) target(%dma_start3A_106 : memref<80x128xf32, #tpu.memory_space<hbm>>) target_semaphore(%run_scoped3A : memref<!tpu.dma_semaphore, #tpu.memory_space<semaphore_mem>>)
      %dma_wait3A_107 = arith.constant 0 : i32
      %dma_wait3A_108 = tpu.memref_slice %arg5[%arg0, %add3A_92, %dma_wait3A_107] : memref<2x10240x128xf32, #tpu.memory_space<hbm>> -> memref<1x80x128xf32, #tpu.memory_space<hbm>>
      %dma_wait3A_109 = tpu.memref_squeeze %dma_wait3A_108 : memref<1x80x128xf32, #tpu.memory_space<hbm>> -> memref<80x128xf32, #tpu.memory_space<hbm>>
      %dma_wait3A_110 = arith.constant 0 : i32
      %dma_wait3A_111 = tpu.memref_slice %arg5[%arg0, %add3A_92, %dma_wait3A_110] : memref<2x10240x128xf32, #tpu.memory_space<hbm>> -> memref<1x80x128xf32, #tpu.memory_space<hbm>>
      %dma_wait3A_112 = tpu.memref_squeeze %dma_wait3A_111 : memref<1x80x128xf32, #tpu.memory_space<hbm>> -> memref<80x128xf32, #tpu.memory_space<hbm>>
      tpu.wait_dma2 semaphore(%run_scoped3A : memref<!tpu.dma_semaphore, #tpu.memory_space<semaphore_mem>>) src(%arg11 : memref<80x128xf32, #tpu.memory_space<vmem>>) dst(%dma_wait3A_112 : memref<80x128xf32, #tpu.memory_space<hbm>>)
      tpu.yield
    }) : () -> ()
    %add3A_93 = arith.constant 320 : i32
    %add3A_94 = arith.addi %mul3A_6, %add3A_93 : i32
    "tpu.region"() ({
      %run_scoped3A = tpu.sem_alloc : memref<!tpu.dma_semaphore, #tpu.memory_space<semaphore_mem>>
      %dma_start3A_101 = arith.constant 0 : i32
      %dma_start3A_102 = tpu.memref_slice %arg6[%add3A_94, %dma_start3A_101] : memref<10240x128xf32, #tpu.memory_space<vmem_shared>> -> memref<80x128xf32, #tpu.memory_space<vmem_shared>>
      %dma_start3A_103 = arith.constant 0 : i32
      %dma_start3A_104 = tpu.memref_slice %arg6[%add3A_94, %dma_start3A_103] : memref<10240x128xf32, #tpu.memory_space<vmem_shared>> -> memref<80x128xf32, #tpu.memory_space<vmem_shared>>
      tpu.enqueue_dma source(%dma_start3A_104 : memref<80x128xf32, #tpu.memory_space<vmem_shared>>) target(%arg11 : memref<80x128xf32, #tpu.memory_space<vmem>>) target_semaphore(%run_scoped3A : memref<!tpu.dma_semaphore, #tpu.memory_space<semaphore_mem>>)
      %dma_wait3A_105 = arith.constant 0 : i32
      %dma_wait3A_106 = tpu.memref_slice %arg6[%add3A_94, %dma_wait3A_105] : memref<10240x128xf32, #tpu.memory_space<vmem_shared>> -> memref<80x128xf32, #tpu.memory_space<vmem_shared>>
      %dma_wait3A_107 = arith.constant 0 : i32
      %dma_wait3A_108 = tpu.memref_slice %arg6[%add3A_94, %dma_wait3A_107] : memref<10240x128xf32, #tpu.memory_space<vmem_shared>> -> memref<80x128xf32, #tpu.memory_space<vmem_shared>>
      tpu.wait_dma2 semaphore(%run_scoped3A : memref<!tpu.dma_semaphore, #tpu.memory_space<semaphore_mem>>) src(%dma_wait3A_108 : memref<80x128xf32, #tpu.memory_space<vmem_shared>>) dst(%arg11 : memref<80x128xf32, #tpu.memory_space<vmem>>)
      tpu.yield
    }) : () -> ()
    "tpu.region"() ({
      %run_scoped3A = tpu.sem_alloc : memref<!tpu.dma_semaphore, #tpu.memory_space<semaphore_mem>>
      %dma_start3A_101 = arith.constant 0 : i32
      %dma_start3A_102 = tpu.memref_slice %arg5[%arg0, %add3A_94, %dma_start3A_101] : memref<2x10240x128xf32, #tpu.memory_space<hbm>> -> memref<1x80x128xf32, #tpu.memory_space<hbm>>
      %dma_start3A_103 = tpu.memref_squeeze %dma_start3A_102 : memref<1x80x128xf32, #tpu.memory_space<hbm>> -> memref<80x128xf32, #tpu.memory_space<hbm>>
      %dma_start3A_104 = arith.constant 0 : i32
      %dma_start3A_105 = tpu.memref_slice %arg5[%arg0, %add3A_94, %dma_start3A_104] : memref<2x10240x128xf32, #tpu.memory_space<hbm>> -> memref<1x80x128xf32, #tpu.memory_space<hbm>>
      %dma_start3A_106 = tpu.memref_squeeze %dma_start3A_105 : memref<1x80x128xf32, #tpu.memory_space<hbm>> -> memref<80x128xf32, #tpu.memory_space<hbm>>
      tpu.enqueue_dma source(%arg11 : memref<80x128xf32, #tpu.memory_space<vmem>>) target(%dma_start3A_106 : memref<80x128xf32, #tpu.memory_space<hbm>>) target_semaphore(%run_scoped3A : memref<!tpu.dma_semaphore, #tpu.memory_space<semaphore_mem>>)
      %dma_wait3A_107 = arith.constant 0 : i32
      %dma_wait3A_108 = tpu.memref_slice %arg5[%arg0, %add3A_94, %dma_wait3A_107] : memref<2x10240x128xf32, #tpu.memory_space<hbm>> -> memref<1x80x128xf32, #tpu.memory_space<hbm>>
      %dma_wait3A_109 = tpu.memref_squeeze %dma_wait3A_108 : memref<1x80x128xf32, #tpu.memory_space<hbm>> -> memref<80x128xf32, #tpu.memory_space<hbm>>
      %dma_wait3A_110 = arith.constant 0 : i32
      %dma_wait3A_111 = tpu.memref_slice %arg5[%arg0, %add3A_94, %dma_wait3A_110] : memref<2x10240x128xf32, #tpu.memory_space<hbm>> -> memref<1x80x128xf32, #tpu.memory_space<hbm>>
      %dma_wait3A_112 = tpu.memref_squeeze %dma_wait3A_111 : memref<1x80x128xf32, #tpu.memory_space<hbm>> -> memref<80x128xf32, #tpu.memory_space<hbm>>
      tpu.wait_dma2 semaphore(%run_scoped3A : memref<!tpu.dma_semaphore, #tpu.memory_space<semaphore_mem>>) src(%arg11 : memref<80x128xf32, #tpu.memory_space<vmem>>) dst(%dma_wait3A_112 : memref<80x128xf32, #tpu.memory_space<hbm>>)
      tpu.yield
    }) : () -> ()
    %add3A_95 = arith.constant 400 : i32
    %add3A_96 = arith.addi %mul3A_6, %add3A_95 : i32
    "tpu.region"() ({
      %run_scoped3A = tpu.sem_alloc : memref<!tpu.dma_semaphore, #tpu.memory_space<semaphore_mem>>
      %dma_start3A_101 = arith.constant 0 : i32
      %dma_start3A_102 = tpu.memref_slice %arg6[%add3A_96, %dma_start3A_101] : memref<10240x128xf32, #tpu.memory_space<vmem_shared>> -> memref<80x128xf32, #tpu.memory_space<vmem_shared>>
      %dma_start3A_103 = arith.constant 0 : i32
      %dma_start3A_104 = tpu.memref_slice %arg6[%add3A_96, %dma_start3A_103] : memref<10240x128xf32, #tpu.memory_space<vmem_shared>> -> memref<80x128xf32, #tpu.memory_space<vmem_shared>>
      tpu.enqueue_dma source(%dma_start3A_104 : memref<80x128xf32, #tpu.memory_space<vmem_shared>>) target(%arg11 : memref<80x128xf32, #tpu.memory_space<vmem>>) target_semaphore(%run_scoped3A : memref<!tpu.dma_semaphore, #tpu.memory_space<semaphore_mem>>)
      %dma_wait3A_105 = arith.constant 0 : i32
      %dma_wait3A_106 = tpu.memref_slice %arg6[%add3A_96, %dma_wait3A_105] : memref<10240x128xf32, #tpu.memory_space<vmem_shared>> -> memref<80x128xf32, #tpu.memory_space<vmem_shared>>
      %dma_wait3A_107 = arith.constant 0 : i32
      %dma_wait3A_108 = tpu.memref_slice %arg6[%add3A_96, %dma_wait3A_107] : memref<10240x128xf32, #tpu.memory_space<vmem_shared>> -> memref<80x128xf32, #tpu.memory_space<vmem_shared>>
      tpu.wait_dma2 semaphore(%run_scoped3A : memref<!tpu.dma_semaphore, #tpu.memory_space<semaphore_mem>>) src(%dma_wait3A_108 : memref<80x128xf32, #tpu.memory_space<vmem_shared>>) dst(%arg11 : memref<80x128xf32, #tpu.memory_space<vmem>>)
      tpu.yield
    }) : () -> ()
    "tpu.region"() ({
      %run_scoped3A = tpu.sem_alloc : memref<!tpu.dma_semaphore, #tpu.memory_space<semaphore_mem>>
      %dma_start3A_101 = arith.constant 0 : i32
      %dma_start3A_102 = tpu.memref_slice %arg5[%arg0, %add3A_96, %dma_start3A_101] : memref<2x10240x128xf32, #tpu.memory_space<hbm>> -> memref<1x80x128xf32, #tpu.memory_space<hbm>>
      %dma_start3A_103 = tpu.memref_squeeze %dma_start3A_102 : memref<1x80x128xf32, #tpu.memory_space<hbm>> -> memref<80x128xf32, #tpu.memory_space<hbm>>
      %dma_start3A_104 = arith.constant 0 : i32
      %dma_start3A_105 = tpu.memref_slice %arg5[%arg0, %add3A_96, %dma_start3A_104] : memref<2x10240x128xf32, #tpu.memory_space<hbm>> -> memref<1x80x128xf32, #tpu.memory_space<hbm>>
      %dma_start3A_106 = tpu.memref_squeeze %dma_start3A_105 : memref<1x80x128xf32, #tpu.memory_space<hbm>> -> memref<80x128xf32, #tpu.memory_space<hbm>>
      tpu.enqueue_dma source(%arg11 : memref<80x128xf32, #tpu.memory_space<vmem>>) target(%dma_start3A_106 : memref<80x128xf32, #tpu.memory_space<hbm>>) target_semaphore(%run_scoped3A : memref<!tpu.dma_semaphore, #tpu.memory_space<semaphore_mem>>)
      %dma_wait3A_107 = arith.constant 0 : i32
      %dma_wait3A_108 = tpu.memref_slice %arg5[%arg0, %add3A_96, %dma_wait3A_107] : memref<2x10240x128xf32, #tpu.memory_space<hbm>> -> memref<1x80x128xf32, #tpu.memory_space<hbm>>
      %dma_wait3A_109 = tpu.memref_squeeze %dma_wait3A_108 : memref<1x80x128xf32, #tpu.memory_space<hbm>> -> memref<80x128xf32, #tpu.memory_space<hbm>>
      %dma_wait3A_110 = arith.constant 0 : i32
      %dma_wait3A_111 = tpu.memref_slice %arg5[%arg0, %add3A_96, %dma_wait3A_110] : memref<2x10240x128xf32, #tpu.memory_space<hbm>> -> memref<1x80x128xf32, #tpu.memory_space<hbm>>
      %dma_wait3A_112 = tpu.memref_squeeze %dma_wait3A_111 : memref<1x80x128xf32, #tpu.memory_space<hbm>> -> memref<80x128xf32, #tpu.memory_space<hbm>>
      tpu.wait_dma2 semaphore(%run_scoped3A : memref<!tpu.dma_semaphore, #tpu.memory_space<semaphore_mem>>) src(%arg11 : memref<80x128xf32, #tpu.memory_space<vmem>>) dst(%dma_wait3A_112 : memref<80x128xf32, #tpu.memory_space<hbm>>)
      tpu.yield
    }) : () -> ()
    %add3A_97 = arith.constant 480 : i32
    %add3A_98 = arith.addi %mul3A_6, %add3A_97 : i32
    "tpu.region"() ({
      %run_scoped3A = tpu.sem_alloc : memref<!tpu.dma_semaphore, #tpu.memory_space<semaphore_mem>>
      %dma_start3A_101 = arith.constant 0 : i32
      %dma_start3A_102 = tpu.memref_slice %arg6[%add3A_98, %dma_start3A_101] : memref<10240x128xf32, #tpu.memory_space<vmem_shared>> -> memref<80x128xf32, #tpu.memory_space<vmem_shared>>
      %dma_start3A_103 = arith.constant 0 : i32
      %dma_start3A_104 = tpu.memref_slice %arg6[%add3A_98, %dma_start3A_103] : memref<10240x128xf32, #tpu.memory_space<vmem_shared>> -> memref<80x128xf32, #tpu.memory_space<vmem_shared>>
      tpu.enqueue_dma source(%dma_start3A_104 : memref<80x128xf32, #tpu.memory_space<vmem_shared>>) target(%arg11 : memref<80x128xf32, #tpu.memory_space<vmem>>) target_semaphore(%run_scoped3A : memref<!tpu.dma_semaphore, #tpu.memory_space<semaphore_mem>>)
      %dma_wait3A_105 = arith.constant 0 : i32
      %dma_wait3A_106 = tpu.memref_slice %arg6[%add3A_98, %dma_wait3A_105] : memref<10240x128xf32, #tpu.memory_space<vmem_shared>> -> memref<80x128xf32, #tpu.memory_space<vmem_shared>>
      %dma_wait3A_107 = arith.constant 0 : i32
      %dma_wait3A_108 = tpu.memref_slice %arg6[%add3A_98, %dma_wait3A_107] : memref<10240x128xf32, #tpu.memory_space<vmem_shared>> -> memref<80x128xf32, #tpu.memory_space<vmem_shared>>
      tpu.wait_dma2 semaphore(%run_scoped3A : memref<!tpu.dma_semaphore, #tpu.memory_space<semaphore_mem>>) src(%dma_wait3A_108 : memref<80x128xf32, #tpu.memory_space<vmem_shared>>) dst(%arg11 : memref<80x128xf32, #tpu.memory_space<vmem>>)
      tpu.yield
    }) : () -> ()
    "tpu.region"() ({
      %run_scoped3A = tpu.sem_alloc : memref<!tpu.dma_semaphore, #tpu.memory_space<semaphore_mem>>
      %dma_start3A_101 = arith.constant 0 : i32
      %dma_start3A_102 = tpu.memref_slice %arg5[%arg0, %add3A_98, %dma_start3A_101] : memref<2x10240x128xf32, #tpu.memory_space<hbm>> -> memref<1x80x128xf32, #tpu.memory_space<hbm>>
      %dma_start3A_103 = tpu.memref_squeeze %dma_start3A_102 : memref<1x80x128xf32, #tpu.memory_space<hbm>> -> memref<80x128xf32, #tpu.memory_space<hbm>>
      %dma_start3A_104 = arith.constant 0 : i32
      %dma_start3A_105 = tpu.memref_slice %arg5[%arg0, %add3A_98, %dma_start3A_104] : memref<2x10240x128xf32, #tpu.memory_space<hbm>> -> memref<1x80x128xf32, #tpu.memory_space<hbm>>
      %dma_start3A_106 = tpu.memref_squeeze %dma_start3A_105 : memref<1x80x128xf32, #tpu.memory_space<hbm>> -> memref<80x128xf32, #tpu.memory_space<hbm>>
      tpu.enqueue_dma source(%arg11 : memref<80x128xf32, #tpu.memory_space<vmem>>) target(%dma_start3A_106 : memref<80x128xf32, #tpu.memory_space<hbm>>) target_semaphore(%run_scoped3A : memref<!tpu.dma_semaphore, #tpu.memory_space<semaphore_mem>>)
      %dma_wait3A_107 = arith.constant 0 : i32
      %dma_wait3A_108 = tpu.memref_slice %arg5[%arg0, %add3A_98, %dma_wait3A_107] : memref<2x10240x128xf32, #tpu.memory_space<hbm>> -> memref<1x80x128xf32, #tpu.memory_space<hbm>>
      %dma_wait3A_109 = tpu.memref_squeeze %dma_wait3A_108 : memref<1x80x128xf32, #tpu.memory_space<hbm>> -> memref<80x128xf32, #tpu.memory_space<hbm>>
      %dma_wait3A_110 = arith.constant 0 : i32
      %dma_wait3A_111 = tpu.memref_slice %arg5[%arg0, %add3A_98, %dma_wait3A_110] : memref<2x10240x128xf32, #tpu.memory_space<hbm>> -> memref<1x80x128xf32, #tpu.memory_space<hbm>>
      %dma_wait3A_112 = tpu.memref_squeeze %dma_wait3A_111 : memref<1x80x128xf32, #tpu.memory_space<hbm>> -> memref<80x128xf32, #tpu.memory_space<hbm>>
      tpu.wait_dma2 semaphore(%run_scoped3A : memref<!tpu.dma_semaphore, #tpu.memory_space<semaphore_mem>>) src(%arg11 : memref<80x128xf32, #tpu.memory_space<vmem>>) dst(%dma_wait3A_112 : memref<80x128xf32, #tpu.memory_space<hbm>>)
      tpu.yield
    }) : () -> ()
    %add3A_99 = arith.constant 560 : i32
    %add3A_100 = arith.addi %mul3A_6, %add3A_99 : i32
    "tpu.region"() ({
      %run_scoped3A = tpu.sem_alloc : memref<!tpu.dma_semaphore, #tpu.memory_space<semaphore_mem>>
      %dma_start3A_101 = arith.constant 0 : i32
      %dma_start3A_102 = tpu.memref_slice %arg6[%add3A_100, %dma_start3A_101] : memref<10240x128xf32, #tpu.memory_space<vmem_shared>> -> memref<80x128xf32, #tpu.memory_space<vmem_shared>>
      %dma_start3A_103 = arith.constant 0 : i32
      %dma_start3A_104 = tpu.memref_slice %arg6[%add3A_100, %dma_start3A_103] : memref<10240x128xf32, #tpu.memory_space<vmem_shared>> -> memref<80x128xf32, #tpu.memory_space<vmem_shared>>
      tpu.enqueue_dma source(%dma_start3A_104 : memref<80x128xf32, #tpu.memory_space<vmem_shared>>) target(%arg11 : memref<80x128xf32, #tpu.memory_space<vmem>>) target_semaphore(%run_scoped3A : memref<!tpu.dma_semaphore, #tpu.memory_space<semaphore_mem>>)
      %dma_wait3A_105 = arith.constant 0 : i32
      %dma_wait3A_106 = tpu.memref_slice %arg6[%add3A_100, %dma_wait3A_105] : memref<10240x128xf32, #tpu.memory_space<vmem_shared>> -> memref<80x128xf32, #tpu.memory_space<vmem_shared>>
      %dma_wait3A_107 = arith.constant 0 : i32
      %dma_wait3A_108 = tpu.memref_slice %arg6[%add3A_100, %dma_wait3A_107] : memref<10240x128xf32, #tpu.memory_space<vmem_shared>> -> memref<80x128xf32, #tpu.memory_space<vmem_shared>>
      tpu.wait_dma2 semaphore(%run_scoped3A : memref<!tpu.dma_semaphore, #tpu.memory_space<semaphore_mem>>) src(%dma_wait3A_108 : memref<80x128xf32, #tpu.memory_space<vmem_shared>>) dst(%arg11 : memref<80x128xf32, #tpu.memory_space<vmem>>)
      tpu.yield
    }) : () -> ()
    "tpu.region"() ({
      %run_scoped3A = tpu.sem_alloc : memref<!tpu.dma_semaphore, #tpu.memory_space<semaphore_mem>>
      %dma_start3A_101 = arith.constant 0 : i32
      %dma_start3A_102 = tpu.memref_slice %arg5[%arg0, %add3A_100, %dma_start3A_101] : memref<2x10240x128xf32, #tpu.memory_space<hbm>> -> memref<1x80x128xf32, #tpu.memory_space<hbm>>
      %dma_start3A_103 = tpu.memref_squeeze %dma_start3A_102 : memref<1x80x128xf32, #tpu.memory_space<hbm>> -> memref<80x128xf32, #tpu.memory_space<hbm>>
      %dma_start3A_104 = arith.constant 0 : i32
      %dma_start3A_105 = tpu.memref_slice %arg5[%arg0, %add3A_100, %dma_start3A_104] : memref<2x10240x128xf32, #tpu.memory_space<hbm>> -> memref<1x80x128xf32, #tpu.memory_space<hbm>>
      %dma_start3A_106 = tpu.memref_squeeze %dma_start3A_105 : memref<1x80x128xf32, #tpu.memory_space<hbm>> -> memref<80x128xf32, #tpu.memory_space<hbm>>
      tpu.enqueue_dma source(%arg11 : memref<80x128xf32, #tpu.memory_space<vmem>>) target(%dma_start3A_106 : memref<80x128xf32, #tpu.memory_space<hbm>>) target_semaphore(%run_scoped3A : memref<!tpu.dma_semaphore, #tpu.memory_space<semaphore_mem>>)
      %dma_wait3A_107 = arith.constant 0 : i32
      %dma_wait3A_108 = tpu.memref_slice %arg5[%arg0, %add3A_100, %dma_wait3A_107] : memref<2x10240x128xf32, #tpu.memory_space<hbm>> -> memref<1x80x128xf32, #tpu.memory_space<hbm>>
      %dma_wait3A_109 = tpu.memref_squeeze %dma_wait3A_108 : memref<1x80x128xf32, #tpu.memory_space<hbm>> -> memref<80x128xf32, #tpu.memory_space<hbm>>
      %dma_wait3A_110 = arith.constant 0 : i32
      %dma_wait3A_111 = tpu.memref_slice %arg5[%arg0, %add3A_100, %dma_wait3A_110] : memref<2x10240x128xf32, #tpu.memory_space<hbm>> -> memref<1x80x128xf32, #tpu.memory_space<hbm>>
      %dma_wait3A_112 = tpu.memref_squeeze %dma_wait3A_111 : memref<1x80x128xf32, #tpu.memory_space<hbm>> -> memref<80x128xf32, #tpu.memory_space<hbm>>
      tpu.wait_dma2 semaphore(%run_scoped3A : memref<!tpu.dma_semaphore, #tpu.memory_space<semaphore_mem>>) src(%arg11 : memref<80x128xf32, #tpu.memory_space<vmem>>) dst(%dma_wait3A_112 : memref<80x128xf32, #tpu.memory_space<hbm>>)
      tpu.yield
    }) : () -> ()
    return
  }
}

#map = affine_map<(d0, d1) -> (0)>
#map1 = affine_map<(d0, d1) -> (0, 0, 0)>
module attributes {stable_mosaic.version = 14 : i64} {
  func.func @sc_pay(%arg0: i32, %arg1: i32, %arg2: memref<320000xi32, #tpu.memory_space<hbm>>, %arg3: memref<320000xf32, #tpu.memory_space<hbm>>, %arg4: memref<320000xf32, #tpu.memory_space<hbm>>, %arg5: memref<320000xf32, #tpu.memory_space<hbm>>, %arg6: memref<320000xf32, #tpu.memory_space<hbm>>, %arg7: memref<2x16x51200xf32, #tpu.memory_space<hbm>>, %arg8: memref<51200xf32, #tpu.memory_space<vmem>>, %arg9: memref<512xi32, #tpu.memory_space<vmem>>, %arg10: memref<512xf32, #tpu.memory_space<vmem>>, %arg11: memref<512xf32, #tpu.memory_space<vmem>>, %arg12: memref<512xf32, #tpu.memory_space<vmem>>, %arg13: memref<512xf32, #tpu.memory_space<vmem>>, %arg14: memref<!tpu.dma_semaphore, #tpu.memory_space<semaphore_mem>>) attributes {dimension_semantics = [#tpu.dimension_semantics<core_parallel>, #tpu.dimension_semantics<subcore_parallel>], iteration_bounds = array<i64: 2, 16>, scalar_prefetch = 0 : i64, scratch_operands = 7 : i64, tpu.core_type = #tpu.core_type<sc_vector_subcore>, window_params = [{transform_indices = #map}, {transform_indices = #map}, {transform_indices = #map}, {transform_indices = #map}, {transform_indices = #map}, {transform_indices = #map1}]} {
    %mul3A = arith.constant 2 : i32
    %mul3A_0 = arith.muli %arg1, %mul3A : i32
    %add3A = arith.addi %mul3A_0, %arg0 : i32
    %lt3A = arith.constant 17 : i32
    %lt3A_1 = arith.cmpi slt, %add3A, %lt3A : i32
    %jit3A = arith.constant 1 : i32
    %jit3A_2 = arith.constant 0 : i32
    %select_n3A = arith.select %lt3A_1, %jit3A, %jit3A_2 : i32
    %add3A_3 = arith.constant 19 : i32
    %add3A_4 = arith.addi %add3A_3, %select_n3A : i32
    %scan3A = arith.constant 0 : i32
    %scan3A_5 = arith.constant 3200 : i32
    %scan3A_6 = arith.addi %scan3A, %scan3A_5 : i32
    %scan3A_7 = arith.constant 1 : i32
    scf.for %scan3A_18 = %scan3A to %scan3A_6 step %scan3A_7  : i32 {
      %broadcast_in_dim3A_19 = arith.constant 0.000000e+00 : f32
      %broadcast_in_dim3A_20 = vector.broadcast %broadcast_in_dim3A_19 : f32 to vector<16xf32>
      %mul3A_21 = arith.constant 16 : i32
      %mul3A_22 = arith.muli %scan3A_18, %mul3A_21 : i32
      %swap3A = arith.index_cast %mul3A_22 : i32 to index
      %swap3A_23 = tpu.vector_load %arg8[%swap3A] {strides = array<i32>} : memref<51200xf32, #tpu.memory_space<vmem>>, vector<16xf32>,
      tpu.vector_store %arg8[%swap3A], %broadcast_in_dim3A_20 {strides = array<i32>} : memref<51200xf32, #tpu.memory_space<vmem>>, vector<16xf32>,
    }
    %scan3A_8 = arith.constant 3200 : i32
    %broadcast_in_dim3A = arith.constant 1.000000e+00 : f32
    %broadcast_in_dim3A_9 = vector.broadcast %broadcast_in_dim3A : f32 to vector<16xf32>
    %while3A = arith.constant 0 : i32
    %while3A_10 = arith.subi %add3A_4, %while3A : i32
    %while3A_11 = arith.addi %while3A, %while3A_10 : i32
    %while3A_12 = arith.constant 1 : i32
    %while3A_13 = arith.divsi %while3A_10, %while3A_12 : i32
    %while3A_14 = arith.muli %while3A_13, %while3A_12 : i32
    %while3A_15 = arith.addi %while3A, %while3A_14 : i32
    %while3A_16 = arith.constant 1 : i32
    scf.for %while3A_18 = %while3A to %while3A_15 step %while3A_16  : i32 {
      %mul3A_19 = arith.constant 32 : i32
      %mul3A_20 = arith.muli %mul3A_19, %while3A_18 : i32
      %add3A_21 = arith.addi %add3A, %mul3A_20 : i32
      %mul3A_22 = arith.constant 512 : i32
      %mul3A_23 = arith.muli %add3A_21, %mul3A_22 : i32
      %dma_start3A = tpu.memref_slice %arg2[%mul3A_23] : memref<320000xi32, #tpu.memory_space<hbm>> -> memref<512xi32, #tpu.memory_space<hbm>>
      %dma_start3A_24 = tpu.memref_slice %arg2[%mul3A_23] : memref<320000xi32, #tpu.memory_space<hbm>> -> memref<512xi32, #tpu.memory_space<hbm>>
      tpu.enqueue_dma source(%dma_start3A_24 : memref<512xi32, #tpu.memory_space<hbm>>) target(%arg9 : memref<512xi32, #tpu.memory_space<vmem>>) target_semaphore(%arg14 : memref<!tpu.dma_semaphore, #tpu.memory_space<semaphore_mem>>)
      %dma_start3A_25 = tpu.memref_slice %arg3[%mul3A_23] : memref<320000xf32, #tpu.memory_space<hbm>> -> memref<512xf32, #tpu.memory_space<hbm>>
      %dma_start3A_26 = tpu.memref_slice %arg3[%mul3A_23] : memref<320000xf32, #tpu.memory_space<hbm>> -> memref<512xf32, #tpu.memory_space<hbm>>
      tpu.enqueue_dma source(%dma_start3A_26 : memref<512xf32, #tpu.memory_space<hbm>>) target(%arg10 : memref<512xf32, #tpu.memory_space<vmem>>) target_semaphore(%arg14 : memref<!tpu.dma_semaphore, #tpu.memory_space<semaphore_mem>>)
      %dma_start3A_27 = tpu.memref_slice %arg4[%mul3A_23] : memref<320000xf32, #tpu.memory_space<hbm>> -> memref<512xf32, #tpu.memory_space<hbm>>
      %dma_start3A_28 = tpu.memref_slice %arg4[%mul3A_23] : memref<320000xf32, #tpu.memory_space<hbm>> -> memref<512xf32, #tpu.memory_space<hbm>>
      tpu.enqueue_dma source(%dma_start3A_28 : memref<512xf32, #tpu.memory_space<hbm>>) target(%arg11 : memref<512xf32, #tpu.memory_space<vmem>>) target_semaphore(%arg14 : memref<!tpu.dma_semaphore, #tpu.memory_space<semaphore_mem>>)
      %dma_start3A_29 = tpu.memref_slice %arg5[%mul3A_23] : memref<320000xf32, #tpu.memory_space<hbm>> -> memref<512xf32, #tpu.memory_space<hbm>>
      %dma_start3A_30 = tpu.memref_slice %arg5[%mul3A_23] : memref<320000xf32, #tpu.memory_space<hbm>> -> memref<512xf32, #tpu.memory_space<hbm>>
      tpu.enqueue_dma source(%dma_start3A_30 : memref<512xf32, #tpu.memory_space<hbm>>) target(%arg12 : memref<512xf32, #tpu.memory_space<vmem>>) target_semaphore(%arg14 : memref<!tpu.dma_semaphore, #tpu.memory_space<semaphore_mem>>)
      %dma_start3A_31 = tpu.memref_slice %arg6[%mul3A_23] : memref<320000xf32, #tpu.memory_space<hbm>> -> memref<512xf32, #tpu.memory_space<hbm>>
      %dma_start3A_32 = tpu.memref_slice %arg6[%mul3A_23] : memref<320000xf32, #tpu.memory_space<hbm>> -> memref<512xf32, #tpu.memory_space<hbm>>
      tpu.enqueue_dma source(%dma_start3A_32 : memref<512xf32, #tpu.memory_space<hbm>>) target(%arg13 : memref<512xf32, #tpu.memory_space<vmem>>) target_semaphore(%arg14 : memref<!tpu.dma_semaphore, #tpu.memory_space<semaphore_mem>>)
      %dma_wait3A = tpu.memref_slice %arg2[%mul3A_23] : memref<320000xi32, #tpu.memory_space<hbm>> -> memref<512xi32, #tpu.memory_space<hbm>>
      %dma_wait3A_33 = tpu.memref_slice %arg2[%mul3A_23] : memref<320000xi32, #tpu.memory_space<hbm>> -> memref<512xi32, #tpu.memory_space<hbm>>
      tpu.wait_dma2 semaphore(%arg14 : memref<!tpu.dma_semaphore, #tpu.memory_space<semaphore_mem>>) src(%dma_wait3A_33 : memref<512xi32, #tpu.memory_space<hbm>>) dst(%arg9 : memref<512xi32, #tpu.memory_space<vmem>>)
      %dma_wait3A_34 = tpu.memref_slice %arg3[%mul3A_23] : memref<320000xf32, #tpu.memory_space<hbm>> -> memref<512xf32, #tpu.memory_space<hbm>>
      %dma_wait3A_35 = tpu.memref_slice %arg3[%mul3A_23] : memref<320000xf32, #tpu.memory_space<hbm>> -> memref<512xf32, #tpu.memory_space<hbm>>
      tpu.wait_dma2 semaphore(%arg14 : memref<!tpu.dma_semaphore, #tpu.memory_space<semaphore_mem>>) src(%dma_wait3A_35 : memref<512xf32, #tpu.memory_space<hbm>>) dst(%arg10 : memref<512xf32, #tpu.memory_space<vmem>>)
      %dma_wait3A_36 = tpu.memref_slice %arg4[%mul3A_23] : memref<320000xf32, #tpu.memory_space<hbm>> -> memref<512xf32, #tpu.memory_space<hbm>>
      %dma_wait3A_37 = tpu.memref_slice %arg4[%mul3A_23] : memref<320000xf32, #tpu.memory_space<hbm>> -> memref<512xf32, #tpu.memory_space<hbm>>
      tpu.wait_dma2 semaphore(%arg14 : memref<!tpu.dma_semaphore, #tpu.memory_space<semaphore_mem>>) src(%dma_wait3A_37 : memref<512xf32, #tpu.memory_space<hbm>>) dst(%arg11 : memref<512xf32, #tpu.memory_space<vmem>>)
      %dma_wait3A_38 = tpu.memref_slice %arg5[%mul3A_23] : memref<320000xf32, #tpu.memory_space<hbm>> -> memref<512xf32, #tpu.memory_space<hbm>>
      %dma_wait3A_39 = tpu.memref_slice %arg5[%mul3A_23] : memref<320000xf32, #tpu.memory_space<hbm>> -> memref<512xf32, #tpu.memory_space<hbm>>
      tpu.wait_dma2 semaphore(%arg14 : memref<!tpu.dma_semaphore, #tpu.memory_space<semaphore_mem>>) src(%dma_wait3A_39 : memref<512xf32, #tpu.memory_space<hbm>>) dst(%arg12 : memref<512xf32, #tpu.memory_space<vmem>>)
      %dma_wait3A_40 = tpu.memref_slice %arg6[%mul3A_23] : memref<320000xf32, #tpu.memory_space<hbm>> -> memref<512xf32, #tpu.memory_space<hbm>>
      %dma_wait3A_41 = tpu.memref_slice %arg6[%mul3A_23] : memref<320000xf32, #tpu.memory_space<hbm>> -> memref<512xf32, #tpu.memory_space<hbm>>
      tpu.wait_dma2 semaphore(%arg14 : memref<!tpu.dma_semaphore, #tpu.memory_space<semaphore_mem>>) src(%dma_wait3A_41 : memref<512xf32, #tpu.memory_space<hbm>>) dst(%arg13 : memref<512xf32, #tpu.memory_space<vmem>>)
      %scan3A_42 = arith.constant 0 : i32
      %scan3A_43 = arith.constant 32 : i32
      %scan3A_44 = arith.addi %scan3A_42, %scan3A_43 : i32
      %scan3A_45 = arith.constant 1 : i32
      scf.for %scan3A_47 = %scan3A_42 to %scan3A_44 step %scan3A_45  : i32 {
        %mul3A_48 = arith.constant 16 : i32
        %mul3A_49 = arith.muli %scan3A_47, %mul3A_48 : i32
        %get3A = arith.index_cast %mul3A_49 : i32 to index
        %get3A_50 = tpu.vector_load %arg9[%get3A] {strides = array<i32>} : memref<512xi32, #tpu.memory_space<vmem>>, vector<16xi32>,
        %mul3A_51 = arith.constant 5 : i32
        %mul3A_52 = vector.broadcast %mul3A_51 : i32 to vector<16xi32>
        %mul3A_53 = arith.muli %get3A_50, %mul3A_52 : vector<16xi32>
        %get3A_54 = arith.index_cast %mul3A_49 : i32 to index
        %get3A_55 = tpu.vector_load %arg10[%get3A_54] {strides = array<i32>} : memref<512xf32, #tpu.memory_space<vmem>>, vector<16xf32>,
        tpu.vector_store_idx %arg8[%mul3A_53], %get3A_55 {add = true} : memref<51200xf32, #tpu.memory_space<vmem>>[vector<16xi32>], vector<16xf32>,
        %add3A_56 = arith.constant 1 : i32
        %add3A_57 = vector.broadcast %add3A_56 : i32 to vector<16xi32>
        %add3A_58 = arith.addi %mul3A_53, %add3A_57 : vector<16xi32>
        %get3A_59 = arith.index_cast %mul3A_49 : i32 to index
        %get3A_60 = tpu.vector_load %arg11[%get3A_59] {strides = array<i32>} : memref<512xf32, #tpu.memory_space<vmem>>, vector<16xf32>,
        tpu.vector_store_idx %arg8[%add3A_58], %get3A_60 {add = true} : memref<51200xf32, #tpu.memory_space<vmem>>[vector<16xi32>], vector<16xf32>,
        %add3A_61 = arith.constant 2 : i32
        %add3A_62 = vector.broadcast %add3A_61 : i32 to vector<16xi32>
        %add3A_63 = arith.addi %mul3A_53, %add3A_62 : vector<16xi32>
        %get3A_64 = arith.index_cast %mul3A_49 : i32 to index
        %get3A_65 = tpu.vector_load %arg12[%get3A_64] {strides = array<i32>} : memref<512xf32, #tpu.memory_space<vmem>>, vector<16xf32>,
        tpu.vector_store_idx %arg8[%add3A_63], %get3A_65 {add = true} : memref<51200xf32, #tpu.memory_space<vmem>>[vector<16xi32>], vector<16xf32>,
        %add3A_66 = arith.constant 3 : i32
        %add3A_67 = vector.broadcast %add3A_66 : i32 to vector<16xi32>
        %add3A_68 = arith.addi %mul3A_53, %add3A_67 : vector<16xi32>
        %get3A_69 = arith.index_cast %mul3A_49 : i32 to index
        %get3A_70 = tpu.vector_load %arg13[%get3A_69] {strides = array<i32>} : memref<512xf32, #tpu.memory_space<vmem>>, vector<16xf32>,
        tpu.vector_store_idx %arg8[%add3A_68], %get3A_70 {add = true} : memref<51200xf32, #tpu.memory_space<vmem>>[vector<16xi32>], vector<16xf32>,
        %add3A_71 = arith.constant 4 : i32
        %add3A_72 = vector.broadcast %add3A_71 : i32 to vector<16xi32>
        %add3A_73 = arith.addi %mul3A_53, %add3A_72 : vector<16xi32>
        tpu.vector_store_idx %arg8[%add3A_73], %broadcast_in_dim3A_9 {add = true} : memref<51200xf32, #tpu.memory_space<vmem>>[vector<16xi32>], vector<16xf32>,
      }
      %scan3A_46 = arith.constant 32 : i32
    }
    %while3A_17 = arith.constant 1 : i32
    scf.for %while3A_18 = %while3A_15 to %while3A_11 step %while3A_17  : i32 {
      %mul3A_19 = arith.constant 32 : i32
      %mul3A_20 = arith.muli %mul3A_19, %while3A_18 : i32
      %add3A_21 = arith.addi %add3A, %mul3A_20 : i32
      %mul3A_22 = arith.constant 512 : i32
      %mul3A_23 = arith.muli %add3A_21, %mul3A_22 : i32
      %dma_start3A = tpu.memref_slice %arg2[%mul3A_23] : memref<320000xi32, #tpu.memory_space<hbm>> -> memref<512xi32, #tpu.memory_space<hbm>>
      %dma_start3A_24 = tpu.memref_slice %arg2[%mul3A_23] : memref<320000xi32, #tpu.memory_space<hbm>> -> memref<512xi32, #tpu.memory_space<hbm>>
      tpu.enqueue_dma source(%dma_start3A_24 : memref<512xi32, #tpu.memory_space<hbm>>) target(%arg9 : memref<512xi32, #tpu.memory_space<vmem>>) target_semaphore(%arg14 : memref<!tpu.dma_semaphore, #tpu.memory_space<semaphore_mem>>)
      %dma_start3A_25 = tpu.memref_slice %arg3[%mul3A_23] : memref<320000xf32, #tpu.memory_space<hbm>> -> memref<512xf32, #tpu.memory_space<hbm>>
      %dma_start3A_26 = tpu.memref_slice %arg3[%mul3A_23] : memref<320000xf32, #tpu.memory_space<hbm>> -> memref<512xf32, #tpu.memory_space<hbm>>
      tpu.enqueue_dma source(%dma_start3A_26 : memref<512xf32, #tpu.memory_space<hbm>>) target(%arg10 : memref<512xf32, #tpu.memory_space<vmem>>) target_semaphore(%arg14 : memref<!tpu.dma_semaphore, #tpu.memory_space<semaphore_mem>>)
      %dma_start3A_27 = tpu.memref_slice %arg4[%mul3A_23] : memref<320000xf32, #tpu.memory_space<hbm>> -> memref<512xf32, #tpu.memory_space<hbm>>
      %dma_start3A_28 = tpu.memref_slice %arg4[%mul3A_23] : memref<320000xf32, #tpu.memory_space<hbm>> -> memref<512xf32, #tpu.memory_space<hbm>>
      tpu.enqueue_dma source(%dma_start3A_28 : memref<512xf32, #tpu.memory_space<hbm>>) target(%arg11 : memref<512xf32, #tpu.memory_space<vmem>>) target_semaphore(%arg14 : memref<!tpu.dma_semaphore, #tpu.memory_space<semaphore_mem>>)
      %dma_start3A_29 = tpu.memref_slice %arg5[%mul3A_23] : memref<320000xf32, #tpu.memory_space<hbm>> -> memref<512xf32, #tpu.memory_space<hbm>>
      %dma_start3A_30 = tpu.memref_slice %arg5[%mul3A_23] : memref<320000xf32, #tpu.memory_space<hbm>> -> memref<512xf32, #tpu.memory_space<hbm>>
      tpu.enqueue_dma source(%dma_start3A_30 : memref<512xf32, #tpu.memory_space<hbm>>) target(%arg12 : memref<512xf32, #tpu.memory_space<vmem>>) target_semaphore(%arg14 : memref<!tpu.dma_semaphore, #tpu.memory_space<semaphore_mem>>)
      %dma_start3A_31 = tpu.memref_slice %arg6[%mul3A_23] : memref<320000xf32, #tpu.memory_space<hbm>> -> memref<512xf32, #tpu.memory_space<hbm>>
      %dma_start3A_32 = tpu.memref_slice %arg6[%mul3A_23] : memref<320000xf32, #tpu.memory_space<hbm>> -> memref<512xf32, #tpu.memory_space<hbm>>
      tpu.enqueue_dma source(%dma_start3A_32 : memref<512xf32, #tpu.memory_space<hbm>>) target(%arg13 : memref<512xf32, #tpu.memory_space<vmem>>) target_semaphore(%arg14 : memref<!tpu.dma_semaphore, #tpu.memory_space<semaphore_mem>>)
      %dma_wait3A = tpu.memref_slice %arg2[%mul3A_23] : memref<320000xi32, #tpu.memory_space<hbm>> -> memref<512xi32, #tpu.memory_space<hbm>>
      %dma_wait3A_33 = tpu.memref_slice %arg2[%mul3A_23] : memref<320000xi32, #tpu.memory_space<hbm>> -> memref<512xi32, #tpu.memory_space<hbm>>
      tpu.wait_dma2 semaphore(%arg14 : memref<!tpu.dma_semaphore, #tpu.memory_space<semaphore_mem>>) src(%dma_wait3A_33 : memref<512xi32, #tpu.memory_space<hbm>>) dst(%arg9 : memref<512xi32, #tpu.memory_space<vmem>>)
      %dma_wait3A_34 = tpu.memref_slice %arg3[%mul3A_23] : memref<320000xf32, #tpu.memory_space<hbm>> -> memref<512xf32, #tpu.memory_space<hbm>>
      %dma_wait3A_35 = tpu.memref_slice %arg3[%mul3A_23] : memref<320000xf32, #tpu.memory_space<hbm>> -> memref<512xf32, #tpu.memory_space<hbm>>
      tpu.wait_dma2 semaphore(%arg14 : memref<!tpu.dma_semaphore, #tpu.memory_space<semaphore_mem>>) src(%dma_wait3A_35 : memref<512xf32, #tpu.memory_space<hbm>>) dst(%arg10 : memref<512xf32, #tpu.memory_space<vmem>>)
      %dma_wait3A_36 = tpu.memref_slice %arg4[%mul3A_23] : memref<320000xf32, #tpu.memory_space<hbm>> -> memref<512xf32, #tpu.memory_space<hbm>>
      %dma_wait3A_37 = tpu.memref_slice %arg4[%mul3A_23] : memref<320000xf32, #tpu.memory_space<hbm>> -> memref<512xf32, #tpu.memory_space<hbm>>
      tpu.wait_dma2 semaphore(%arg14 : memref<!tpu.dma_semaphore, #tpu.memory_space<semaphore_mem>>) src(%dma_wait3A_37 : memref<512xf32, #tpu.memory_space<hbm>>) dst(%arg11 : memref<512xf32, #tpu.memory_space<vmem>>)
      %dma_wait3A_38 = tpu.memref_slice %arg5[%mul3A_23] : memref<320000xf32, #tpu.memory_space<hbm>> -> memref<512xf32, #tpu.memory_space<hbm>>
      %dma_wait3A_39 = tpu.memref_slice %arg5[%mul3A_23] : memref<320000xf32, #tpu.memory_space<hbm>> -> memref<512xf32, #tpu.memory_space<hbm>>
      tpu.wait_dma2 semaphore(%arg14 : memref<!tpu.dma_semaphore, #tpu.memory_space<semaphore_mem>>) src(%dma_wait3A_39 : memref<512xf32, #tpu.memory_space<hbm>>) dst(%arg12 : memref<512xf32, #tpu.memory_space<vmem>>)
      %dma_wait3A_40 = tpu.memref_slice %arg6[%mul3A_23] : memref<320000xf32, #tpu.memory_space<hbm>> -> memref<512xf32, #tpu.memory_space<hbm>>
      %dma_wait3A_41 = tpu.memref_slice %arg6[%mul3A_23] : memref<320000xf32, #tpu.memory_space<hbm>> -> memref<512xf32, #tpu.memory_space<hbm>>
      tpu.wait_dma2 semaphore(%arg14 : memref<!tpu.dma_semaphore, #tpu.memory_space<semaphore_mem>>) src(%dma_wait3A_41 : memref<512xf32, #tpu.memory_space<hbm>>) dst(%arg13 : memref<512xf32, #tpu.memory_space<vmem>>)
      %scan3A_42 = arith.constant 0 : i32
      %scan3A_43 = arith.constant 32 : i32
      %scan3A_44 = arith.addi %scan3A_42, %scan3A_43 : i32
      %scan3A_45 = arith.constant 1 : i32
      scf.for %scan3A_47 = %scan3A_42 to %scan3A_44 step %scan3A_45  : i32 {
        %mul3A_48 = arith.constant 16 : i32
        %mul3A_49 = arith.muli %scan3A_47, %mul3A_48 : i32
        %get3A = arith.index_cast %mul3A_49 : i32 to index
        %get3A_50 = tpu.vector_load %arg9[%get3A] {strides = array<i32>} : memref<512xi32, #tpu.memory_space<vmem>>, vector<16xi32>,
        %mul3A_51 = arith.constant 5 : i32
        %mul3A_52 = vector.broadcast %mul3A_51 : i32 to vector<16xi32>
        %mul3A_53 = arith.muli %get3A_50, %mul3A_52 : vector<16xi32>
        %get3A_54 = arith.index_cast %mul3A_49 : i32 to index
        %get3A_55 = tpu.vector_load %arg10[%get3A_54] {strides = array<i32>} : memref<512xf32, #tpu.memory_space<vmem>>, vector<16xf32>,
        tpu.vector_store_idx %arg8[%mul3A_53], %get3A_55 {add = true} : memref<51200xf32, #tpu.memory_space<vmem>>[vector<16xi32>], vector<16xf32>,
        %add3A_56 = arith.constant 1 : i32
        %add3A_57 = vector.broadcast %add3A_56 : i32 to vector<16xi32>
        %add3A_58 = arith.addi %mul3A_53, %add3A_57 : vector<16xi32>
        %get3A_59 = arith.index_cast %mul3A_49 : i32 to index
        %get3A_60 = tpu.vector_load %arg11[%get3A_59] {strides = array<i32>} : memref<512xf32, #tpu.memory_space<vmem>>, vector<16xf32>,
        tpu.vector_store_idx %arg8[%add3A_58], %get3A_60 {add = true} : memref<51200xf32, #tpu.memory_space<vmem>>[vector<16xi32>], vector<16xf32>,
        %add3A_61 = arith.constant 2 : i32
        %add3A_62 = vector.broadcast %add3A_61 : i32 to vector<16xi32>
        %add3A_63 = arith.addi %mul3A_53, %add3A_62 : vector<16xi32>
        %get3A_64 = arith.index_cast %mul3A_49 : i32 to index
        %get3A_65 = tpu.vector_load %arg12[%get3A_64] {strides = array<i32>} : memref<512xf32, #tpu.memory_space<vmem>>, vector<16xf32>,
        tpu.vector_store_idx %arg8[%add3A_63], %get3A_65 {add = true} : memref<51200xf32, #tpu.memory_space<vmem>>[vector<16xi32>], vector<16xf32>,
        %add3A_66 = arith.constant 3 : i32
        %add3A_67 = vector.broadcast %add3A_66 : i32 to vector<16xi32>
        %add3A_68 = arith.addi %mul3A_53, %add3A_67 : vector<16xi32>
        %get3A_69 = arith.index_cast %mul3A_49 : i32 to index
        %get3A_70 = tpu.vector_load %arg13[%get3A_69] {strides = array<i32>} : memref<512xf32, #tpu.memory_space<vmem>>, vector<16xf32>,
        tpu.vector_store_idx %arg8[%add3A_68], %get3A_70 {add = true} : memref<51200xf32, #tpu.memory_space<vmem>>[vector<16xi32>], vector<16xf32>,
        %add3A_71 = arith.constant 4 : i32
        %add3A_72 = vector.broadcast %add3A_71 : i32 to vector<16xi32>
        %add3A_73 = arith.addi %mul3A_53, %add3A_72 : vector<16xi32>
        tpu.vector_store_idx %arg8[%add3A_73], %broadcast_in_dim3A_9 {add = true} : memref<51200xf32, #tpu.memory_space<vmem>>[vector<16xi32>], vector<16xf32>,
      }
      %scan3A_46 = arith.constant 32 : i32
    }
    "tpu.region"() ({
      %run_scoped3A = tpu.sem_alloc : memref<!tpu.dma_semaphore, #tpu.memory_space<semaphore_mem>>
      %dma_start3A = arith.constant 0 : i32
      %dma_start3A_18 = tpu.memref_slice %arg7[%arg0, %arg1, %dma_start3A] : memref<2x16x51200xf32, #tpu.memory_space<hbm>> -> memref<1x1x51200xf32, #tpu.memory_space<hbm>>
      %dma_start3A_19 = tpu.memref_squeeze %dma_start3A_18 : memref<1x1x51200xf32, #tpu.memory_space<hbm>> -> memref<51200xf32, #tpu.memory_space<hbm>>
      %dma_start3A_20 = arith.constant 0 : i32
      %dma_start3A_21 = tpu.memref_slice %arg7[%arg0, %arg1, %dma_start3A_20] : memref<2x16x51200xf32, #tpu.memory_space<hbm>> -> memref<1x1x51200xf32, #tpu.memory_space<hbm>>
      %dma_start3A_22 = tpu.memref_squeeze %dma_start3A_21 : memref<1x1x51200xf32, #tpu.memory_space<hbm>> -> memref<51200xf32, #tpu.memory_space<hbm>>
      tpu.enqueue_dma source(%arg8 : memref<51200xf32, #tpu.memory_space<vmem>>) target(%dma_start3A_22 : memref<51200xf32, #tpu.memory_space<hbm>>) target_semaphore(%run_scoped3A : memref<!tpu.dma_semaphore, #tpu.memory_space<semaphore_mem>>)
      %dma_wait3A = arith.constant 0 : i32
      %dma_wait3A_23 = tpu.memref_slice %arg7[%arg0, %arg1, %dma_wait3A] : memref<2x16x51200xf32, #tpu.memory_space<hbm>> -> memref<1x1x51200xf32, #tpu.memory_space<hbm>>
      %dma_wait3A_24 = tpu.memref_squeeze %dma_wait3A_23 : memref<1x1x51200xf32, #tpu.memory_space<hbm>> -> memref<51200xf32, #tpu.memory_space<hbm>>
      %dma_wait3A_25 = arith.constant 0 : i32
      %dma_wait3A_26 = tpu.memref_slice %arg7[%arg0, %arg1, %dma_wait3A_25] : memref<2x16x51200xf32, #tpu.memory_space<hbm>> -> memref<1x1x51200xf32, #tpu.memory_space<hbm>>
      %dma_wait3A_27 = tpu.memref_squeeze %dma_wait3A_26 : memref<1x1x51200xf32, #tpu.memory_space<hbm>> -> memref<51200xf32, #tpu.memory_space<hbm>>
      tpu.wait_dma2 semaphore(%run_scoped3A : memref<!tpu.dma_semaphore, #tpu.memory_space<semaphore_mem>>) src(%arg8 : memref<51200xf32, #tpu.memory_space<vmem>>) dst(%dma_wait3A_27 : memref<51200xf32, #tpu.memory_space<hbm>>)
      tpu.yield
    }) : () -> ()
    return
  }
}

module attributes {stable_mosaic.version = 14 : i64} {
  func.func @_tc_payred_body(%arg0: i32, %arg1: memref<2x16x80x128xf32, #tpu.memory_space<vmem>>, %arg2: memref<80x128xf32, #tpu.memory_space<vmem>>) attributes {dimension_semantics = [#tpu.dimension_semantics<arbitrary>], iteration_bounds = array<i64: 5>, scalar_prefetch = 0 : i64, scratch_operands = 0 : i64, tpu.core_type = #tpu.core_type<tc>, window_params = [{transform_indices = @transform_0, window_bounds = array<i64: 2, 16, 80, 128>}, {transform_indices = @transform_1, window_bounds = array<i64: 80, 128>}]} {
    %get3A = arith.constant 0 : index
    %get3A_0 = arith.constant 0 : index
    %get3A_1 = arith.constant 0 : index
    %get3A_2 = arith.constant 0 : index
    %get3A_3 = vector.load %arg1[%get3A, %get3A_0, %get3A_1, %get3A_2] : memref<2x16x80x128xf32, #tpu.memory_space<vmem>>, vector<1x1x80x128xf32>
    %get3A_4 = vector.shape_cast %get3A_3 : vector<1x1x80x128xf32> to vector<80x128xf32>
    %get3A_5 = arith.constant 0 : index
    %get3A_6 = arith.constant 1 : index
    %get3A_7 = arith.constant 0 : index
    %get3A_8 = arith.constant 0 : index
    %get3A_9 = vector.load %arg1[%get3A_5, %get3A_6, %get3A_7, %get3A_8] : memref<2x16x80x128xf32, #tpu.memory_space<vmem>>, vector<1x1x80x128xf32>
    %get3A_10 = vector.shape_cast %get3A_9 : vector<1x1x80x128xf32> to vector<80x128xf32>
    %add3A = arith.addf %get3A_4, %get3A_10 : vector<80x128xf32>
    %get3A_11 = arith.constant 0 : index
    %get3A_12 = arith.constant 2 : index
    %get3A_13 = arith.constant 0 : index
    %get3A_14 = arith.constant 0 : index
    %get3A_15 = vector.load %arg1[%get3A_11, %get3A_12, %get3A_13, %get3A_14] : memref<2x16x80x128xf32, #tpu.memory_space<vmem>>, vector<1x1x80x128xf32>
    %get3A_16 = vector.shape_cast %get3A_15 : vector<1x1x80x128xf32> to vector<80x128xf32>
    %add3A_17 = arith.addf %add3A, %get3A_16 : vector<80x128xf32>
    %get3A_18 = arith.constant 0 : index
    %get3A_19 = arith.constant 3 : index
    %get3A_20 = arith.constant 0 : index
    %get3A_21 = arith.constant 0 : index
    %get3A_22 = vector.load %arg1[%get3A_18, %get3A_19, %get3A_20, %get3A_21] : memref<2x16x80x128xf32, #tpu.memory_space<vmem>>, vector<1x1x80x128xf32>
    %get3A_23 = vector.shape_cast %get3A_22 : vector<1x1x80x128xf32> to vector<80x128xf32>
    %add3A_24 = arith.addf %add3A_17, %get3A_23 : vector<80x128xf32>
    %get3A_25 = arith.constant 0 : index
    %get3A_26 = arith.constant 4 : index
    %get3A_27 = arith.constant 0 : index
    %get3A_28 = arith.constant 0 : index
    %get3A_29 = vector.load %arg1[%get3A_25, %get3A_26, %get3A_27, %get3A_28] : memref<2x16x80x128xf32, #tpu.memory_space<vmem>>, vector<1x1x80x128xf32>
    %get3A_30 = vector.shape_cast %get3A_29 : vector<1x1x80x128xf32> to vector<80x128xf32>
    %add3A_31 = arith.addf %add3A_24, %get3A_30 : vector<80x128xf32>
    %get3A_32 = arith.constant 0 : index
    %get3A_33 = arith.constant 5 : index
    %get3A_34 = arith.constant 0 : index
    %get3A_35 = arith.constant 0 : index
    %get3A_36 = vector.load %arg1[%get3A_32, %get3A_33, %get3A_34, %get3A_35] : memref<2x16x80x128xf32, #tpu.memory_space<vmem>>, vector<1x1x80x128xf32>
    %get3A_37 = vector.shape_cast %get3A_36 : vector<1x1x80x128xf32> to vector<80x128xf32>
    %add3A_38 = arith.addf %add3A_31, %get3A_37 : vector<80x128xf32>
    %get3A_39 = arith.constant 0 : index
    %get3A_40 = arith.constant 6 : index
    %get3A_41 = arith.constant 0 : index
    %get3A_42 = arith.constant 0 : index
    %get3A_43 = vector.load %arg1[%get3A_39, %get3A_40, %get3A_41, %get3A_42] : memref<2x16x80x128xf32, #tpu.memory_space<vmem>>, vector<1x1x80x128xf32>
    %get3A_44 = vector.shape_cast %get3A_43 : vector<1x1x80x128xf32> to vector<80x128xf32>
    %add3A_45 = arith.addf %add3A_38, %get3A_44 : vector<80x128xf32>
    %get3A_46 = arith.constant 0 : index
    %get3A_47 = arith.constant 7 : index
    %get3A_48 = arith.constant 0 : index
    %get3A_49 = arith.constant 0 : index
    %get3A_50 = vector.load %arg1[%get3A_46, %get3A_47, %get3A_48, %get3A_49] : memref<2x16x80x128xf32, #tpu.memory_space<vmem>>, vector<1x1x80x128xf32>
    %get3A_51 = vector.shape_cast %get3A_50 : vector<1x1x80x128xf32> to vector<80x128xf32>
    %add3A_52 = arith.addf %add3A_45, %get3A_51 : vector<80x128xf32>
    %get3A_53 = arith.constant 0 : index
    %get3A_54 = arith.constant 8 : index
    %get3A_55 = arith.constant 0 : index
    %get3A_56 = arith.constant 0 : index
    %get3A_57 = vector.load %arg1[%get3A_53, %get3A_54, %get3A_55, %get3A_56] : memref<2x16x80x128xf32, #tpu.memory_space<vmem>>, vector<1x1x80x128xf32>
    %get3A_58 = vector.shape_cast %get3A_57 : vector<1x1x80x128xf32> to vector<80x128xf32>
    %add3A_59 = arith.addf %add3A_52, %get3A_58 : vector<80x128xf32>
    %get3A_60 = arith.constant 0 : index
    %get3A_61 = arith.constant 9 : index
    %get3A_62 = arith.constant 0 : index
    %get3A_63 = arith.constant 0 : index
    %get3A_64 = vector.load %arg1[%get3A_60, %get3A_61, %get3A_62, %get3A_63] : memref<2x16x80x128xf32, #tpu.memory_space<vmem>>, vector<1x1x80x128xf32>
    %get3A_65 = vector.shape_cast %get3A_64 : vector<1x1x80x128xf32> to vector<80x128xf32>
    %add3A_66 = arith.addf %add3A_59, %get3A_65 : vector<80x128xf32>
    %get3A_67 = arith.constant 0 : index
    %get3A_68 = arith.constant 10 : index
    %get3A_69 = arith.constant 0 : index
    %get3A_70 = arith.constant 0 : index
    %get3A_71 = vector.load %arg1[%get3A_67, %get3A_68, %get3A_69, %get3A_70] : memref<2x16x80x128xf32, #tpu.memory_space<vmem>>, vector<1x1x80x128xf32>
    %get3A_72 = vector.shape_cast %get3A_71 : vector<1x1x80x128xf32> to vector<80x128xf32>
    %add3A_73 = arith.addf %add3A_66, %get3A_72 : vector<80x128xf32>
    %get3A_74 = arith.constant 0 : index
    %get3A_75 = arith.constant 11 : index
    %get3A_76 = arith.constant 0 : index
    %get3A_77 = arith.constant 0 : index
    %get3A_78 = vector.load %arg1[%get3A_74, %get3A_75, %get3A_76, %get3A_77] : memref<2x16x80x128xf32, #tpu.memory_space<vmem>>, vector<1x1x80x128xf32>
    %get3A_79 = vector.shape_cast %get3A_78 : vector<1x1x80x128xf32> to vector<80x128xf32>
    %add3A_80 = arith.addf %add3A_73, %get3A_79 : vector<80x128xf32>
    %get3A_81 = arith.constant 0 : index
    %get3A_82 = arith.constant 12 : index
    %get3A_83 = arith.constant 0 : index
    %get3A_84 = arith.constant 0 : index
    %get3A_85 = vector.load %arg1[%get3A_81, %get3A_82, %get3A_83, %get3A_84] : memref<2x16x80x128xf32, #tpu.memory_space<vmem>>, vector<1x1x80x128xf32>
    %get3A_86 = vector.shape_cast %get3A_85 : vector<1x1x80x128xf32> to vector<80x128xf32>
    %add3A_87 = arith.addf %add3A_80, %get3A_86 : vector<80x128xf32>
    %get3A_88 = arith.constant 0 : index
    %get3A_89 = arith.constant 13 : index
    %get3A_90 = arith.constant 0 : index
    %get3A_91 = arith.constant 0 : index
    %get3A_92 = vector.load %arg1[%get3A_88, %get3A_89, %get3A_90, %get3A_91] : memref<2x16x80x128xf32, #tpu.memory_space<vmem>>, vector<1x1x80x128xf32>
    %get3A_93 = vector.shape_cast %get3A_92 : vector<1x1x80x128xf32> to vector<80x128xf32>
    %add3A_94 = arith.addf %add3A_87, %get3A_93 : vector<80x128xf32>
    %get3A_95 = arith.constant 0 : index
    %get3A_96 = arith.constant 14 : index
    %get3A_97 = arith.constant 0 : index
    %get3A_98 = arith.constant 0 : index
    %get3A_99 = vector.load %arg1[%get3A_95, %get3A_96, %get3A_97, %get3A_98] : memref<2x16x80x128xf32, #tpu.memory_space<vmem>>, vector<1x1x80x128xf32>
    %get3A_100 = vector.shape_cast %get3A_99 : vector<1x1x80x128xf32> to vector<80x128xf32>
    %add3A_101 = arith.addf %add3A_94, %get3A_100 : vector<80x128xf32>
    %get3A_102 = arith.constant 0 : index
    %get3A_103 = arith.constant 15 : index
    %get3A_104 = arith.constant 0 : index
    %get3A_105 = arith.constant 0 : index
    %get3A_106 = vector.load %arg1[%get3A_102, %get3A_103, %get3A_104, %get3A_105] : memref<2x16x80x128xf32, #tpu.memory_space<vmem>>, vector<1x1x80x128xf32>
    %get3A_107 = vector.shape_cast %get3A_106 : vector<1x1x80x128xf32> to vector<80x128xf32>
    %add3A_108 = arith.addf %add3A_101, %get3A_107 : vector<80x128xf32>
    %get3A_109 = arith.constant 1 : index
    %get3A_110 = arith.constant 0 : index
    %get3A_111 = arith.constant 0 : index
    %get3A_112 = arith.constant 0 : index
    %get3A_113 = vector.load %arg1[%get3A_109, %get3A_110, %get3A_111, %get3A_112] : memref<2x16x80x128xf32, #tpu.memory_space<vmem>>, vector<1x1x80x128xf32>
    %get3A_114 = vector.shape_cast %get3A_113 : vector<1x1x80x128xf32> to vector<80x128xf32>
    %add3A_115 = arith.addf %add3A_108, %get3A_114 : vector<80x128xf32>
    %get3A_116 = arith.constant 1 : index
    %get3A_117 = arith.constant 1 : index
    %get3A_118 = arith.constant 0 : index
    %get3A_119 = arith.constant 0 : index
    %get3A_120 = vector.load %arg1[%get3A_116, %get3A_117, %get3A_118, %get3A_119] : memref<2x16x80x128xf32, #tpu.memory_space<vmem>>, vector<1x1x80x128xf32>
    %get3A_121 = vector.shape_cast %get3A_120 : vector<1x1x80x128xf32> to vector<80x128xf32>
    %add3A_122 = arith.addf %add3A_115, %get3A_121 : vector<80x128xf32>
    %get3A_123 = arith.constant 1 : index
    %get3A_124 = arith.constant 2 : index
    %get3A_125 = arith.constant 0 : index
    %get3A_126 = arith.constant 0 : index
    %get3A_127 = vector.load %arg1[%get3A_123, %get3A_124, %get3A_125, %get3A_126] : memref<2x16x80x128xf32, #tpu.memory_space<vmem>>, vector<1x1x80x128xf32>
    %get3A_128 = vector.shape_cast %get3A_127 : vector<1x1x80x128xf32> to vector<80x128xf32>
    %add3A_129 = arith.addf %add3A_122, %get3A_128 : vector<80x128xf32>
    %get3A_130 = arith.constant 1 : index
    %get3A_131 = arith.constant 3 : index
    %get3A_132 = arith.constant 0 : index
    %get3A_133 = arith.constant 0 : index
    %get3A_134 = vector.load %arg1[%get3A_130, %get3A_131, %get3A_132, %get3A_133] : memref<2x16x80x128xf32, #tpu.memory_space<vmem>>, vector<1x1x80x128xf32>
    %get3A_135 = vector.shape_cast %get3A_134 : vector<1x1x80x128xf32> to vector<80x128xf32>
    %add3A_136 = arith.addf %add3A_129, %get3A_135 : vector<80x128xf32>
    %get3A_137 = arith.constant 1 : index
    %get3A_138 = arith.constant 4 : index
    %get3A_139 = arith.constant 0 : index
    %get3A_140 = arith.constant 0 : index
    %get3A_141 = vector.load %arg1[%get3A_137, %get3A_138, %get3A_139, %get3A_140] : memref<2x16x80x128xf32, #tpu.memory_space<vmem>>, vector<1x1x80x128xf32>
    %get3A_142 = vector.shape_cast %get3A_141 : vector<1x1x80x128xf32> to vector<80x128xf32>
    %add3A_143 = arith.addf %add3A_136, %get3A_142 : vector<80x128xf32>
    %get3A_144 = arith.constant 1 : index
    %get3A_145 = arith.constant 5 : index
    %get3A_146 = arith.constant 0 : index
    %get3A_147 = arith.constant 0 : index
    %get3A_148 = vector.load %arg1[%get3A_144, %get3A_145, %get3A_146, %get3A_147] : memref<2x16x80x128xf32, #tpu.memory_space<vmem>>, vector<1x1x80x128xf32>
    %get3A_149 = vector.shape_cast %get3A_148 : vector<1x1x80x128xf32> to vector<80x128xf32>
    %add3A_150 = arith.addf %add3A_143, %get3A_149 : vector<80x128xf32>
    %get3A_151 = arith.constant 1 : index
    %get3A_152 = arith.constant 6 : index
    %get3A_153 = arith.constant 0 : index
    %get3A_154 = arith.constant 0 : index
    %get3A_155 = vector.load %arg1[%get3A_151, %get3A_152, %get3A_153, %get3A_154] : memref<2x16x80x128xf32, #tpu.memory_space<vmem>>, vector<1x1x80x128xf32>
    %get3A_156 = vector.shape_cast %get3A_155 : vector<1x1x80x128xf32> to vector<80x128xf32>
    %add3A_157 = arith.addf %add3A_150, %get3A_156 : vector<80x128xf32>
    %get3A_158 = arith.constant 1 : index
    %get3A_159 = arith.constant 7 : index
    %get3A_160 = arith.constant 0 : index
    %get3A_161 = arith.constant 0 : index
    %get3A_162 = vector.load %arg1[%get3A_158, %get3A_159, %get3A_160, %get3A_161] : memref<2x16x80x128xf32, #tpu.memory_space<vmem>>, vector<1x1x80x128xf32>
    %get3A_163 = vector.shape_cast %get3A_162 : vector<1x1x80x128xf32> to vector<80x128xf32>
    %add3A_164 = arith.addf %add3A_157, %get3A_163 : vector<80x128xf32>
    %get3A_165 = arith.constant 1 : index
    %get3A_166 = arith.constant 8 : index
    %get3A_167 = arith.constant 0 : index
    %get3A_168 = arith.constant 0 : index
    %get3A_169 = vector.load %arg1[%get3A_165, %get3A_166, %get3A_167, %get3A_168] : memref<2x16x80x128xf32, #tpu.memory_space<vmem>>, vector<1x1x80x128xf32>
    %get3A_170 = vector.shape_cast %get3A_169 : vector<1x1x80x128xf32> to vector<80x128xf32>
    %add3A_171 = arith.addf %add3A_164, %get3A_170 : vector<80x128xf32>
    %get3A_172 = arith.constant 1 : index
    %get3A_173 = arith.constant 9 : index
    %get3A_174 = arith.constant 0 : index
    %get3A_175 = arith.constant 0 : index
    %get3A_176 = vector.load %arg1[%get3A_172, %get3A_173, %get3A_174, %get3A_175] : memref<2x16x80x128xf32, #tpu.memory_space<vmem>>, vector<1x1x80x128xf32>
    %get3A_177 = vector.shape_cast %get3A_176 : vector<1x1x80x128xf32> to vector<80x128xf32>
    %add3A_178 = arith.addf %add3A_171, %get3A_177 : vector<80x128xf32>
    %get3A_179 = arith.constant 1 : index
    %get3A_180 = arith.constant 10 : index
    %get3A_181 = arith.constant 0 : index
    %get3A_182 = arith.constant 0 : index
    %get3A_183 = vector.load %arg1[%get3A_179, %get3A_180, %get3A_181, %get3A_182] : memref<2x16x80x128xf32, #tpu.memory_space<vmem>>, vector<1x1x80x128xf32>
    %get3A_184 = vector.shape_cast %get3A_183 : vector<1x1x80x128xf32> to vector<80x128xf32>
    %add3A_185 = arith.addf %add3A_178, %get3A_184 : vector<80x128xf32>
    %get3A_186 = arith.constant 1 : index
    %get3A_187 = arith.constant 11 : index
    %get3A_188 = arith.constant 0 : index
    %get3A_189 = arith.constant 0 : index
    %get3A_190 = vector.load %arg1[%get3A_186, %get3A_187, %get3A_188, %get3A_189] : memref<2x16x80x128xf32, #tpu.memory_space<vmem>>, vector<1x1x80x128xf32>
    %get3A_191 = vector.shape_cast %get3A_190 : vector<1x1x80x128xf32> to vector<80x128xf32>
    %add3A_192 = arith.addf %add3A_185, %get3A_191 : vector<80x128xf32>
    %get3A_193 = arith.constant 1 : index
    %get3A_194 = arith.constant 12 : index
    %get3A_195 = arith.constant 0 : index
    %get3A_196 = arith.constant 0 : index
    %get3A_197 = vector.load %arg1[%get3A_193, %get3A_194, %get3A_195, %get3A_196] : memref<2x16x80x128xf32, #tpu.memory_space<vmem>>, vector<1x1x80x128xf32>
    %get3A_198 = vector.shape_cast %get3A_197 : vector<1x1x80x128xf32> to vector<80x128xf32>
    %add3A_199 = arith.addf %add3A_192, %get3A_198 : vector<80x128xf32>
    %get3A_200 = arith.constant 1 : index
    %get3A_201 = arith.constant 13 : index
    %get3A_202 = arith.constant 0 : index
    %get3A_203 = arith.constant 0 : index
    %get3A_204 = vector.load %arg1[%get3A_200, %get3A_201, %get3A_202, %get3A_203] : memref<2x16x80x128xf32, #tpu.memory_space<vmem>>, vector<1x1x80x128xf32>
    %get3A_205 = vector.shape_cast %get3A_204 : vector<1x1x80x128xf32> to vector<80x128xf32>
    %add3A_206 = arith.addf %add3A_199, %get3A_205 : vector<80x128xf32>
    %get3A_207 = arith.constant 1 : index
    %get3A_208 = arith.constant 14 : index
    %get3A_209 = arith.constant 0 : index
    %get3A_210 = arith.constant 0 : index
    %get3A_211 = vector.load %arg1[%get3A_207, %get3A_208, %get3A_209, %get3A_210] : memref<2x16x80x128xf32, #tpu.memory_space<vmem>>, vector<1x1x80x128xf32>
    %get3A_212 = vector.shape_cast %get3A_211 : vector<1x1x80x128xf32> to vector<80x128xf32>
    %add3A_213 = arith.addf %add3A_206, %get3A_212 : vector<80x128xf32>
    %get3A_214 = arith.constant 1 : index
    %get3A_215 = arith.constant 15 : index
    %get3A_216 = arith.constant 0 : index
    %get3A_217 = arith.constant 0 : index
    %get3A_218 = vector.load %arg1[%get3A_214, %get3A_215, %get3A_216, %get3A_217] : memref<2x16x80x128xf32, #tpu.memory_space<vmem>>, vector<1x1x80x128xf32>
    %get3A_219 = vector.shape_cast %get3A_218 : vector<1x1x80x128xf32> to vector<80x128xf32>
    %add3A_220 = arith.addf %add3A_213, %get3A_219 : vector<80x128xf32>
    %swap3A = arith.constant 0 : index
    %swap3A_221 = arith.constant 0 : index
    %swap3A_222 = vector.load %arg2[%swap3A, %swap3A_221] : memref<80x128xf32, #tpu.memory_space<vmem>>, vector<80x128xf32>
    tpu.vector_store %arg2[%swap3A, %swap3A_221], %add3A_220 {strides = array<i32>} : memref<80x128xf32, #tpu.memory_space<vmem>>, vector<80x128xf32>,
    return
  }
  func.func @transform_0(%arg0: i32) -> (i32, i32, i32, i32) {
    %c0_i32 = arith.constant 0 : i32
    %c0_i32_0 = arith.constant 0 : i32
    %c0_i32_1 = arith.constant 0 : i32
    %c0_i32_2 = arith.constant 0 : i32
    return %c0_i32, %c0_i32_0, %arg0, %c0_i32_1 : i32, i32, i32, i32
  }
  func.func @transform_1(%arg0: i32) -> (i32, i32) {
    %c0_i32 = arith.constant 0 : i32
    %c0_i32_0 = arith.constant 0 : i32
    return %arg0, %c0_i32 : i32, i32
  }
}

module attributes {stable_mosaic.version = 14 : i64} {
  func.func @_tc_layer_body(%arg0: i32, %arg1: memref<2048x128xf32, #tpu.memory_space<vmem>>, %arg2: memref<2x2048x128xf32, #tpu.memory_space<vmem>>, %arg3: memref<2048x5xf32, #tpu.memory_space<vmem>>, %arg4: memref<128x128xf32, #tpu.memory_space<vmem>>, %arg5: memref<128x128xf32, #tpu.memory_space<vmem>>, %arg6: memref<1x128xf32, #tpu.memory_space<vmem>>, %arg7: memref<8x128xf32, #tpu.memory_space<vmem>>, %arg8: memref<1x128xf32, #tpu.memory_space<vmem>>, %arg9: memref<1x128xf32, #tpu.memory_space<vmem>>, %arg10: memref<1x128xf32, #tpu.memory_space<vmem>>, %arg11: memref<2048x128xf32, #tpu.memory_space<vmem>>) attributes {dimension_semantics = [#tpu.dimension_semantics<arbitrary>], iteration_bounds = array<i64: 5>, scalar_prefetch = 0 : i64, scratch_operands = 0 : i64, tpu.core_type = #tpu.core_type<tc>, window_params = [{transform_indices = @transform_0, window_bounds = array<i64: 2048, 128>}, {transform_indices = @transform_1, window_bounds = array<i64: 2, 2048, 128>}, {transform_indices = @transform_2, window_bounds = array<i64: 2048, 5>}, {pipeline_mode = #tpu.pipeline_mode<synchronous>, transform_indices = @transform_3, window_bounds = array<i64: 128, 128>}, {pipeline_mode = #tpu.pipeline_mode<synchronous>, transform_indices = @transform_4, window_bounds = array<i64: 128, 128>}, {pipeline_mode = #tpu.pipeline_mode<synchronous>, transform_indices = @transform_5, window_bounds = array<i64: 1, 128>}, {pipeline_mode = #tpu.pipeline_mode<synchronous>, transform_indices = @transform_6, window_bounds = array<i64: 8, 128>}, {pipeline_mode = #tpu.pipeline_mode<synchronous>, transform_indices = @transform_7, window_bounds = array<i64: 1, 128>}, {pipeline_mode = #tpu.pipeline_mode<synchronous>, transform_indices = @transform_8, window_bounds = array<i64: 1, 128>}, {pipeline_mode = #tpu.pipeline_mode<synchronous>, transform_indices = @transform_9, window_bounds = array<i64: 1, 128>}, {transform_indices = @transform_10, window_bounds = array<i64: 2048, 128>}]} {
    %get3A = arith.constant 0 : index
    %get3A_0 = arith.constant 0 : index
    %get3A_1 = vector.load %arg1[%get3A, %get3A_0] : memref<2048x128xf32, #tpu.memory_space<vmem>>, vector<2048x128xf32>
    %get3A_2 = arith.constant 0 : index
    %get3A_3 = arith.constant 0 : index
    %get3A_4 = vector.load %arg3[%get3A_2, %get3A_3] : memref<2048x5xf32, #tpu.memory_space<vmem>>, vector<2048x5xf32>
    %slice3A = vector.extract_strided_slice %get3A_4 {offsets = [0, 4], sizes = [2048, 1], strides = [1, 1]} : vector<2048x5xf32> to vector<2048x1xf32>
    %gt3A = arith.constant 0.000000e+00 : f32
    %gt3A_5 = vector.broadcast %gt3A : f32 to vector<2048x1xf32>
    %gt3A_6 = arith.cmpf ogt, %slice3A, %gt3A_5 : vector<2048x1xf32>
    %max3A = arith.constant 1.000000e+00 : f32
    %max3A_7 = vector.broadcast %max3A : f32 to vector<2048x1xf32>
    %max3A_8 = arith.maximumf %slice3A, %max3A_7 : vector<2048x1xf32>
    %div3A = arith.constant 1.000000e+00 : f32
    %div3A_9 = vector.broadcast %div3A : f32 to vector<2048x1xf32>
    %div3A_10 = arith.divf %div3A_9, %max3A_8 : vector<2048x1xf32>
    %jit3A = arith.constant 0.000000e+00 : f32
    %broadcast_in_dim3A = vector.broadcast %jit3A : f32 to vector<2048x1xf32>
    %select_n3A = arith.select %gt3A_6, %div3A_10, %broadcast_in_dim3A : vector<2048x1xi1>, vector<2048x1xf32>
    %get3A_11 = arith.constant 0 : index
    %get3A_12 = arith.constant 0 : index
    %get3A_13 = arith.constant 0 : index
    %get3A_14 = vector.load %arg2[%get3A_11, %get3A_12, %get3A_13] : memref<2x2048x128xf32, #tpu.memory_space<vmem>>, vector<1x2048x128xf32>
    %get3A_15 = vector.shape_cast %get3A_14 : vector<1x2048x128xf32> to vector<2048x128xf32>
    %get3A_16 = arith.constant 1 : index
    %get3A_17 = arith.constant 0 : index
    %get3A_18 = arith.constant 0 : index
    %get3A_19 = vector.load %arg2[%get3A_16, %get3A_17, %get3A_18] : memref<2x2048x128xf32, #tpu.memory_space<vmem>>, vector<1x2048x128xf32>
    %get3A_20 = vector.shape_cast %get3A_19 : vector<1x2048x128xf32> to vector<2048x128xf32>
    %add3A = arith.addf %get3A_15, %get3A_20 : vector<2048x128xf32>
    %mul3A = vector.broadcast %select_n3A : vector<2048x1xf32> to vector<2048x128xf32>
    %mul3A_21 = arith.mulf %add3A, %mul3A : vector<2048x128xf32>
    %slice3A_22 = vector.extract_strided_slice %get3A_4 {offsets = [0, 0], sizes = [2048, 4], strides = [1, 1]} : vector<2048x5xf32> to vector<2048x4xf32>
    %mul3A_23 = vector.broadcast %select_n3A : vector<2048x1xf32> to vector<2048x4xf32>
    %mul3A_24 = arith.mulf %slice3A_22, %mul3A_23 : vector<2048x4xf32>
    %gt3A_25 = arith.constant 0.000000e+00 : f32
    %gt3A_26 = vector.broadcast %gt3A_25 : f32 to vector<2048x1xf32>
    %gt3A_27 = arith.cmpf ogt, %slice3A, %gt3A_26 : vector<2048x1xf32>
    %get3A_28 = arith.constant 0 : index
    %get3A_29 = arith.constant 0 : index
    %get3A_30 = vector.load %arg7[%get3A_28, %get3A_29] : memref<8x128xf32, #tpu.memory_space<vmem>>, vector<4x128xf32>
    %dot_general3A = arith.constant dense<0.000000e+00> : vector<2048x128xf32>
    %dot_general3A_31 = tpu.matmul %mul3A_24, %get3A_30, %dot_general3A {dimension_numbers = #tpu.dot_dimension_numbers<[1], [0], [0], [1], [0, 0, 1, 1], [], []>, transpose_lhs_hint = false} : vector<2048x4xf32>, vector<4x128xf32>, vector<2048x128xf32> -> vector<2048x128xf32>
    %get3A_32 = arith.constant 0 : index
    %get3A_33 = arith.constant 0 : index
    %get3A_34 = vector.load %arg8[%get3A_32, %get3A_33] : memref<1x128xf32, #tpu.memory_space<vmem>>, vector<1x128xf32>
    %add3A_35 = vector.broadcast %get3A_34 : vector<1x128xf32> to vector<2048x128xf32>
    %add3A_36 = arith.addf %dot_general3A_31, %add3A_35 : vector<2048x128xf32>
    %jit3A_37 = arith.constant 0.000000e+00 : f32
    %broadcast_in_dim3A_38 = vector.shape_cast %gt3A_27 : vector<2048x1xi1> to vector<2048x1xi1>
    %broadcast_in_dim3A_39 = vector.broadcast %broadcast_in_dim3A_38 : vector<2048x1xi1> to vector<2048x128xi1>
    %broadcast_in_dim3A_40 = vector.broadcast %jit3A_37 : f32 to vector<2048x128xf32>
    %select_n3A_41 = arith.select %broadcast_in_dim3A_39, %add3A_36, %broadcast_in_dim3A_40 : vector<2048x128xi1>, vector<2048x128xf32>
    %get3A_42 = arith.constant 0 : index
    %get3A_43 = arith.constant 0 : index
    %get3A_44 = vector.load %arg4[%get3A_42, %get3A_43] : memref<128x128xf32, #tpu.memory_space<vmem>>, vector<128x128xf32>
    %dot_general3A_45 = arith.constant dense<0.000000e+00> : vector<2048x128xf32>
    %dot_general3A_46 = tpu.matmul %get3A_1, %get3A_44, %dot_general3A_45 {dimension_numbers = #tpu.dot_dimension_numbers<[1], [0], [0], [1], [0, 0, 1, 1], [], []>, transpose_lhs_hint = false} : vector<2048x128xf32>, vector<128x128xf32>, vector<2048x128xf32> -> vector<2048x128xf32>
    %get3A_47 = arith.constant 0 : index
    %get3A_48 = arith.constant 0 : index
    %get3A_49 = vector.load %arg5[%get3A_47, %get3A_48] : memref<128x128xf32, #tpu.memory_space<vmem>>, vector<128x128xf32>
    %dot_general3A_50 = arith.constant dense<0.000000e+00> : vector<2048x128xf32>
    %dot_general3A_51 = tpu.matmul %mul3A_21, %get3A_49, %dot_general3A_50 {dimension_numbers = #tpu.dot_dimension_numbers<[1], [0], [0], [1], [0, 0, 1, 1], [], []>, transpose_lhs_hint = false} : vector<2048x128xf32>, vector<128x128xf32>, vector<2048x128xf32> -> vector<2048x128xf32>
    %add3A_52 = arith.addf %dot_general3A_46, %dot_general3A_51 : vector<2048x128xf32>
    %get3A_53 = arith.constant 0 : index
    %get3A_54 = arith.constant 0 : index
    %get3A_55 = vector.load %arg6[%get3A_53, %get3A_54] : memref<1x128xf32, #tpu.memory_space<vmem>>, vector<1x128xf32>
    %add3A_56 = vector.broadcast %get3A_55 : vector<1x128xf32> to vector<2048x128xf32>
    %add3A_57 = arith.addf %add3A_52, %add3A_56 : vector<2048x128xf32>
    %add3A_58 = arith.addf %add3A_57, %select_n3A_41 : vector<2048x128xf32>
    %reduce_sum3A = arith.constant dense<0.000000e+00> : vector<2048xf32>
    %reduce_sum3A_59 = vector.multi_reduction <add>, %add3A_58, %reduce_sum3A [1] : vector<2048x128xf32> to vector<2048xf32>
    %broadcast_in_dim3A_60 = vector.shape_cast %reduce_sum3A_59 : vector<2048xf32> to vector<2048x1xf32>
    %div3A_61 = arith.constant 1.280000e+02 : f32
    %div3A_62 = vector.broadcast %div3A_61 : f32 to vector<2048x1xf32>
    %div3A_63 = arith.divf %broadcast_in_dim3A_60, %div3A_62 : vector<2048x1xf32>
    %sub3A = vector.broadcast %div3A_63 : vector<2048x1xf32> to vector<2048x128xf32>
    %sub3A_64 = arith.subf %add3A_58, %sub3A : vector<2048x128xf32>
    %sub3A_65 = vector.broadcast %div3A_63 : vector<2048x1xf32> to vector<2048x128xf32>
    %sub3A_66 = arith.subf %add3A_58, %sub3A_65 : vector<2048x128xf32>
    %mul3A_67 = arith.mulf %sub3A_64, %sub3A_66 : vector<2048x128xf32>
    %reduce_sum3A_68 = arith.constant dense<0.000000e+00> : vector<2048xf32>
    %reduce_sum3A_69 = vector.multi_reduction <add>, %mul3A_67, %reduce_sum3A_68 [1] : vector<2048x128xf32> to vector<2048xf32>
    %broadcast_in_dim3A_70 = vector.shape_cast %reduce_sum3A_69 : vector<2048xf32> to vector<2048x1xf32>
    %div3A_71 = arith.constant 1.280000e+02 : f32
    %div3A_72 = vector.broadcast %div3A_71 : f32 to vector<2048x1xf32>
    %div3A_73 = arith.divf %broadcast_in_dim3A_70, %div3A_72 : vector<2048x1xf32>
    %sub3A_74 = vector.broadcast %div3A_63 : vector<2048x1xf32> to vector<2048x128xf32>
    %sub3A_75 = arith.subf %add3A_58, %sub3A_74 : vector<2048x128xf32>
    %add3A_76 = arith.constant 9.99999974E-6 : f32
    %add3A_77 = vector.broadcast %add3A_76 : f32 to vector<2048x1xf32>
    %add3A_78 = arith.addf %div3A_73, %add3A_77 : vector<2048x1xf32>
    %rsqrt3A = math.rsqrt %add3A_78 : vector<2048x1xf32>
    %mul3A_79 = vector.broadcast %rsqrt3A : vector<2048x1xf32> to vector<2048x128xf32>
    %mul3A_80 = arith.mulf %sub3A_75, %mul3A_79 : vector<2048x128xf32>
    %get3A_81 = arith.constant 0 : index
    %get3A_82 = arith.constant 0 : index
    %get3A_83 = vector.load %arg9[%get3A_81, %get3A_82] : memref<1x128xf32, #tpu.memory_space<vmem>>, vector<1x128xf32>
    %mul3A_84 = vector.broadcast %get3A_83 : vector<1x128xf32> to vector<2048x128xf32>
    %mul3A_85 = arith.mulf %mul3A_80, %mul3A_84 : vector<2048x128xf32>
    %get3A_86 = arith.constant 0 : index
    %get3A_87 = arith.constant 0 : index
    %get3A_88 = vector.load %arg10[%get3A_86, %get3A_87] : memref<1x128xf32, #tpu.memory_space<vmem>>, vector<1x128xf32>
    %add3A_89 = vector.broadcast %get3A_88 : vector<1x128xf32> to vector<2048x128xf32>
    %add3A_90 = arith.addf %mul3A_85, %add3A_89 : vector<2048x128xf32>
    %swap3A = arith.constant 0 : index
    %swap3A_91 = arith.constant 0 : index
    %swap3A_92 = vector.load %arg11[%swap3A, %swap3A_91] : memref<2048x128xf32, #tpu.memory_space<vmem>>, vector<2048x128xf32>
    tpu.vector_store %arg11[%swap3A, %swap3A_91], %add3A_90 {strides = array<i32>} : memref<2048x128xf32, #tpu.memory_space<vmem>>, vector<2048x128xf32>,
    return
  }
  func.func @transform_0(%arg0: i32) -> (i32, i32) {
    %c0_i32 = arith.constant 0 : i32
    %c0_i32_0 = arith.constant 0 : i32
    return %arg0, %c0_i32 : i32, i32
  }
  func.func @transform_1(%arg0: i32) -> (i32, i32, i32) {
    %c0_i32 = arith.constant 0 : i32
    %c0_i32_0 = arith.constant 0 : i32
    %c0_i32_1 = arith.constant 0 : i32
    return %c0_i32, %arg0, %c0_i32_0 : i32, i32, i32
  }
  func.func @transform_2(%arg0: i32) -> (i32, i32) {
    %c0_i32 = arith.constant 0 : i32
    %c0_i32_0 = arith.constant 0 : i32
    return %arg0, %c0_i32 : i32, i32
  }
  func.func @transform_3(%arg0: i32) -> (i32, i32) {
    %c0_i32 = arith.constant 0 : i32
    %c0_i32_0 = arith.constant 0 : i32
    %c0_i32_1 = arith.constant 0 : i32
    return %c0_i32, %c0_i32_0 : i32, i32
  }
  func.func @transform_4(%arg0: i32) -> (i32, i32) {
    %c0_i32 = arith.constant 0 : i32
    %c0_i32_0 = arith.constant 0 : i32
    %c0_i32_1 = arith.constant 0 : i32
    return %c0_i32, %c0_i32_0 : i32, i32
  }
  func.func @transform_5(%arg0: i32) -> (i32, i32) {
    %c0_i32 = arith.constant 0 : i32
    %c0_i32_0 = arith.constant 0 : i32
    %c0_i32_1 = arith.constant 0 : i32
    return %c0_i32, %c0_i32_0 : i32, i32
  }
  func.func @transform_6(%arg0: i32) -> (i32, i32) {
    %c0_i32 = arith.constant 0 : i32
    %c0_i32_0 = arith.constant 0 : i32
    %c0_i32_1 = arith.constant 0 : i32
    return %c0_i32, %c0_i32_0 : i32, i32
  }
  func.func @transform_7(%arg0: i32) -> (i32, i32) {
    %c0_i32 = arith.constant 0 : i32
    %c0_i32_0 = arith.constant 0 : i32
    %c0_i32_1 = arith.constant 0 : i32
    return %c0_i32, %c0_i32_0 : i32, i32
  }
  func.func @transform_8(%arg0: i32) -> (i32, i32) {
    %c0_i32 = arith.constant 0 : i32
    %c0_i32_0 = arith.constant 0 : i32
    %c0_i32_1 = arith.constant 0 : i32
    return %c0_i32, %c0_i32_0 : i32, i32
  }
  func.func @transform_9(%arg0: i32) -> (i32, i32) {
    %c0_i32 = arith.constant 0 : i32
    %c0_i32_0 = arith.constant 0 : i32
    %c0_i32_1 = arith.constant 0 : i32
    return %c0_i32, %c0_i32_0 : i32, i32
  }
  func.func @transform_10(%arg0: i32) -> (i32, i32) {
    %c0_i32 = arith.constant 0 : i32
    %c0_i32_0 = arith.constant 0 : i32
    return %arg0, %c0_i32 : i32, i32
  }
}

</mosaic_0001>

<sc_bundles>
// kernel: sc_agg.4.cloned.1.call-start
scs
__scs_entry_jumppad:
0x0: {  	(pc) =	sbr.rel $0x88, $3  }
0x1: {  	(tag) =	ssettag $0x0;
	lr =	simm.s32 $0x1  }
0x2: {  	[smem:$0x3F96] =	sst lr;
	_ =	strace $0xD0000000  }
0x3: {  	_ = 	snop  }
0x4: {  	_ = 	snop  }
0x5: {  	_ = 	snop  }
0x6: {  	_ = 	snop  }
0x7: {  	_ = 	snop  }
__scs_overlays_trampoline_lowered:
0x8: {  	[smem:$0x3FA5] =	sst s0  }
0x9: {  	[smem:$0x3FA6] =	sst s1  }
0xa: {  	[smem:$0x3FA7] =	sst s2  }
0xb: {  	[smem:$0x3FA8] =	sst s3  }
0xc: {  	[smem:$0x3FA9] =	sst s4  }
0xd: {  	[smem:$0x3FAA] =	sst s5  }
0xe: {  	[smem:$0x3FAB] =	sst s6  }
0xf: {  	[smem:$0x3FAC] =	sst s7  }
0x10: {  	[smem:$0x3FAD] =	sst s8  }
0x11: {  	[smem:$0x3FAE] =	sst s9;
	s0 =	simm.s32 @!p0 $0x0  }
0x12: {  	s1 =	sld [smem:$0x3F94];
	s0 =	simm.s32 @p0 $0x1  }
0x13: {  	[smem:$0x3FAF] =	sst s0;
	s0 =	simm.s32 @!p1 $0x0  }
0x14: {  	s2 =	sld [smem:$0x3F93];
	s0 =	simm.s32 @p1 $0x1  }
0x15: {  	[smem:$0x3FB0] =	sst s0;
	s0 =	simm.s32 @!p2 $0x0  }
0x16: {  	s3 =	sld [smem:$0x3FDB];
	s0 =	simm.s32 @p2 $0x1  }
0x17: {  	s4 =	simm.s32 $0x1BF5;
	[smem:$0x3FB2] =	sst s0  }
0x18: {  	s0 =	sld [smem:$0x3F95];
	_ =	swait.ge [sflag:s4], $0x0  }
0x19: {  	s7 =	sld [smem:$0x3F96]  }
0x1a: {  	s8 =	sadd.s32 $0xFFFFE003, lr  }
0x1b: {  	s9 =	sadd.s32 $0xFFFFFEF7, lr;
	s5 =	simm.s32 $0xFFFFFFFF;
	p2 =	slt.u32 s8, $0xFFFFF086  }
0x1c: {  	p1 =	slt.u32 s9, $0xF7A;
	s5 =	simm.s32 @!p2 $0x0  }
0x1d: {  	s5 =	simm.s32 @p1 $0x1;
	p0 =	seq.s32 s7, s2  }
0x1e: {  	s7 =	smul.u32 @!p0 $0xF7A, s2;
	p2 =	seq.s32 @!p0 s5, $0x0  }
0x1f: {  	s9 =	smul.u32 $0xF7A, s1;
	s8 =	simm.s32 @!p0 $0x1BF5;
	p2 =	por !p2, p0  }
0x20: {  	[sflag:s8] =	ssyncset.s32 @!p0 $0xFFFFF086;
	s6 =	sadd.s32 @!p0 s3, s7;
	s7 =	simm.s32 @!p0 $0x108  }
0x21: {  	s3 =	sadd.s32 s3, s9;
	s6 =	sadd.s32 @!p0 $0x88, s6;
	s7 =	simm.s32 @p2 $0x1082  }
0x22: {  	[simem:s7], [sflag:s8] =	dma.local @!p0 [hbm:s6], $0xF7A  }
0x23: {  	s9 =	sor.u32 $0xD0000000, s2;
	s6 =	simm.s32 $0x108;
	_ =	swait.ge @!p0 [sflag:s8], $0x0  }
0x24: {  	s3 =	sadd.s32 $0x88, s3;
	s6 =	simm.s32 @!p1 $0x1082;
	[sflag:s4] =	ssyncset.s32 $0xFFFFF086  }
0x25: {  	[simem:s6], [sflag:s4] =	dma.local [hbm:s3], $0xF7A  }
0x26: {  	[smem:$0x3F96] =	sst s1;
	(tag) =	ssettag s2;
	_ =	strace s9  }
0x27: {  	s1 =	sld [smem:$0x3FA6]  }
0x28: {  	s2 =	sld [smem:$0x3FA7]  }
0x29: {  	s4 =	sld [smem:$0x3FA9]  }
0x2a: {  	p0 =	seq.s32 s5, $0x0;
	s5 =	sld [smem:$0x3FAA]  }
0x2b: {  	s6 =	sld [smem:$0x3FAB]  }
0x2c: {  	s7 =	sld [smem:$0x3FAC]  }
0x2d: {  	s3 =	simm.s32 $0x108;
	s8 =	sld [smem:$0x3FAD]  }
0x2e: {  	s3 =	simm.s32 @!p0 $0x1082;
	s9 =	sld [smem:$0x3FAE]  }
0x2f: {  	lr =	sadd.s32 s0, s3;
	s0 =	sld [smem:$0x3FA5]  }
0x30: {  	s3 =	sld [smem:$0x3FA8]  }
0x31: {  	[smem:$0x3FB1] =	sst s10  }
0x32: {  	s10 =	sld [smem:$0x3FAF];
	_ =	sdelay $0x3  }
0x33: {  	p0 =	seq.s32 s10, $0x1;
	s10 =	sld [smem:$0x3FB1];
	_ =	sdelay $0x3  }
0x34: {  	[smem:$0x3FB1] =	sst s10  }
0x35: {  	s10 =	sld [smem:$0x3FB0];
	_ =	sdelay $0x3  }
0x36: {  	p1 =	seq.s32 s10, $0x1;
	s10 =	sld [smem:$0x3FB1];
	_ =	sdelay $0x3  }
0x37: {  	[smem:$0x3FB1] =	sst s10  }
0x38: {  	s10 =	sld [smem:$0x3FB2]  }
0x39: {  	_ = 	snop;
	(pc) =	sbr.ind lr, $3  }
0x3a: {  	_ = 	snop  }
0x3b: {  	_ = 	snop  }
0x3c: {  	p2 =	seq.s32 s10, $0x1;
	s10 =	sld [smem:$0x3FB1]  }
0x3d: {  	_ =	shalt  }
0x3e: {  	_ =	shalt  }
0x3f: {  	_ =	shalt  }
0x40: {  	_ =	shalt  }
0x41: {  	_ =	shalt  }
0x42: {  	_ =	shalt  }
0x43: {  	_ =	shalt  }
0x44: {  	_ =	shalt  }
0x45: {  	_ =	shalt  }
0x46: {  	_ =	shalt  }
0x47: {  	_ =	shalt  }
0x48: {  	_ =	shalt  }
0x49: {  	_ =	shalt  }
0x4a: {  	_ =	shalt  }
0x4b: {  	_ =	shalt  }
0x4c: {  	_ =	shalt  }
0x4d: {  	_ =	shalt  }
0x4e: {  	_ =	shalt  }
0x4f: {  	_ =	shalt  }
0x50: {  	_ =	shalt  }
0x51: {  	_ =	shalt  }
0x52: {  	_ =	shalt  }
0x53: {  	_ =	shalt  }
0x54: {  	_ =	shalt  }
0x55: {  	_ =	shalt  }
0x56: {  	_ =	shalt  }
0x57: {  	_ =	shalt  }
0x58: {  	_ =	shalt  }
0x59: {  	_ =	shalt  }
0x5a: {  	_ =	shalt  }
0x5b: {  	_ =	shalt  }
0x5c: {  	_ =	shalt  }
0x5d: {  	_ =	shalt  }
0x5e: {  	_ =	shalt  }
0x5f: {  	_ =	shalt  }
0x60: {  	_ =	shalt  }
0x61: {  	_ =	shalt  }
0x62: {  	_ =	shalt  }
0x63: {  	_ =	shalt  }
0x64: {  	_ =	shalt  }
0x65: {  	_ =	shalt  }
0x66: {  	_ =	shalt  }
0x67: {  	_ =	shalt  }
0x68: {  	_ =	shalt  }
0x69: {  	_ =	shalt  }
0x6a: {  	_ =	shalt  }
0x6b: {  	_ =	shalt  }
0x6c: {  	_ =	shalt  }
0x6d: {  	_ =	shalt  }
0x6e: {  	_ =	shalt  }
0x6f: {  	_ =	shalt  }
0x70: {  	_ =	shalt  }
0x71: {  	_ =	shalt  }
0x72: {  	_ =	shalt  }
0x73: {  	_ =	shalt  }
0x74: {  	_ =	shalt  }
0x75: {  	_ =	shalt  }
0x76: {  	_ =	shalt  }
0x77: {  	_ =	shalt  }
0x78: {  	_ =	shalt  }
0x79: {  	_ =	shalt  }
0x7a: {  	_ =	shalt  }
0x7b: {  	_ =	shalt  }
0x7c: {  	_ =	shalt  }
0x7d: {  	_ =	shalt  }
0x7e: {  	_ =	shalt  }
0x7f: {  	_ =	shalt  }
0x80: {  	_ =	shalt  }
0x81: {  	_ =	shalt  }
0x82: {  	_ =	shalt  }
0x83: {  	_ =	shalt  }
0x84: {  	_ =	shalt  }
0x85: {  	_ =	shalt  }
0x86: {  	_ =	shalt  }
0x87: {  	_ =	shalt  }
.Lfunc_end0:
.L_simem_size_0:
called_computation.1_lowered:
.L_overlay_start_0:
0x88: {  	s2 =	sld [smem:$0x3FD9]  }
0x89: {  	s3 =	sld [smem:$0x3FFE];
	_ =	sdelay $0x1  }
0x8a: {  	s1 =	srdreg.scid  }
0x8b: {  	s0 =	sand.u32 $0x1, s1  }
0x8c: {  	s17 =	sshll.u32 s0, $0xA;
	s2 =	sadd.s32 s3, s2  }
0x8d: {  	s2 =	sadd.s32 s2, s17  }
0x8e: {  	[smem:$0x3FBD] =	sst s2  }
0x8f: {  	_ = 	snop  }
0x90: {  	s18 =	sld [smem:$0x3FD0];
	(tm) =	ssettm $0x1  }
0x91: {  	s19 =	sld [smem:$0x3FFB];
	_ =	sdelay $0x3  }
0x92: {  	_ =	strace s19  }
0x93: {  	s2 =	sld [smem:$0x3FFC];
	_ =	sdelay $0x3  }
0x94: {  	_ =	strace s2  }
0x95: {  	s2 =	sld [smem:$0x3FFD];
	_ =	sdelay $0x3  }
0x96: {  	_ =	strace s2  }
0x97: {  	_ =	strace $0x8FFFFFFF  }
0x98: {  	s20 =	sld [smem:$0x3FDB];
	_ =	sdelay $0x1  }
0x99: {  	s4 =	simm.s32 $_scs_section_size  }
0x9a: {  	s5 =	simm.s32 $_size__tile_overlayer_lowered;
	s6 =	simm.s32 $_tile_overlayer_lowered  }
0x9b: {  	s7 =	simm.s32 $0x1BFF;
	s21 =	sshll.u32 s6, $0x1;
	s4 =	sadd.s32 s4, s20  }
0x9c: {  	s22 =	simm.s32 $0x0;
	s5 =	sshll.u32 s5, $0x1;
	s6 =	sadd.s32 s21, s4  }
0x9d: {  	[timem:s22], [sflag:s7] =	dma.local [hbm:s6], s5  }
0x9e: {  	_ =	swait.ge [sflag:s7], s5  }
0x9f: {  	s5 =	ssub.s32 $0x0, s5;
	[sflag:s7] =	ssyncset.done $0x0  }
0xa0: {  	[sflag:s7] =	ssyncadd.s32 s5;
	_ =	sdelay $0x1  }
0xa1: {  	s23 =	simm.s32 $0x1B8B  }
0xa2: {  	_ =	swait.ge [sflag:s23], $0x1  }
0xa3: {  	[sflag:s23] =	ssyncset.done $0x0  }
0xa4: {  	[sflag:s23] =	ssyncadd.s32 $0xFFFFFFFF  }
0xa5: {  	s5 =	sld [smem:$0x0]  }
0xa6: {  	s6 =	sand.u32 $0xFFFFFFFE, s1  }
0xa7: {  	p0 =	sne.s32 s1, s6  }
0xa8: {  	s6 =	sshll.u32 @p0 s6, $0xE  }
0xa9: {  	s6 =	sadd.s32 @p0 $0x11B8D, s6;
	s7 =	sshll.u32 @p0 s5, $0x11  }
0xaa: {  	s6 =	sor.u32 @p0 s7, s6  }
0xab: {  	[sflag:s6] =	ssyncadd.remote.s32 @p0 $0x1;
	_ =	sdelay $0x1  }
0xac: {  	s6 =	simm.s32 @p0 $0x1B8D  }
0xad: {  	_ =	swait.eq @p0 [sflag:s6], $0x1  }
0xae: {  	[sflag:s6] =	ssyncadd.s32 @p0 $0xFFFFFFFF  }
0xaf: {  	s7 =	sshll.u32 @!p0 s1, $0xE  }
0xb0: {  	s7 =	sor.u32 @!p0 $0x4000, s7;
	s6 =	simm.s32 @!p0 $0x1B8D  }
0xb1: {  	s5 =	sshll.u32 @!p0 s5, $0x11;
	s7 =	sadd.s32 @!p0 $0x11B8D, s7;
	_ =	swait.eq @!p0 [sflag:s6], $0x1  }
0xb2: {  	s5 =	sor.u32 @!p0 s5, s7;
	[sflag:s6] =	ssyncadd.s32 @!p0 $0xFFFFFFFF  }
0xb3: {  	s25 =	simm.s32 $0x1B8E;
	s24 =	sld [smem:$0x3FFE];
	[sflag:s5] =	ssyncadd.remote.s32 @!p0 $0x1  }
0xb4: {  	s26 =	simm.s32 $execute0_lowered;
	[smem:$0x3FD2] =	sst s25  }
0xb5: {  	s6 =	sshll.u32 s26, $0x1;
	_ =	strace $0x80000049;
	[dreg:$0x1] =	wrdreg $0xFFFFFFFF  }
0xb6: {  	s28 =	simm.s32 $_size_execute0_lowered;
	s4 =	sadd.s32 s4, s6;
	[dreg:$0x0] =	wrdreg $0x0  }
0xb7: {  	s6 =	sshll.u32 s28, $0x1;
	[dreg:$0x2] =	wrdreg s4  }
0xb8: {  	[dreg:$0x3] =	wrdreg s6  }
0xb9: {  	[dreg:$0x4] =	wrdreg $0xC0  }
0xba: {  	_ =	task [dreg:s22], $0x5FFFF  }
0xbb: {  	[dreg:$0x1] =	wrdreg $0xFFFFFFFF  }
0xbc: {  	[dreg:$0x0] =	wrdreg $0x60  }
0xbd: {  	[dreg:$0x2] =	wrdreg s24  }
0xbe: {  	[dreg:$0x3] =	wrdreg s18  }
0xbf: {  	[dreg:$0x4] =	wrdreg $0x0  }
0xc0: {  	[dreg:$0x5] =	wrdreg $0xA  }
0xc1: {  	_ =	task.clear_ibuf [dreg:s22], $0x6FFFF;
	_ =	strace $0x90000049  }
0xc2: {  	s29 =	simm.s32 $0xA;
	_ =	strace $0x8000004B  }
0xc3: {  	_ =	swait.ge [sflag:s29], $0x1  }
0xc4: {  	[sflag:s29] =	ssyncadd.s32 $0xFFFFFFFF  }
0xc5: {  	_ =	strace $0x9000004B  }
0xc6: {  	_ =	sfence  }
0xc7: {  	s30 =	sld [smem:$0x0];
	_ =	sdelay $0x2  }
0xc8: {  	s31 =	sshll.u32 s1, $0xD;
	s1 =	sshrl.u32 s1, $0x2  }
0xc9: {  	s4 =	sand.u32 $0x4000, s31;
	s1 =	sadd.s32 s1, s30  }
0xca: {  	s0 =	sor.u32 s4, s0;
	s1 =	sshll.u32 s1, $0x11  }
0xcb: {  	s0 =	sor.u32 s1, s0  }
0xcc: {  	s0 =	sadd.s32 $0x8F2B, s0  }
0xcd: {  	[sflag:s0] =	ssyncadd.remote.s32 $0x1  }
0xce: {  	_ =	sfence.sel $0xFFFF  }
0xcf: {  	[dreg:$0x0] =	wrdreg $0xFFFFFFFF;
	(pc) =	sbr.abs _section_cstart, $3  }
0xd0: {  	[dreg:$0x1] =	wrdreg $0xFFFFFFFF  }
0xd1: {  	_ =	task.clear_ibuf [dreg:s22], $0x2FFFF;
	_ =	strace $0x9FFFFFFF  }
0xd2: {  	(tm) =	ssettm $0x7FFFFFFF  }
0xd3: {  	_ =	shalt  }
tec
execute0_lowered:
.L_overlay_start_1:
0x0: {  	(tag) =	ssettag $0x1  }
0x1: {  	s0 =	rddreg [dreg:$0x0]  }
0x2: {  	s1 =	rddreg [dreg:$0x1]  }
0x3: {  	s3 =	srdreg.scid;
	s2 =	rddreg [dreg:$0x2]  }
0x4: {  	s19 =	stileid.u32;
	s29 =	simm.s32 $0x2;
	s30 =	simm.s32 $0x3  }
0x5: {  	s31 =	simm.s32 $0x6;
	s4 =	sand.u32 $0x1, s3;
	s7 =	smul.u32 $0x14000, s19  }
0x6: {  	s3 =	simm.s32 $0x0;
	s8 =	sadd.s32 $0x8CE00, s0;
	s9 =	smul.u32 $0x50000, s19  }
0x7: {  	s12 =	sshll.u32 s19, $0x1;
	s5 =	ssub.s32 $0x2, s4;
	s14 =	smul.u32 $0x140000, s4  }
0x8: {  	[smem:$0x7FF] =	sst s3;
	s6 =	sshrl.u32 s5, $0x1;
	s10 =	sor.u32 $0x2800, s7  }
0x9: {  	s11 =	sadd.s32 $0x5000, s7;
	s15 =	sadd.s32 $0xA000, s7;
	s16 =	sadd.s32 $0xC800, s7  }
0xa: {  	s17 =	sadd.s32 $0xF000, s7;
	s18 =	sadd.s32 $0x11800, s7;
	s5 =	ssub.s32 s5, s6  }
0xb: {  	s6 =	sor.u32 s4, s12;
	s12 =	sadd.s32 $0x7800, s7;
	s20 =	sadd.s32 s14, s10  }
0xc: {  	s21 =	sadd.s32 s14, s11;
	s25 =	sadd.s32 s14, s15;
	s26 =	sadd.s32 s14, s16  }
0xd: {  	s4 =	smul.u32 $0x2710, s4;
	s13 =	sshll.u32 s6, $0xB;
	s24 =	sadd.s32 s14, s12  }
0xe: {  	s5 =	smax.u32 s5, $0x1;
	s1 =	sadd.s32 s1, s13;
	s13 =	sadd.s32 s7, s14  }
0xf: {  	s7 =	sshrl.u32 s20, $0x3;
	[dreg:$0x4] =	wrdreg s1;
	s1 =	sshrl.u32 s13, $0x3  }
0x10: {  	s13 =	sshrl.u32 s21, $0x3;
	s22 =	sadd.s32 s8, s7;
	s7 =	sshrl.u32 s25, $0x3  }
0x11: {  	s1 =	sadd.s32 s8, s1;
	[dreg:$0x6] =	wrdreg s22;
	s23 =	sadd.s32 s8, s13  }
0x12: {  	s13 =	sshrl.u32 s26, $0x3;
	s20 =	sadd.s32 s8, s7;
	s22 =	sadd.s32 s14, s17  }
0x13: {  	s26 =	sshrl.u32 s9, $0x2;
	s9 =	sadd.s32 s12, s2;
	[dreg:$0x5] =	wrdreg s1  }
0x14: {  	s12 =	sadd.s32 s17, s2;
	[dreg:$0x7] =	wrdreg s23;
	s1 =	sshrl.u32 s24, $0x3  }
0x15: {  	[dreg:$0x9] =	wrdreg s20;
	s21 =	sadd.s32 s8, s13;
	s23 =	sadd.s32 s14, s18  }
0x16: {  	s24 =	smul.u32 $0x4E20, s19;
	s13 =	sadd.s32 $0x64E00, s0;
	s14 =	sadd.s32 $0x29000, s0  }
0x17: {  	s19 =	sadd.s32 s26, s2;
	s1 =	sadd.s32 s8, s1;
	[dreg:$0xa] =	wrdreg s21  }
0x18: {  	s7 =	sshrl.u32 s23, $0x3;
	s23 =	sadd.s32 s10, s2;
	s10 =	sadd.s32 s15, s2  }
0x19: {  	[dreg:$0x8] =	wrdreg s1;
	s1 =	sshrl.u32 s22, $0x3;
	s25 =	sadd.s32 s8, s7  }
0x1a: {  	s4 =	sadd.s32 s4, s24;
	s1 =	sadd.s32 s8, s1;
	[dreg:$0xc] =	wrdreg s25  }
0x1b: {  	s7 =	sadd.s32 s11, s2;
	s11 =	sadd.s32 s16, s2;
	[dreg:$0xb] =	wrdreg s1  }
0x1c: {  	s22 =	sadd.s32 s18, s2;
	_ =	strace $0x8000004A;
	[dreg:$0xd] =	wrdreg s7  }
0x1d: {  	s8 =	smul.u32 $0x2710, s6;
	s16 =	sadd.s32 $0x190, s4;
	[dreg:$0xe] =	wrdreg s9  }
0x1e: {  	s17 =	sadd.s32 $0x140, s4;
	s28 =	sadd.s32 $0xF0, s4;
	[dreg:$0xf] =	wrdreg s10  }
0x1f: {  	s4 =	simm.s32 $0x7;
	s6 =	simm.s32 $0x18000;
	[dreg:$0x10] =	wrdreg s11  }
0x20: {  	s1 =	sshrl.u32 s17, $0x3;
	[dreg:$0x11] =	wrdreg s12;
	s0 =	sshrl.u32 s8, $0x3  }
0x21: {  	[dreg:$0x13] =	wrdreg s5;
	s26 =	sadd.s32 s1, s14;
	s1 =	simm.s32 $0x18180  }
0x22: {  	s7 =	simm.s32 $0x50;
	s8 =	simm.s32 $0x18080;
	s9 =	simm.s32 $0x1A980  }
0x23: {  	s10 =	simm.s32 $0x18100;
	s11 =	simm.s32 $0x1D180;
	s15 =	sadd.s32 s14, s0  }
0x24: {  	s12 =	simm.s32 $0x1;
	s18 =	sadd.s32 $0xA, s15;
	[dreg:$0x12] =	wrdreg s15  }
0x25: {  	s5 =	simm.s32 $0x5;
	s20 =	sadd.s32 $0x14, s15;
	[dreg:$0x14] =	wrdreg s18  }
0x26: {  	s0 =	sshrl.u32 s16, $0x3;
	s21 =	sadd.s32 $0x4CE, s15;
	[dreg:$0x15] =	wrdreg s20  }
0x27: {  	s25 =	sadd.s32 s0, s14;
	s24 =	sadd.s32 $0x4D8, s15;
	[dreg:$0x16] =	wrdreg s21  }
0x28: {  	v0 =	vimm.f32 $0.0e+00;
	s0 =	simm.s32 $0x0;
	[dreg:$0x17] =	wrdreg s24;
	s24 =	simm.s32 $0x4  }
.LBB2_1:
0x29: {  	s15 =	sand.u32 $0xFE00, s3  }
0x2a: {  	s16 =	sand.u32 $0x70, s3;
	s17 =	sshrl.u32 s15, $0x2  }
0x2b: {  	s15 =	simm.s32 $0x40;
	s17 =	sor.u32 s16, s17;
	s16 =	simm.s32 $0x0  }
.LBB2_2:
0x2c: {  	p0 =	sne.s32 s15, $0x9FC0  }
0x2d: {  	[tilespmem:s17+$0x18180] =	vst v0;
	s16 =	sadd.s32 $0x10, s16;
	s17 =	smov.u32 s15;
	s15 =	sadd.s32 $0x40, s15  }
.Ltmp0:
0x2e: {  	(pc) =	sbr.rel @p0 .LBB2_2-.Ltmp0, $4  }
0x2f: {  	_ = 	snop  }
0x30: {  	s17 =	sand.u32 $0xFE00, s17  }
0x31: {  	s18 =	sand.u32 $0x70, s16;
	s17 =	sshrl.u32 s17, $0x2  }
0x32: {  	s17 =	sor.u32 s18, s17  }
0x33: {  	[tilespmem:s17+$0x18180] =	vst v0  }
0x34: {  	[spmem:s19] =	stream.linear.scatter [tilespmem:s1], [sflag:$0x7], $0x2800, $0x38;
	[tilespmem:$0x1F980] =	vst v63  }
0x35: {  	_ =	swait.ge [sflag:s4], $0x2800  }
0x36: {  	[sflag:s4] =	ssyncset.done $0x0  }
0x37: {  	[sflag:s4] =	ssyncadd.s32 $0xFFFFD800  }
0x38: {  	[spmem:s23] =	stream.linear.scatter [tilespmem:s1], [sflag:$0x7], $0x2800, $0x38;
	[tilespmem:$0x1F980] =	vst v63  }
0x39: {  	_ =	swait.ge [sflag:s4], $0x2800  }
0x3a: {  	[sflag:s4] =	ssyncset.done $0x0  }
0x3b: {  	s15 =	rddreg [dreg:$0xd];
	[sflag:s4] =	ssyncadd.s32 $0xFFFFD800  }
0x3c: {  	[spmem:s15] =	stream.linear.scatter [tilespmem:s1], [sflag:$0x7], $0x2800, $0x38;
	[tilespmem:$0x1F980] =	vst v63  }
0x3d: {  	_ =	swait.ge [sflag:s4], $0x2800  }
0x3e: {  	[sflag:s4] =	ssyncset.done $0x0  }
0x3f: {  	s21 =	smov.u32 s23;
	s23 =	rddreg [dreg:$0xe];
	[sflag:s4] =	ssyncadd.s32 $0xFFFFD800  }
0x40: {  	[spmem:s23] =	stream.linear.scatter [tilespmem:s1], [sflag:$0x7], $0x2800, $0x38;
	[tilespmem:$0x1F980] =	vst v63  }
0x41: {  	_ =	swait.ge [sflag:s4], $0x2800  }
0x42: {  	[sflag:s4] =	ssyncset.done $0x0  }
0x43: {  	s16 =	rddreg [dreg:$0xf];
	[sflag:s4] =	ssyncadd.s32 $0xFFFFD800  }
0x44: {  	[spmem:s16] =	stream.linear.scatter [tilespmem:s1], [sflag:$0x7], $0x2800, $0x38;
	[tilespmem:$0x1F980] =	vst v63  }
0x45: {  	_ =	swait.ge [sflag:s4], $0x2800  }
0x46: {  	[sflag:s4] =	ssyncset.done $0x0  }
0x47: {  	s17 =	rddreg [dreg:$0x10];
	[sflag:s4] =	ssyncadd.s32 $0xFFFFD800  }
0x48: {  	[spmem:s17] =	stream.linear.scatter [tilespmem:s1], [sflag:$0x7], $0x2800, $0x38;
	[tilespmem:$0x1F980] =	vst v63  }
0x49: {  	_ =	swait.ge [sflag:s4], $0x2800  }
0x4a: {  	[sflag:s4] =	ssyncset.done $0x0  }
0x4b: {  	s18 =	rddreg [dreg:$0x11];
	[sflag:s4] =	ssyncadd.s32 $0xFFFFD800  }
0x4c: {  	[spmem:s18] =	stream.linear.scatter [tilespmem:s1], [sflag:$0x7], $0x2800, $0x38;
	[tilespmem:$0x1F980] =	vst v63  }
0x4d: {  	_ =	swait.ge [sflag:s4], $0x2800  }
0x4e: {  	[sflag:s4] =	ssyncset.done $0x0  }
0x4f: {  	[sflag:s4] =	ssyncadd.s32 $0xFFFFD800  }
0x50: {  	[spmem:s22] =	stream.linear.scatter [tilespmem:s1], [sflag:$0x7], $0x2800, $0x38;
	[tilespmem:$0x1F980] =	vst v63  }
0x51: {  	_ =	swait.ge [sflag:s4], $0x2800  }
0x52: {  	[sflag:s4] =	ssyncset.done $0x0  }
0x53: {  	[sflag:s4] =	ssyncadd.s32 $0xFFFFD800  }
0x54: {  	s20 =	smov.u32 s19;
	[bflag:$0x0] =	sbarrier.arrive $0xFFFF  }
0x55: {  	s19 =	simm.s32 $0x14000;
	s15 =	simm.s32 $0x0;
	s16 =	rddreg [dreg:$0x4]  }
0x56: {  	[tilespmem:s19], [sflag:$0x7] =	stream.linear.gather [hbm4b:s16+s15], $0x3E80, $0x38;
	[tilespmem:$0x1F980] =	vst v63  }
0x57: {  	_ =	swait.ge [sflag:s4], $0x3E80  }
0x58: {  	[sflag:s4] =	ssyncset.done $0x0  }
0x59: {  	s23 =	rddreg [dreg:$0x12];
	[sflag:s4] =	ssyncadd.s32 $0xFFFFC180  }
0x5a: {  	[tilespmem:s6], [sflag:$0x7] =	stream.linear.gather [hbm4b:s23+s15], $0x50, $0x38;
	[tilespmem:$0x1F980] =	vst v63  }
0x5b: {  	_ =	swait.ge [sflag:s4], $0x50  }
0x5c: {  	[sflag:s4] =	ssyncset.done $0x0  }
0x5d: {  	[sflag:s4] =	ssyncadd.s32 $0xFFFFFFB0  }
0x5e: {  	[tilespmem:s1], [sflag:$0x1] =	stream.indirect.gather [hbm4b:s13+s7], $0x80, s19, s7, $0xb8;
	[tilespmem:$0x1F980] =	vst v63  }
0x5f: {  	s18 =	rddreg [dreg:$0x14]  }
0x60: {  	[tilespmem:s8], [sflag:$0x7] =	stream.linear.gather [hbm4b:s18+s15], $0x50, $0x38;
	[tilespmem:$0x1F980] =	vst v63  }
0x61: {  	_ =	swait.ge [sflag:s4], $0x50  }
0x62: {  	[sflag:s4] =	ssyncset.done $0x0  }
0x63: {  	s19 =	simm.s32 $0x14080;
	[sflag:s4] =	ssyncadd.s32 $0xFFFFFFB0  }
0x64: {  	[tilespmem:s9], [sflag:$0x2] =	stream.indirect.gather [hbm4b:s13+s7], $0x80, s19, s7, $0xb8;
	[tilespmem:$0x1F980] =	vst v63  }
0x65: {  	s23 =	rddreg [dreg:$0x15]  }
0x66: {  	[tilespmem:s10], [sflag:$0x7] =	stream.linear.gather [hbm4b:s23+s15], $0x50, $0x38;
	[tilespmem:$0x1F980] =	vst v63  }
0x67: {  	_ =	swait.ge [sflag:s4], $0x50  }
0x68: {  	[sflag:s4] =	ssyncset.done $0x0  }
0x69: {  	s17 =	simm.s32 $0x14100;
	[sflag:s4] =	ssyncadd.s32 $0xFFFFFFB0  }
0x6a: {  	[tilespmem:s11], [sflag:$0x3] =	stream.indirect.gather [hbm4b:s13+s7], $0x80, s17, s7, $0xb8;
	[tilespmem:$0x1F980] =	vst v63  }
0x6b: {  	_ =	swait.ge [sflag:s12], $0x2800  }
0x6c: {  	[sflag:s12] =	ssyncset.done $0x0  }
0x6d: {  	[sflag:s12] =	ssyncadd.s32 $0xFFFFD800  }
0x6e: {  	[spmem:s2] =	stream.indirect.scatter.add.f32 [tilespmem:s1], [sflag:$0x4], $0x80, s6, s7, $0xb8;
	[tilespmem:$0x1F980] =	vst v63  }
0x6f: {  	_ =	swait.ge [sflag:s24], $0x2800  }
0x70: {  	s18 =	sshrl.u32 s28, $0x3;
	[sflag:s24] =	ssyncset.done $0x0  }
0x71: {  	s15 =	sadd.s32 s14, s18;
	[sflag:s24] =	ssyncadd.s32 $0xFFFFD800  }
0x72: {  	[tilespmem:s6], [sflag:$0x7] =	stream.linear.gather [hbm4b:s15+s3], $0x50, $0x38;
	[tilespmem:$0x1F980] =	vst v63  }
0x73: {  	_ =	swait.ge [sflag:s4], $0x50  }
0x74: {  	[sflag:s4] =	ssyncset.done $0x0  }
0x75: {  	s19 =	simm.s32 $0x14180;
	[sflag:s4] =	ssyncadd.s32 $0xFFFFFFB0  }
0x76: {  	[tilespmem:s1], [sflag:$0x1] =	stream.indirect.gather [hbm4b:s13+s7], $0x80, s19, s7, $0xb8;
	[tilespmem:$0x1F980] =	vst v63  }
0x77: {  	_ =	swait.ge [sflag:s29], $0x2800  }
0x78: {  	[sflag:s29] =	ssyncset.done $0x0  }
0x79: {  	[sflag:s29] =	ssyncadd.s32 $0xFFFFD800  }
0x7a: {  	[spmem:s2] =	stream.indirect.scatter.add.f32 [tilespmem:s9], [sflag:$0x5], $0x80, s8, s7, $0xb8;
	[tilespmem:$0x1F980] =	vst v63  }
0x7b: {  	_ =	swait.ge [sflag:s5], $0x2800  }
0x7c: {  	[sflag:s5] =	ssyncset.done $0x0  }
0x7d: {  	[sflag:s5] =	ssyncadd.s32 $0xFFFFD800  }
0x7e: {  	[tilespmem:s8], [sflag:$0x7] =	stream.linear.gather [hbm4b:s26+s3], $0x50, $0x38;
	[tilespmem:$0x1F980] =	vst v63  }
0x7f: {  	_ =	swait.ge [sflag:s4], $0x50  }
0x80: {  	[sflag:s4] =	ssyncset.done $0x0  }
0x81: {  	s23 =	simm.s32 $0x14200;
	[sflag:s4] =	ssyncadd.s32 $0xFFFFFFB0  }
0x82: {  	[tilespmem:s9], [sflag:$0x2] =	stream.indirect.gather [hbm4b:s13+s7], $0x80, s23, s7, $0xb8;
	[tilespmem:$0x1F980] =	vst v63  }
0x83: {  	_ =	swait.ge [sflag:s30], $0x2800  }
0x84: {  	[sflag:s30] =	ssyncset.done $0x0  }
0x85: {  	[sflag:s30] =	ssyncadd.s32 $0xFFFFD800  }
0x86: {  	[spmem:s2] =	stream.indirect.scatter.add.f32 [tilespmem:s11], [sflag:$0x6], $0x80, s10, s7, $0xb8;
	[tilespmem:$0x1F980] =	vst v63  }
0x87: {  	_ =	swait.ge [sflag:s31], $0x2800  }
0x88: {  	[sflag:s31] =	ssyncset.done $0x0  }
0x89: {  	[sflag:s31] =	ssyncadd.s32 $0xFFFFD800  }
0x8a: {  	[tilespmem:s10], [sflag:$0x7] =	stream.linear.gather [hbm4b:s25+s3], $0x50, $0x38;
	[tilespmem:$0x1F980] =	vst v63  }
0x8b: {  	s16 =	sadd.s32 $0xF0, s28;
	_ =	swait.ge [sflag:s4], $0x50  }
0x8c: {  	s18 =	simm.s32 $0x14280;
	s17 =	sadd.s32 $0x1E, s25;
	[sflag:s4] =	ssyncset.done $0x0  }
0x8d: {  	s15 =	sadd.s32 $0x1E, s26;
	s23 =	simm.s32 $0x600;
	[sflag:s4] =	ssyncadd.s32 $0xFFFFFFB0  }
.LBB2_4:
0x8e: {  	[tilespmem:s11], [sflag:$0x3] =	stream.indirect.gather [hbm4b:s13+s7], $0x80, s18, s7, $0xb8;
	[tilespmem:$0x1F980] =	vst v63  }
0x8f: {  	s18 =	smov.u32 s23  }
0x90: {  	p0 =	sne.s32 s23, $0xEA00;
	s23 =	sadd.s32 $0x600, s23;
	_ =	swait.ge [sflag:s12], $0x2800  }
0x91: {  	[sflag:s12] =	ssyncset.done $0x0  }
0x92: {  	[sflag:s12] =	ssyncadd.s32 $0xFFFFD800  }
0x93: {  	[spmem:s2] =	stream.indirect.scatter.add.f32 [tilespmem:s1], [sflag:$0x4], $0x80, s6, s7, $0xb8;
	[tilespmem:$0x1F980] =	vst v63  }
0x94: {  	_ =	swait.ge [sflag:s24], $0x2800  }
0x95: {  	s19 =	sshrl.u32 s16, $0x3;
	[sflag:s24] =	ssyncset.done $0x0  }
0x96: {  	s19 =	sadd.s32 s14, s19;
	[sflag:s24] =	ssyncadd.s32 $0xFFFFD800  }
0x97: {  	[tilespmem:s6], [sflag:$0x7] =	stream.linear.gather [hbm4b:s19+s3], $0x50, $0x38;
	[tilespmem:$0x1F980] =	vst v63  }
0x98: {  	_ =	swait.ge [sflag:s4], $0x50  }
0x99: {  	s18 =	sshra.s32 s18, $0x2;
	[sflag:s4] =	ssyncset.done $0x0  }
0x9a: {  	s19 =	sadd.s32 $0x14180, s18;
	[sflag:s4] =	ssyncadd.s32 $0xFFFFFFB0  }
0x9b: {  	[tilespmem:s1], [sflag:$0x1] =	stream.indirect.gather [hbm4b:s13+s7], $0x80, s19, s7, $0xb8;
	[tilespmem:$0x1F980] =	vst v63  }
0x9c: {  	_ =	swait.ge [sflag:s29], $0x2800  }
0x9d: {  	[sflag:s29] =	ssyncset.done $0x0  }
0x9e: {  	[sflag:s29] =	ssyncadd.s32 $0xFFFFD800  }
0x9f: {  	[spmem:s2] =	stream.indirect.scatter.add.f32 [tilespmem:s9], [sflag:$0x5], $0x80, s8, s7, $0xb8;
	[tilespmem:$0x1F980] =	vst v63  }
0xa0: {  	_ =	swait.ge [sflag:s5], $0x2800  }
0xa1: {  	[sflag:s5] =	ssyncset.done $0x0  }
0xa2: {  	[sflag:s5] =	ssyncadd.s32 $0xFFFFD800  }
0xa3: {  	[tilespmem:s8], [sflag:$0x7] =	stream.linear.gather [hbm4b:s15+s3], $0x50, $0x38;
	[tilespmem:$0x1F980] =	vst v63  }
0xa4: {  	_ =	swait.ge [sflag:s4], $0x50  }
0xa5: {  	[sflag:s4] =	ssyncset.done $0x0  }
0xa6: {  	s19 =	sadd.s32 $0x14200, s18;
	[sflag:s4] =	ssyncadd.s32 $0xFFFFFFB0  }
0xa7: {  	[tilespmem:s9], [sflag:$0x2] =	stream.indirect.gather [hbm4b:s13+s7], $0x80, s19, s7, $0xb8;
	[tilespmem:$0x1F980] =	vst v63  }
0xa8: {  	_ =	swait.ge [sflag:s30], $0x2800  }
0xa9: {  	[sflag:s30] =	ssyncset.done $0x0  }
0xaa: {  	[sflag:s30] =	ssyncadd.s32 $0xFFFFD800  }
0xab: {  	[spmem:s2] =	stream.indirect.scatter.add.f32 [tilespmem:s11], [sflag:$0x6], $0x80, s10, s7, $0xb8;
	[tilespmem:$0x1F980] =	vst v63  }
0xac: {  	_ =	swait.ge [sflag:s31], $0x2800  }
0xad: {  	[sflag:s31] =	ssyncset.done $0x0  }
.Ltmp1:
0xae: {  	[sflag:s31] =	ssyncadd.s32 $0xFFFFD800;
	(pc) =	sbr.rel @p0 .LBB2_4-.Ltmp1, $4  }
0xaf: {  	[tilespmem:s10], [sflag:$0x7] =	stream.linear.gather [hbm4b:s17+s3], $0x50, $0x38;
	[tilespmem:$0x1F980] =	vst v63  }
0xb0: {  	_ =	swait.ge [sflag:s4], $0x50  }
0xb1: {  	s16 =	sadd.s32 $0xF0, s16;
	s15 =	sadd.s32 $0x1E, s15;
	[sflag:s4] =	ssyncset.done $0x0  }
0xb2: {  	s18 =	sadd.s32 $0x14280, s18;
	s17 =	sadd.s32 $0x1E, s17;
	[sflag:s4] =	ssyncadd.s32 $0xFFFFFFB0  }
0xb3: {  	[tilespmem:s11], [sflag:$0x3] =	stream.indirect.gather [hbm4b:s13+s7], $0x80, s18, s7, $0xb8;
	[tilespmem:$0x1F980] =	vst v63  }
0xb4: {  	_ =	swait.ge [sflag:s12], $0x2800  }
0xb5: {  	[sflag:s12] =	ssyncset.done $0x0  }
0xb6: {  	[sflag:s12] =	ssyncadd.s32 $0xFFFFD800  }
0xb7: {  	[spmem:s2] =	stream.indirect.scatter.add.f32 [tilespmem:s1], [sflag:$0x4], $0x80, s6, s7, $0xb8;
	[tilespmem:$0x1F980] =	vst v63  }
0xb8: {  	_ =	swait.ge [sflag:s24], $0x2800  }
0xb9: {  	[sflag:s24] =	ssyncset.done $0x0  }
0xba: {  	s15 =	rddreg [dreg:$0x16];
	[sflag:s24] =	ssyncadd.s32 $0xFFFFD800  }
0xbb: {  	[tilespmem:s6], [sflag:$0x7] =	stream.linear.gather [hbm4b:s15+s3], $0x50, $0x38;
	[tilespmem:$0x1F980] =	vst v63  }
0xbc: {  	_ =	swait.ge [sflag:s4], $0x50  }
0xbd: {  	[sflag:s4] =	ssyncset.done $0x0  }
0xbe: {  	s19 =	simm.s32 $0x17D80;
	[sflag:s4] =	ssyncadd.s32 $0xFFFFFFB0  }
0xbf: {  	[tilespmem:s1], [sflag:$0x1] =	stream.indirect.gather [hbm4b:s13+s7], $0x80, s19, s7, $0xb8;
	[tilespmem:$0x1F980] =	vst v63  }
0xc0: {  	_ =	swait.ge [sflag:s29], $0x2800  }
0xc1: {  	[sflag:s29] =	ssyncset.done $0x0  }
0xc2: {  	[sflag:s29] =	ssyncadd.s32 $0xFFFFD800  }
0xc3: {  	[spmem:s2] =	stream.indirect.scatter.add.f32 [tilespmem:s9], [sflag:$0x5], $0x80, s8, s7, $0xb8;
	[tilespmem:$0x1F980] =	vst v63  }
0xc4: {  	_ =	swait.ge [sflag:s5], $0x2800  }
0xc5: {  	[sflag:s5] =	ssyncset.done $0x0  }
0xc6: {  	s23 =	rddreg [dreg:$0x17];
	[sflag:s5] =	ssyncadd.s32 $0xFFFFD800  }
0xc7: {  	[tilespmem:s8], [sflag:$0x7] =	stream.linear.gather [hbm4b:s23+s3], $0x50, $0x38;
	[tilespmem:$0x1F980] =	vst v63  }
0xc8: {  	_ =	swait.ge [sflag:s4], $0x50  }
0xc9: {  	[sflag:s4] =	ssyncset.done $0x0  }
0xca: {  	s16 =	simm.s32 $0x17E00;
	[sflag:s4] =	ssyncadd.s32 $0xFFFFFFB0  }
0xcb: {  	[tilespmem:s9], [sflag:$0x2] =	stream.indirect.gather [hbm4b:s13+s7], $0x80, s16, s7, $0xb8;
	[tilespmem:$0x1F980] =	vst v63  }
0xcc: {  	_ =	swait.ge [sflag:s30], $0x2800  }
0xcd: {  	[sflag:s30] =	ssyncset.done $0x0  }
0xce: {  	[sflag:s30] =	ssyncadd.s32 $0xFFFFD800  }
0xcf: {  	[spmem:s2] =	stream.indirect.scatter.add.f32 [tilespmem:s11], [sflag:$0x6], $0x80, s10, s7, $0xb8;
	[tilespmem:$0x1F980] =	vst v63  }
0xd0: {  	_ =	swait.ge [sflag:s12], $0x2800  }
0xd1: {  	[sflag:s12] =	ssyncset.done $0x0  }
0xd2: {  	[sflag:s12] =	ssyncadd.s32 $0xFFFFD800  }
0xd3: {  	[spmem:s2] =	stream.indirect.scatter.add.f32 [tilespmem:s1], [sflag:$0x4], $0x80, s6, s7, $0xb8;
	[tilespmem:$0x1F980] =	vst v63  }
0xd4: {  	_ =	swait.ge [sflag:s29], $0x2800  }
0xd5: {  	[sflag:s29] =	ssyncset.done $0x0  }
0xd6: {  	[sflag:s29] =	ssyncadd.s32 $0xFFFFD800  }
0xd7: {  	[spmem:s2] =	stream.indirect.scatter.add.f32 [tilespmem:s9], [sflag:$0x5], $0x80, s8, s7, $0xb8;
	[tilespmem:$0x1F980] =	vst v63  }
0xd8: {  	_ =	swait.ge [sflag:s24], $0x2800  }
0xd9: {  	[sflag:s24] =	ssyncset.done $0x0  }
0xda: {  	[sflag:s24] =	ssyncadd.s32 $0xFFFFD800  }
0xdb: {  	_ =	swait.ge [sflag:s5], $0x2800  }
0xdc: {  	[sflag:s5] =	ssyncset.done $0x0  }
0xdd: {  	[sflag:s5] =	ssyncadd.s32 $0xFFFFD800  }
0xde: {  	_ =	swait.ge [sflag:s31], $0x2800  }
0xdf: {  	[sflag:s31] =	ssyncset.done $0x0  }
0xe0: {  	[sflag:s31] =	ssyncadd.s32 $0xFFFFD800  }
0xe1: {  	[bflag:$0x0] =	sbarrier.arrive $0xFFFF  }
0xe2: {  	[tilespmem:s1], [sflag:$0x7] =	stream.linear.gather [spmem:s20], $0x2800, $0x38;
	[tilespmem:$0x1F980] =	vst v63  }
0xe3: {  	_ =	swait.ge [sflag:s4], $0x2800  }
0xe4: {  	[sflag:s4] =	ssyncset.done $0x0  }
0xe5: {  	s17 =	rddreg [dreg:$0x5];
	[sflag:s4] =	ssyncadd.s32 $0xFFFFD800  }
0xe6: {  	[hbm4b:s17+s3] =	stream.linear.scatter [tilespmem:s1], [sflag:$0x7], $0x2800, $0x38;
	[tilespmem:$0x1F980] =	vst v63  }
0xe7: {  	_ =	swait.ge [sflag:s4], $0x2800  }
0xe8: {  	[sflag:s4] =	ssyncset.done $0x0  }
0xe9: {  	[sflag:s4] =	ssyncadd.s32 $0xFFFFD800  }
0xea: {  	[tilespmem:s1], [sflag:$0x7] =	stream.linear.gather [spmem:s21], $0x2800, $0x38;
	[tilespmem:$0x1F980] =	vst v63  }
0xeb: {  	_ =	swait.ge [sflag:s4], $0x2800  }
0xec: {  	[sflag:s4] =	ssyncset.done $0x0  }
0xed: {  	s18 =	rddreg [dreg:$0x6];
	[sflag:s4] =	ssyncadd.s32 $0xFFFFD800  }
0xee: {  	[hbm4b:s18+s3] =	stream.linear.scatter [tilespmem:s1], [sflag:$0x7], $0x2800, $0x38;
	[tilespmem:$0x1F980] =	vst v63  }
0xef: {  	_ =	swait.ge [sflag:s4], $0x2800  }
0xf0: {  	[sflag:s4] =	ssyncset.done $0x0  }
0xf1: {  	s19 =	smov.u32 s20;
	s20 =	rddreg [dreg:$0xd];
	[sflag:s4] =	ssyncadd.s32 $0xFFFFD800  }
0xf2: {  	[tilespmem:s1], [sflag:$0x7] =	stream.linear.gather [spmem:s20], $0x2800, $0x38;
	[tilespmem:$0x1F980] =	vst v63  }
0xf3: {  	_ =	swait.ge [sflag:s4], $0x2800  }
0xf4: {  	[sflag:s4] =	ssyncset.done $0x0  }
0xf5: {  	s23 =	smov.u32 s21;
	s21 =	rddreg [dreg:$0x7];
	[sflag:s4] =	ssyncadd.s32 $0xFFFFD800  }
0xf6: {  	[hbm4b:s21+s3] =	stream.linear.scatter [tilespmem:s1], [sflag:$0x7], $0x2800, $0x38;
	[tilespmem:$0x1F980] =	vst v63  }
0xf7: {  	_ =	swait.ge [sflag:s4], $0x2800  }
0xf8: {  	[sflag:s4] =	ssyncset.done $0x0  }
0xf9: {  	s16 =	rddreg [dreg:$0xe];
	[sflag:s4] =	ssyncadd.s32 $0xFFFFD800  }
0xfa: {  	[tilespmem:s1], [sflag:$0x7] =	stream.linear.gather [spmem:s16], $0x2800, $0x38;
	[tilespmem:$0x1F980] =	vst v63  }
0xfb: {  	_ =	swait.ge [sflag:s4], $0x2800  }
0xfc: {  	[sflag:s4] =	ssyncset.done $0x0  }
0xfd: {  	s17 =	rddreg [dreg:$0x8];
	[sflag:s4] =	ssyncadd.s32 $0xFFFFD800  }
0xfe: {  	[hbm4b:s17+s3] =	stream.linear.scatter [tilespmem:s1], [sflag:$0x7], $0x2800, $0x38;
	[tilespmem:$0x1F980] =	vst v63  }
0xff: {  	_ =	swait.ge [sflag:s4], $0x2800  }
0x100: {  	[sflag:s4] =	ssyncset.done $0x0  }
0x101: {  	s18 =	rddreg [dreg:$0xf];
	[sflag:s4] =	ssyncadd.s32 $0xFFFFD800  }
0x102: {  	[tilespmem:s1], [sflag:$0x7] =	stream.linear.gather [spmem:s18], $0x2800, $0x38;
	[tilespmem:$0x1F980] =	vst v63  }
0x103: {  	_ =	swait.ge [sflag:s4], $0x2800  }
0x104: {  	[sflag:s4] =	ssyncset.done $0x0  }
0x105: {  	s20 =	rddreg [dreg:$0x9];
	[sflag:s4] =	ssyncadd.s32 $0xFFFFD800  }
0x106: {  	[hbm4b:s20+s3] =	stream.linear.scatter [tilespmem:s1], [sflag:$0x7], $0x2800, $0x38;
	[tilespmem:$0x1F980] =	vst v63  }
0x107: {  	_ =	swait.ge [sflag:s4], $0x2800  }
0x108: {  	[sflag:s4] =	ssyncset.done $0x0  }
0x109: {  	s21 =	rddreg [dreg:$0x10];
	[sflag:s4] =	ssyncadd.s32 $0xFFFFD800  }
0x10a: {  	[tilespmem:s1], [sflag:$0x7] =	stream.linear.gather [spmem:s21], $0x2800, $0x38;
	[tilespmem:$0x1F980] =	vst v63  }
0x10b: {  	_ =	swait.ge [sflag:s4], $0x2800  }
0x10c: {  	[sflag:s4] =	ssyncset.done $0x0  }
0x10d: {  	s16 =	rddreg [dreg:$0xa];
	[sflag:s4] =	ssyncadd.s32 $0xFFFFD800  }
0x10e: {  	[hbm4b:s16+s3] =	stream.linear.scatter [tilespmem:s1], [sflag:$0x7], $0x2800, $0x38;
	[tilespmem:$0x1F980] =	vst v63  }
0x10f: {  	_ =	swait.ge [sflag:s4], $0x2800  }
0x110: {  	[sflag:s4] =	ssyncset.done $0x0  }
0x111: {  	s17 =	rddreg [dreg:$0x11];
	[sflag:s4] =	ssyncadd.s32 $0xFFFFD800  }
0x112: {  	[tilespmem:s1], [sflag:$0x7] =	stream.linear.gather [spmem:s17], $0x2800, $0x38;
	[tilespmem:$0x1F980] =	vst v63  }
0x113: {  	_ =	swait.ge [sflag:s4], $0x2800  }
0x114: {  	[sflag:s4] =	ssyncset.done $0x0  }
0x115: {  	s18 =	rddreg [dreg:$0xb];
	[sflag:s4] =	ssyncadd.s32 $0xFFFFD800  }
0x116: {  	[hbm4b:s18+s3] =	stream.linear.scatter [tilespmem:s1], [sflag:$0x7], $0x2800, $0x38;
	[tilespmem:$0x1F980] =	vst v63  }
0x117: {  	_ =	swait.ge [sflag:s4], $0x2800  }
0x118: {  	[sflag:s4] =	ssyncset.done $0x0  }
0x119: {  	[sflag:s4] =	ssyncadd.s32 $0xFFFFD800  }
0x11a: {  	[tilespmem:s1], [sflag:$0x7] =	stream.linear.gather [spmem:s22], $0x2800, $0x38;
	[tilespmem:$0x1F980] =	vst v63  }
0x11b: {  	_ =	swait.ge [sflag:s4], $0x2800  }
0x11c: {  	[sflag:s4] =	ssyncset.done $0x0  }
0x11d: {  	s20 =	rddreg [dreg:$0xc];
	[sflag:s4] =	ssyncadd.s32 $0xFFFFD800  }
0x11e: {  	[hbm4b:s20+s3] =	stream.linear.scatter [tilespmem:s1], [sflag:$0x7], $0x2800, $0x38;
	[tilespmem:$0x1F980] =	vst v63  }
0x11f: {  	_ =	swait.ge [sflag:s4], $0x2800  }
0x120: {  	s0 =	sadd.s32 $0x1, s0;
	s21 =	rddreg [dreg:$0x13]  }
0x121: {  	p0 =	sne.s32 s0, s21  }
.Ltmp2:
0x122: {  	_ = 	snop;
	(pc) =	sbr.rel @p0 .LBB2_1-.Ltmp2, $3  }
0x123: {  	_ =	sdelay $0x1  }
0x124: {  	[sflag:s4] =	ssyncset.done $0x0  }
0x125: {  	[sflag:s4] =	ssyncadd.s32 $0xFFFFD800  }
0x126: {  	_ =	sfence.sel $0x180000  }
0x127: {  	[bflag:$0x0] =	sbarrier.arrive $0xFFFF  }
0x128: {  	_ =	strace $0x9000004A  }
0x129: {  	s0 =	stileid.u32;
	[bflag:$0x2] =	sbarrier.arrive $0xFFFF  }
0x12a: {  	p0 =	sne.s32 s0, $0x0;
	s0 =	rddreg [dreg:$0x3]  }
0x12b: {  	s0 =	sadd.s32 @!p0 $0x100000, s0  }
0x12c: {  	[sflag:s0] =	ssyncadd.tile.s32 @!p0 $0x1;
	_ =	shalt  }
.Lfunc_end2:
_tile_overlayer_lowered:
.L_overlay_start_2:
0x12d: {  	(tag) =	ssettag $0x2  }
0x12e: {  	s0 =	rddreg [dreg:$0x0];
	s2 =	stileid.u32  }
0x12f: {  	s1 =	rddreg [dreg:$0x1];
	p0 =	sne.s32 s2, $0x0  }
0x130: {  	s3 =	rddreg [dreg:$0x2];
	[bflag:$0x3] =	sbarrier.arrive $0xFFFF;
	s2 =	simm.s32 @!p0 $0x1C07  }
0x131: {  	[timem:s3], [sflag:s2] =	dma.local @!p0 [hbm:s0], s1  }
0x132: {  	s0 =	simm.s32 @!p0 $0x7  }
0x133: {  	_ =	swait.ge @!p0 [sflag:s0], s1  }
0x134: {  	s1 =	ssub.s32 @!p0 $0x0, s1;
	[sflag:s0] =	ssyncset.done @!p0 $0x0  }
0x135: {  	[sflag:s0] =	ssyncadd.s32 @!p0 s1  }
0x136: {  	[bflag:$0x3] =	sbarrier.arrive $0xFFFF  }
0x137: {  	_ =	shalt  }

// kernel: sc_agg.7.cloned.1.call-start
scs
__scs_entry_jumppad:
0x0: {  	(pc) =	sbr.rel $0x88, $3  }
0x1: {  	(tag) =	ssettag $0x0;
	lr =	simm.s32 $0x1  }
0x2: {  	[smem:$0x3F96] =	sst lr;
	_ =	strace $0xD0000000  }
0x3: {  	_ = 	snop  }
0x4: {  	_ = 	snop  }
0x5: {  	_ = 	snop  }
0x6: {  	_ = 	snop  }
0x7: {  	_ = 	snop  }
__scs_overlays_trampoline_lowered:
0x8: {  	[smem:$0x3FA5] =	sst s0  }
0x9: {  	[smem:$0x3FA6] =	sst s1  }
0xa: {  	[smem:$0x3FA7] =	sst s2  }
0xb: {  	[smem:$0x3FA8] =	sst s3  }
0xc: {  	[smem:$0x3FA9] =	sst s4  }
0xd: {  	[smem:$0x3FAA] =	sst s5  }
0xe: {  	[smem:$0x3FAB] =	sst s6  }
0xf: {  	[smem:$0x3FAC] =	sst s7  }
0x10: {  	[smem:$0x3FAD] =	sst s8  }
0x11: {  	[smem:$0x3FAE] =	sst s9;
	s0 =	simm.s32 @!p0 $0x0  }
0x12: {  	s1 =	sld [smem:$0x3F94];
	s0 =	simm.s32 @p0 $0x1  }
0x13: {  	[smem:$0x3FAF] =	sst s0;
	s0 =	simm.s32 @!p1 $0x0  }
0x14: {  	s2 =	sld [smem:$0x3F93];
	s0 =	simm.s32 @p1 $0x1  }
0x15: {  	[smem:$0x3FB0] =	sst s0;
	s0 =	simm.s32 @!p2 $0x0  }
0x16: {  	s3 =	sld [smem:$0x3FDB];
	s0 =	simm.s32 @p2 $0x1  }
0x17: {  	s4 =	simm.s32 $0x1BF5;
	[smem:$0x3FB2] =	sst s0  }
0x18: {  	s0 =	sld [smem:$0x3F95];
	_ =	swait.ge [sflag:s4], $0x0  }
0x19: {  	s7 =	sld [smem:$0x3F96]  }
0x1a: {  	s8 =	sadd.s32 $0xFFFFE003, lr  }
0x1b: {  	s9 =	sadd.s32 $0xFFFFFEF7, lr;
	s5 =	simm.s32 $0xFFFFFFFF;
	p2 =	slt.u32 s8, $0xFFFFF086  }
0x1c: {  	p1 =	slt.u32 s9, $0xF7A;
	s5 =	simm.s32 @!p2 $0x0  }
0x1d: {  	s5 =	simm.s32 @p1 $0x1;
	p0 =	seq.s32 s7, s2  }
0x1e: {  	s7 =	smul.u32 @!p0 $0xF7A, s2;
	p2 =	seq.s32 @!p0 s5, $0x0  }
0x1f: {  	s9 =	smul.u32 $0xF7A, s1;
	s8 =	simm.s32 @!p0 $0x1BF5;
	p2 =	por !p2, p0  }
0x20: {  	[sflag:s8] =	ssyncset.s32 @!p0 $0xFFFFF086;
	s6 =	sadd.s32 @!p0 s3, s7;
	s7 =	simm.s32 @!p0 $0x108  }
0x21: {  	s3 =	sadd.s32 s3, s9;
	s6 =	sadd.s32 @!p0 $0x88, s6;
	s7 =	simm.s32 @p2 $0x1082  }
0x22: {  	[simem:s7], [sflag:s8] =	dma.local @!p0 [hbm:s6], $0xF7A  }
0x23: {  	s9 =	sor.u32 $0xD0000000, s2;
	s6 =	simm.s32 $0x108;
	_ =	swait.ge @!p0 [sflag:s8], $0x0  }
0x24: {  	s3 =	sadd.s32 $0x88, s3;
	s6 =	simm.s32 @!p1 $0x1082;
	[sflag:s4] =	ssyncset.s32 $0xFFFFF086  }
0x25: {  	[simem:s6], [sflag:s4] =	dma.local [hbm:s3], $0xF7A  }
0x26: {  	[smem:$0x3F96] =	sst s1;
	(tag) =	ssettag s2;
	_ =	strace s9  }
0x27: {  	s1 =	sld [smem:$0x3FA6]  }
0x28: {  	s2 =	sld [smem:$0x3FA7]  }
0x29: {  	s4 =	sld [smem:$0x3FA9]  }
0x2a: {  	p0 =	seq.s32 s5, $0x0;
	s5 =	sld [smem:$0x3FAA]  }
0x2b: {  	s6 =	sld [smem:$0x3FAB]  }
0x2c: {  	s7 =	sld [smem:$0x3FAC]  }
0x2d: {  	s3 =	simm.s32 $0x108;
	s8 =	sld [smem:$0x3FAD]  }
0x2e: {  	s3 =	simm.s32 @!p0 $0x1082;
	s9 =	sld [smem:$0x3FAE]  }
0x2f: {  	lr =	sadd.s32 s0, s3;
	s0 =	sld [smem:$0x3FA5]  }
0x30: {  	s3 =	sld [smem:$0x3FA8]  }
0x31: {  	[smem:$0x3FB1] =	sst s10  }
0x32: {  	s10 =	sld [smem:$0x3FAF];
	_ =	sdelay $0x3  }
0x33: {  	p0 =	seq.s32 s10, $0x1;
	s10 =	sld [smem:$0x3FB1];
	_ =	sdelay $0x3  }
0x34: {  	[smem:$0x3FB1] =	sst s10  }
0x35: {  	s10 =	sld [smem:$0x3FB0];
	_ =	sdelay $0x3  }
0x36: {  	p1 =	seq.s32 s10, $0x1;
	s10 =	sld [smem:$0x3FB1];
	_ =	sdelay $0x3  }
0x37: {  	[smem:$0x3FB1] =	sst s10  }
0x38: {  	s10 =	sld [smem:$0x3FB2]  }
0x39: {  	_ = 	snop;
	(pc) =	sbr.ind lr, $3  }
0x3a: {  	_ = 	snop  }
0x3b: {  	_ = 	snop  }
0x3c: {  	p2 =	seq.s32 s10, $0x1;
	s10 =	sld [smem:$0x3FB1]  }
0x3d: {  	_ =	shalt  }
0x3e: {  	_ =	shalt  }
0x3f: {  	_ =	shalt  }
0x40: {  	_ =	shalt  }
0x41: {  	_ =	shalt  }
0x42: {  	_ =	shalt  }
0x43: {  	_ =	shalt  }
0x44: {  	_ =	shalt  }
0x45: {  	_ =	shalt  }
0x46: {  	_ =	shalt  }
0x47: {  	_ =	shalt  }
0x48: {  	_ =	shalt  }
0x49: {  	_ =	shalt  }
0x4a: {  	_ =	shalt  }
0x4b: {  	_ =	shalt  }
0x4c: {  	_ =	shalt  }
0x4d: {  	_ =	shalt  }
0x4e: {  	_ =	shalt  }
0x4f: {  	_ =	shalt  }
0x50: {  	_ =	shalt  }
0x51: {  	_ =	shalt  }
0x52: {  	_ =	shalt  }
0x53: {  	_ =	shalt  }
0x54: {  	_ =	shalt  }
0x55: {  	_ =	shalt  }
0x56: {  	_ =	shalt  }
0x57: {  	_ =	shalt  }
0x58: {  	_ =	shalt  }
0x59: {  	_ =	shalt  }
0x5a: {  	_ =	shalt  }
0x5b: {  	_ =	shalt  }
0x5c: {  	_ =	shalt  }
0x5d: {  	_ =	shalt  }
0x5e: {  	_ =	shalt  }
0x5f: {  	_ =	shalt  }
0x60: {  	_ =	shalt  }
0x61: {  	_ =	shalt  }
0x62: {  	_ =	shalt  }
0x63: {  	_ =	shalt  }
0x64: {  	_ =	shalt  }
0x65: {  	_ =	shalt  }
0x66: {  	_ =	shalt  }
0x67: {  	_ =	shalt  }
0x68: {  	_ =	shalt  }
0x69: {  	_ =	shalt  }
0x6a: {  	_ =	shalt  }
0x6b: {  	_ =	shalt  }
0x6c: {  	_ =	shalt  }
0x6d: {  	_ =	shalt  }
0x6e: {  	_ =	shalt  }
0x6f: {  	_ =	shalt  }
0x70: {  	_ =	shalt  }
0x71: {  	_ =	shalt  }
0x72: {  	_ =	shalt  }
0x73: {  	_ =	shalt  }
0x74: {  	_ =	shalt  }
0x75: {  	_ =	shalt  }
0x76: {  	_ =	shalt  }
0x77: {  	_ =	shalt  }
0x78: {  	_ =	shalt  }
0x79: {  	_ =	shalt  }
0x7a: {  	_ =	shalt  }
0x7b: {  	_ =	shalt  }
0x7c: {  	_ =	shalt  }
0x7d: {  	_ =	shalt  }
0x7e: {  	_ =	shalt  }
0x7f: {  	_ =	shalt  }
0x80: {  	_ =	shalt  }
0x81: {  	_ =	shalt  }
0x82: {  	_ =	shalt  }
0x83: {  	_ =	shalt  }
0x84: {  	_ =	shalt  }
0x85: {  	_ =	shalt  }
0x86: {  	_ =	shalt  }
0x87: {  	_ =	shalt  }
.Lfunc_end0:
.L_simem_size_0:
called_computation.2_lowered:
.L_overlay_start_0:
0x88: {  	s2 =	sld [smem:$0x3FD9]  }
0x89: {  	s3 =	sld [smem:$0x3FFE];
	_ =	sdelay $0x1  }
0x8a: {  	s1 =	srdreg.scid  }
0x8b: {  	s0 =	sand.u32 $0x1, s1  }
0x8c: {  	s17 =	sshll.u32 s0, $0xA;
	s2 =	sadd.s32 s3, s2  }
0x8d: {  	s2 =	sadd.s32 s2, s17  }
0x8e: {  	[smem:$0x3FBD] =	sst s2  }
0x8f: {  	_ = 	snop  }
0x90: {  	s2 =	sld [smem:$0x3FD0];
	(tm) =	ssettm $0x1  }
0x91: {  	s18 =	sld [smem:$0x3FFB];
	_ =	sdelay $0x3  }
0x92: {  	_ =	strace s18  }
0x93: {  	s3 =	sld [smem:$0x3FFC];
	_ =	sdelay $0x3  }
0x94: {  	_ =	strace s3  }
0x95: {  	s3 =	sld [smem:$0x3FFD];
	_ =	sdelay $0x3  }
0x96: {  	_ =	strace s3  }
0x97: {  	_ =	strace $0x8FFFFFFF  }
0x98: {  	s19 =	sld [smem:$0x3FDB];
	_ =	sdelay $0x1  }
0x99: {  	s4 =	simm.s32 $_scs_section_size  }
0x9a: {  	s5 =	simm.s32 $_size__tile_overlayer_lowered;
	s6 =	simm.s32 $_tile_overlayer_lowered  }
0x9b: {  	s22 =	simm.s32 $0x1BFF;
	s21 =	sshll.u32 s6, $0x1;
	s3 =	sadd.s32 s4, s19  }
0x9c: {  	s7 =	simm.s32 $0x0;
	s20 =	sshll.u32 s5, $0x1;
	s5 =	sadd.s32 s21, s3  }
0x9d: {  	[timem:s7], [sflag:s22] =	dma.local [hbm:s5], s20  }
0x9e: {  	_ =	swait.ge [sflag:s22], s20  }
0x9f: {  	s4 =	ssub.s32 $0x0, s20;
	[sflag:s22] =	ssyncset.done $0x0  }
0xa0: {  	[sflag:s22] =	ssyncadd.s32 s4;
	_ =	sdelay $0x1  }
0xa1: {  	s23 =	simm.s32 $0x1B8B  }
0xa2: {  	_ =	swait.ge [sflag:s23], $0x1  }
0xa3: {  	[sflag:s23] =	ssyncset.done $0x0  }
0xa4: {  	s25 =	simm.s32 $0x1B8E;
	s24 =	sld [smem:$0x3FFE];
	[sflag:s23] =	ssyncadd.s32 $0xFFFFFFFF  }
0xa5: {  	s26 =	simm.s32 $execute0_lowered;
	[smem:$0x3FD2] =	sst s25  }
0xa6: {  	s5 =	sshll.u32 s26, $0x1;
	_ =	strace $0x8000004C;
	[dreg:$0x1] =	wrdreg $0xFFFFFFFF  }
0xa7: {  	s28 =	simm.s32 $_size_execute0_lowered;
	s3 =	sadd.s32 s3, s5;
	[dreg:$0x0] =	wrdreg $0x0  }
0xa8: {  	s5 =	sshll.u32 s28, $0x1;
	[dreg:$0x2] =	wrdreg s3  }
0xa9: {  	[dreg:$0x3] =	wrdreg s5  }
0xaa: {  	[dreg:$0x4] =	wrdreg $0xC0  }
0xab: {  	_ =	task [dreg:s7], $0x5FFFF  }
0xac: {  	[dreg:$0x1] =	wrdreg $0xFFFFFFFF  }
0xad: {  	[dreg:$0x0] =	wrdreg $0x60  }
0xae: {  	[dreg:$0x2] =	wrdreg s24  }
0xaf: {  	[dreg:$0x3] =	wrdreg s2  }
0xb0: {  	[dreg:$0x4] =	wrdreg $0x0  }
0xb1: {  	[dreg:$0x5] =	wrdreg $0x9  }
0xb2: {  	_ =	task.clear_ibuf [dreg:s7], $0x6FFFF;
	_ =	strace $0x9000004C  }
0xb3: {  	s29 =	simm.s32 $0x9;
	_ =	strace $0x8000004E  }
0xb4: {  	_ =	swait.ge [sflag:s29], $0x1  }
0xb5: {  	[sflag:s29] =	ssyncadd.s32 $0xFFFFFFFF  }
0xb6: {  	_ =	strace $0x9000004E  }
0xb7: {  	_ =	sfence  }
0xb8: {  	s30 =	sld [smem:$0x0];
	_ =	sdelay $0x2  }
0xb9: {  	s31 =	sshll.u32 s1, $0xD;
	s1 =	sshrl.u32 s1, $0x2  }
0xba: {  	s3 =	sand.u32 $0x4000, s31;
	s1 =	sadd.s32 s1, s30  }
0xbb: {  	s0 =	sor.u32 s3, s0;
	s1 =	sshll.u32 s1, $0x11  }
0xbc: {  	s0 =	sor.u32 s1, s0  }
0xbd: {  	s0 =	sadd.s32 $0x8F2B, s0  }
0xbe: {  	[sflag:s0] =	ssyncadd.remote.s32 $0x1  }
0xbf: {  	_ =	sfence.sel $0xFFFF  }
0xc0: {  	[dreg:$0x0] =	wrdreg $0xFFFFFFFF;
	(pc) =	sbr.abs _section_cstart, $3  }
0xc1: {  	[dreg:$0x1] =	wrdreg $0xFFFFFFFF  }
0xc2: {  	_ =	task.clear_ibuf [dreg:s7], $0x2FFFF;
	_ =	strace $0x9FFFFFFF  }
0xc3: {  	(tm) =	ssettm $0x7FFFFFFF  }
tec
execute0_lowered:
.L_overlay_start_1:
0x0: {  	(tag) =	ssettag $0x1  }
0x1: {  	s0 =	rddreg [dreg:$0x0]  }
0x2: {  	s1 =	rddreg [dreg:$0x1]  }
0x3: {  	s3 =	srdreg.scid;
	s2 =	rddreg [dreg:$0x2]  }
0x4: {  	s19 =	stileid.u32;
	s29 =	simm.s32 $0x2;
	s30 =	simm.s32 $0x3  }
0x5: {  	s31 =	simm.s32 $0x6;
	s4 =	sand.u32 $0x1, s3;
	s7 =	smul.u32 $0x14000, s19  }
0x6: {  	s3 =	simm.s32 $0x0;
	s8 =	sadd.s32 $0x5AE00, s0;
	s9 =	smul.u32 $0x50000, s19  }
0x7: {  	s12 =	sshll.u32 s19, $0x1;
	s5 =	ssub.s32 $0x2, s4;
	s14 =	smul.u32 $0x140000, s4  }
0x8: {  	[smem:$0x7FF] =	sst s3;
	s6 =	sshrl.u32 s5, $0x1;
	s10 =	sor.u32 $0x2800, s7  }
0x9: {  	s11 =	sadd.s32 $0x5000, s7;
	s15 =	sadd.s32 $0xA000, s7;
	s16 =	sadd.s32 $0xC800, s7  }
0xa: {  	s17 =	sadd.s32 $0xF000, s7;
	s18 =	sadd.s32 $0x11800, s7;
	s5 =	ssub.s32 s5, s6  }
0xb: {  	s6 =	sor.u32 s4, s12;
	s12 =	sadd.s32 $0x7800, s7;
	s20 =	sadd.s32 s14, s10  }
0xc: {  	s21 =	sadd.s32 s14, s11;
	s25 =	sadd.s32 s14, s15;
	s26 =	sadd.s32 s14, s16  }
0xd: {  	s4 =	smul.u32 $0x2710, s4;
	s13 =	sshll.u32 s6, $0xB;
	s24 =	sadd.s32 s14, s12  }
0xe: {  	s5 =	smax.u32 s5, $0x1;
	s1 =	sadd.s32 s1, s13;
	s13 =	sadd.s32 s7, s14  }
0xf: {  	s7 =	sshrl.u32 s20, $0x3;
	[dreg:$0x4] =	wrdreg s1;
	s1 =	sshrl.u32 s13, $0x3  }
0x10: {  	s13 =	sshrl.u32 s21, $0x3;
	s22 =	sadd.s32 s8, s7;
	s7 =	sshrl.u32 s25, $0x3  }
0x11: {  	s1 =	sadd.s32 s8, s1;
	[dreg:$0x6] =	wrdreg s22;
	s23 =	sadd.s32 s8, s13  }
0x12: {  	s13 =	sshrl.u32 s26, $0x3;
	s20 =	sadd.s32 s8, s7;
	s22 =	sadd.s32 s14, s17  }
0x13: {  	s26 =	sshrl.u32 s9, $0x2;
	s9 =	sadd.s32 s12, s2;
	[dreg:$0x5] =	wrdreg s1  }
0x14: {  	s12 =	sadd.s32 s17, s2;
	[dreg:$0x7] =	wrdreg s23;
	s1 =	sshrl.u32 s24, $0x3  }
0x15: {  	[dreg:$0x9] =	wrdreg s20;
	s21 =	sadd.s32 s8, s13;
	s23 =	sadd.s32 s14, s18  }
0x16: {  	s24 =	smul.u32 $0x4E20, s19;
	s13 =	sadd.s32 $0x32E00, s0;
	s14 =	sadd.s32 $0x29000, s0  }
0x17: {  	s19 =	sadd.s32 s26, s2;
	s1 =	sadd.s32 s8, s1;
	[dreg:$0xa] =	wrdreg s21  }
0x18: {  	s7 =	sshrl.u32 s23, $0x3;
	s23 =	sadd.s32 s10, s2;
	s10 =	sadd.s32 s15, s2  }
0x19: {  	[dreg:$0x8] =	wrdreg s1;
	s1 =	sshrl.u32 s22, $0x3;
	s25 =	sadd.s32 s8, s7  }
0x1a: {  	s4 =	sadd.s32 s4, s24;
	s1 =	sadd.s32 s8, s1;
	[dreg:$0xc] =	wrdreg s25  }
0x1b: {  	s7 =	sadd.s32 s11, s2;
	s11 =	sadd.s32 s16, s2;
	[dreg:$0xb] =	wrdreg s1  }
0x1c: {  	s22 =	sadd.s32 s18, s2;
	_ =	strace $0x8000004D;
	[dreg:$0xd] =	wrdreg s7  }
0x1d: {  	s8 =	smul.u32 $0x2710, s6;
	s16 =	sadd.s32 $0x190, s4;
	[dreg:$0xe] =	wrdreg s9  }
0x1e: {  	s17 =	sadd.s32 $0x140, s4;
	s28 =	sadd.s32 $0xF0, s4;
	[dreg:$0xf] =	wrdreg s10  }
0x1f: {  	s4 =	simm.s32 $0x7;
	s6 =	simm.s32 $0x18000;
	[dreg:$0x10] =	wrdreg s11  }
0x20: {  	s1 =	sshrl.u32 s17, $0x3;
	[dreg:$0x11] =	wrdreg s12;
	s0 =	sshrl.u32 s8, $0x3  }
0x21: {  	[dreg:$0x13] =	wrdreg s5;
	s26 =	sadd.s32 s1, s14;
	s1 =	simm.s32 $0x18180  }
0x22: {  	s7 =	simm.s32 $0x50;
	s8 =	simm.s32 $0x18080;
	s9 =	simm.s32 $0x1A980  }
0x23: {  	s10 =	simm.s32 $0x18100;
	s11 =	simm.s32 $0x1D180;
	s15 =	sadd.s32 s14, s0  }
0x24: {  	s12 =	simm.s32 $0x1;
	s18 =	sadd.s32 $0xA, s15;
	[dreg:$0x12] =	wrdreg s15  }
0x25: {  	s5 =	simm.s32 $0x5;
	s20 =	sadd.s32 $0x14, s15;
	[dreg:$0x14] =	wrdreg s18  }
0x26: {  	s0 =	sshrl.u32 s16, $0x3;
	s21 =	sadd.s32 $0x4CE, s15;
	[dreg:$0x15] =	wrdreg s20  }
0x27: {  	s25 =	sadd.s32 s0, s14;
	s24 =	sadd.s32 $0x4D8, s15;
	[dreg:$0x16] =	wrdreg s21  }
0x28: {  	v0 =	vimm.f32 $0.0e+00;
	s0 =	simm.s32 $0x0;
	[dreg:$0x17] =	wrdreg s24;
	s24 =	simm.s32 $0x4  }
.LBB2_1:
0x29: {  	s15 =	sand.u32 $0xFE00, s3  }
0x2a: {  	s16 =	sand.u32 $0x70, s3;
	s17 =	sshrl.u32 s15, $0x2  }
0x2b: {  	s15 =	simm.s32 $0x40;
	s17 =	sor.u32 s16, s17;
	s16 =	simm.s32 $0x0  }
.LBB2_2:
0x2c: {  	p0 =	sne.s32 s15, $0x9FC0  }
0x2d: {  	[tilespmem:s17+$0x18180] =	vst v0;
	s16 =	sadd.s32 $0x10, s16;
	s17 =	smov.u32 s15;
	s15 =	sadd.s32 $0x40, s15  }
.Ltmp0:
0x2e: {  	(pc) =	sbr.rel @p0 .LBB2_2-.Ltmp0, $4  }
0x2f: {  	_ = 	snop  }
0x30: {  	s17 =	sand.u32 $0xFE00, s17  }
0x31: {  	s18 =	sand.u32 $0x70, s16;
	s17 =	sshrl.u32 s17, $0x2  }
0x32: {  	s17 =	sor.u32 s18, s17  }
0x33: {  	[tilespmem:s17+$0x18180] =	vst v0  }
0x34: {  	[spmem:s19] =	stream.linear.scatter [tilespmem:s1], [sflag:$0x7], $0x2800, $0x38;
	[tilespmem:$0x1F980] =	vst v63  }
0x35: {  	_ =	swait.ge [sflag:s4], $0x2800  }
0x36: {  	[sflag:s4] =	ssyncset.done $0x0  }
0x37: {  	[sflag:s4] =	ssyncadd.s32 $0xFFFFD800  }
0x38: {  	[spmem:s23] =	stream.linear.scatter [tilespmem:s1], [sflag:$0x7], $0x2800, $0x38;
	[tilespmem:$0x1F980] =	vst v63  }
0x39: {  	_ =	swait.ge [sflag:s4], $0x2800  }
0x3a: {  	[sflag:s4] =	ssyncset.done $0x0  }
0x3b: {  	s15 =	rddreg [dreg:$0xd];
	[sflag:s4] =	ssyncadd.s32 $0xFFFFD800  }
0x3c: {  	[spmem:s15] =	stream.linear.scatter [tilespmem:s1], [sflag:$0x7], $0x2800, $0x38;
	[tilespmem:$0x1F980] =	vst v63  }
0x3d: {  	_ =	swait.ge [sflag:s4], $0x2800  }
0x3e: {  	[sflag:s4] =	ssyncset.done $0x0  }
0x3f: {  	s21 =	smov.u32 s23;
	s23 =	rddreg [dreg:$0xe];
	[sflag:s4] =	ssyncadd.s32 $0xFFFFD800  }
0x40: {  	[spmem:s23] =	stream.linear.scatter [tilespmem:s1], [sflag:$0x7], $0x2800, $0x38;
	[tilespmem:$0x1F980] =	vst v63  }
0x41: {  	_ =	swait.ge [sflag:s4], $0x2800  }
0x42: {  	[sflag:s4] =	ssyncset.done $0x0  }
0x43: {  	s16 =	rddreg [dreg:$0xf];
	[sflag:s4] =	ssyncadd.s32 $0xFFFFD800  }
0x44: {  	[spmem:s16] =	stream.linear.scatter [tilespmem:s1], [sflag:$0x7], $0x2800, $0x38;
	[tilespmem:$0x1F980] =	vst v63  }
0x45: {  	_ =	swait.ge [sflag:s4], $0x2800  }
0x46: {  	[sflag:s4] =	ssyncset.done $0x0  }
0x47: {  	s17 =	rddreg [dreg:$0x10];
	[sflag:s4] =	ssyncadd.s32 $0xFFFFD800  }
0x48: {  	[spmem:s17] =	stream.linear.scatter [tilespmem:s1], [sflag:$0x7], $0x2800, $0x38;
	[tilespmem:$0x1F980] =	vst v63  }
0x49: {  	_ =	swait.ge [sflag:s4], $0x2800  }
0x4a: {  	[sflag:s4] =	ssyncset.done $0x0  }
0x4b: {  	s18 =	rddreg [dreg:$0x11];
	[sflag:s4] =	ssyncadd.s32 $0xFFFFD800  }
0x4c: {  	[spmem:s18] =	stream.linear.scatter [tilespmem:s1], [sflag:$0x7], $0x2800, $0x38;
	[tilespmem:$0x1F980] =	vst v63  }
0x4d: {  	_ =	swait.ge [sflag:s4], $0x2800  }
0x4e: {  	[sflag:s4] =	ssyncset.done $0x0  }
0x4f: {  	[sflag:s4] =	ssyncadd.s32 $0xFFFFD800  }
0x50: {  	[spmem:s22] =	stream.linear.scatter [tilespmem:s1], [sflag:$0x7], $0x2800, $0x38;
	[tilespmem:$0x1F980] =	vst v63  }
0x51: {  	_ =	swait.ge [sflag:s4], $0x2800  }
0x52: {  	[sflag:s4] =	ssyncset.done $0x0  }
0x53: {  	[sflag:s4] =	ssyncadd.s32 $0xFFFFD800  }
0x54: {  	s20 =	smov.u32 s19;
	[bflag:$0x0] =	sbarrier.arrive $0xFFFF  }
0x55: {  	s19 =	simm.s32 $0x14000;
	s15 =	simm.s32 $0x0;
	s16 =	rddreg [dreg:$0x4]  }
0x56: {  	[tilespmem:s19], [sflag:$0x7] =	stream.linear.gather [hbm4b:s16+s15], $0x3E80, $0x38;
	[tilespmem:$0x1F980] =	vst v63  }
0x57: {  	_ =	swait.ge [sflag:s4], $0x3E80  }
0x58: {  	[sflag:s4] =	ssyncset.done $0x0  }
0x59: {  	s23 =	rddreg [dreg:$0x12];
	[sflag:s4] =	ssyncadd.s32 $0xFFFFC180  }
0x5a: {  	[tilespmem:s6], [sflag:$0x7] =	stream.linear.gather [hbm4b:s23+s15], $0x50, $0x38;
	[tilespmem:$0x1F980] =	vst v63  }
0x5b: {  	_ =	swait.ge [sflag:s4], $0x50  }
0x5c: {  	[sflag:s4] =	ssyncset.done $0x0  }
0x5d: {  	[sflag:s4] =	ssyncadd.s32 $0xFFFFFFB0  }
0x5e: {  	[tilespmem:s1], [sflag:$0x1] =	stream.indirect.gather [hbm4b:s13+s7], $0x80, s19, s7, $0xb8;
	[tilespmem:$0x1F980] =	vst v63  }
0x5f: {  	s18 =	rddreg [dreg:$0x14]  }
0x60: {  	[tilespmem:s8], [sflag:$0x7] =	stream.linear.gather [hbm4b:s18+s15], $0x50, $0x38;
	[tilespmem:$0x1F980] =	vst v63  }
0x61: {  	_ =	swait.ge [sflag:s4], $0x50  }
0x62: {  	[sflag:s4] =	ssyncset.done $0x0  }
0x63: {  	s19 =	simm.s32 $0x14080;
	[sflag:s4] =	ssyncadd.s32 $0xFFFFFFB0  }
0x64: {  	[tilespmem:s9], [sflag:$0x2] =	stream.indirect.gather [hbm4b:s13+s7], $0x80, s19, s7, $0xb8;
	[tilespmem:$0x1F980] =	vst v63  }
0x65: {  	s23 =	rddreg [dreg:$0x15]  }
0x66: {  	[tilespmem:s10], [sflag:$0x7] =	stream.linear.gather [hbm4b:s23+s15], $0x50, $0x38;
	[tilespmem:$0x1F980] =	vst v63  }
0x67: {  	_ =	swait.ge [sflag:s4], $0x50  }
0x68: {  	[sflag:s4] =	ssyncset.done $0x0  }
0x69: {  	s17 =	simm.s32 $0x14100;
	[sflag:s4] =	ssyncadd.s32 $0xFFFFFFB0  }
0x6a: {  	[tilespmem:s11], [sflag:$0x3] =	stream.indirect.gather [hbm4b:s13+s7], $0x80, s17, s7, $0xb8;
	[tilespmem:$0x1F980] =	vst v63  }
0x6b: {  	_ =	swait.ge [sflag:s12], $0x2800  }
0x6c: {  	[sflag:s12] =	ssyncset.done $0x0  }
0x6d: {  	[sflag:s12] =	ssyncadd.s32 $0xFFFFD800  }
0x6e: {  	[spmem:s2] =	stream.indirect.scatter.add.f32 [tilespmem:s1], [sflag:$0x4], $0x80, s6, s7, $0xb8;
	[tilespmem:$0x1F980] =	vst v63  }
0x6f: {  	_ =	swait.ge [sflag:s24], $0x2800  }
0x70: {  	s18 =	sshrl.u32 s28, $0x3;
	[sflag:s24] =	ssyncset.done $0x0  }
0x71: {  	s15 =	sadd.s32 s14, s18;
	[sflag:s24] =	ssyncadd.s32 $0xFFFFD800  }
0x72: {  	[tilespmem:s6], [sflag:$0x7] =	stream.linear.gather [hbm4b:s15+s3], $0x50, $0x38;
	[tilespmem:$0x1F980] =	vst v63  }
0x73: {  	_ =	swait.ge [sflag:s4], $0x50  }
0x74: {  	[sflag:s4] =	ssyncset.done $0x0  }
0x75: {  	s19 =	simm.s32 $0x14180;
	[sflag:s4] =	ssyncadd.s32 $0xFFFFFFB0  }
0x76: {  	[tilespmem:s1], [sflag:$0x1] =	stream.indirect.gather [hbm4b:s13+s7], $0x80, s19, s7, $0xb8;
	[tilespmem:$0x1F980] =	vst v63  }
0x77: {  	_ =	swait.ge [sflag:s29], $0x2800  }
0x78: {  	[sflag:s29] =	ssyncset.done $0x0  }
0x79: {  	[sflag:s29] =	ssyncadd.s32 $0xFFFFD800  }
0x7a: {  	[spmem:s2] =	stream.indirect.scatter.add.f32 [tilespmem:s9], [sflag:$0x5], $0x80, s8, s7, $0xb8;
	[tilespmem:$0x1F980] =	vst v63  }
0x7b: {  	_ =	swait.ge [sflag:s5], $0x2800  }
0x7c: {  	[sflag:s5] =	ssyncset.done $0x0  }
0x7d: {  	[sflag:s5] =	ssyncadd.s32 $0xFFFFD800  }
0x7e: {  	[tilespmem:s8], [sflag:$0x7] =	stream.linear.gather [hbm4b:s26+s3], $0x50, $0x38;
	[tilespmem:$0x1F980] =	vst v63  }
0x7f: {  	_ =	swait.ge [sflag:s4], $0x50  }
0x80: {  	[sflag:s4] =	ssyncset.done $0x0  }
0x81: {  	s23 =	simm.s32 $0x14200;
	[sflag:s4] =	ssyncadd.s32 $0xFFFFFFB0  }
0x82: {  	[tilespmem:s9], [sflag:$0x2] =	stream.indirect.gather [hbm4b:s13+s7], $0x80, s23, s7, $0xb8;
	[tilespmem:$0x1F980] =	vst v63  }
0x83: {  	_ =	swait.ge [sflag:s30], $0x2800  }
0x84: {  	[sflag:s30] =	ssyncset.done $0x0  }
0x85: {  	[sflag:s30] =	ssyncadd.s32 $0xFFFFD800  }
0x86: {  	[spmem:s2] =	stream.indirect.scatter.add.f32 [tilespmem:s11], [sflag:$0x6], $0x80, s10, s7, $0xb8;
	[tilespmem:$0x1F980] =	vst v63  }
0x87: {  	_ =	swait.ge [sflag:s31], $0x2800  }
0x88: {  	[sflag:s31] =	ssyncset.done $0x0  }
0x89: {  	[sflag:s31] =	ssyncadd.s32 $0xFFFFD800  }
0x8a: {  	[tilespmem:s10], [sflag:$0x7] =	stream.linear.gather [hbm4b:s25+s3], $0x50, $0x38;
	[tilespmem:$0x1F980] =	vst v63  }
0x8b: {  	s16 =	sadd.s32 $0xF0, s28;
	_ =	swait.ge [sflag:s4], $0x50  }
0x8c: {  	s18 =	simm.s32 $0x14280;
	s17 =	sadd.s32 $0x1E, s25;
	[sflag:s4] =	ssyncset.done $0x0  }
0x8d: {  	s15 =	sadd.s32 $0x1E, s26;
	s23 =	simm.s32 $0x600;
	[sflag:s4] =	ssyncadd.s32 $0xFFFFFFB0  }
.LBB2_4:
0x8e: {  	[tilespmem:s11], [sflag:$0x3] =	stream.indirect.gather [hbm4b:s13+s7], $0x80, s18, s7, $0xb8;
	[tilespmem:$0x1F980] =	vst v63  }
0x8f: {  	s18 =	smov.u32 s23  }
0x90: {  	p0 =	sne.s32 s23, $0xEA00;
	s23 =	sadd.s32 $0x600, s23;
	_ =	swait.ge [sflag:s12], $0x2800  }
0x91: {  	[sflag:s12] =	ssyncset.done $0x0  }
0x92: {  	[sflag:s12] =	ssyncadd.s32 $0xFFFFD800  }
0x93: {  	[spmem:s2] =	stream.indirect.scatter.add.f32 [tilespmem:s1], [sflag:$0x4], $0x80, s6, s7, $0xb8;
	[tilespmem:$0x1F980] =	vst v63  }
0x94: {  	_ =	swait.ge [sflag:s24], $0x2800  }
0x95: {  	s19 =	sshrl.u32 s16, $0x3;
	[sflag:s24] =	ssyncset.done $0x0  }
0x96: {  	s19 =	sadd.s32 s14, s19;
	[sflag:s24] =	ssyncadd.s32 $0xFFFFD800  }
0x97: {  	[tilespmem:s6], [sflag:$0x7] =	stream.linear.gather [hbm4b:s19+s3], $0x50, $0x38;
	[tilespmem:$0x1F980] =	vst v63  }
0x98: {  	_ =	swait.ge [sflag:s4], $0x50  }
0x99: {  	s18 =	sshra.s32 s18, $0x2;
	[sflag:s4] =	ssyncset.done $0x0  }
0x9a: {  	s19 =	sadd.s32 $0x14180, s18;
	[sflag:s4] =	ssyncadd.s32 $0xFFFFFFB0  }
0x9b: {  	[tilespmem:s1], [sflag:$0x1] =	stream.indirect.gather [hbm4b:s13+s7], $0x80, s19, s7, $0xb8;
	[tilespmem:$0x1F980] =	vst v63  }
0x9c: {  	_ =	swait.ge [sflag:s29], $0x2800  }
0x9d: {  	[sflag:s29] =	ssyncset.done $0x0  }
0x9e: {  	[sflag:s29] =	ssyncadd.s32 $0xFFFFD800  }
0x9f: {  	[spmem:s2] =	stream.indirect.scatter.add.f32 [tilespmem:s9], [sflag:$0x5], $0x80, s8, s7, $0xb8;
	[tilespmem:$0x1F980] =	vst v63  }
0xa0: {  	_ =	swait.ge [sflag:s5], $0x2800  }
0xa1: {  	[sflag:s5] =	ssyncset.done $0x0  }
0xa2: {  	[sflag:s5] =	ssyncadd.s32 $0xFFFFD800  }
0xa3: {  	[tilespmem:s8], [sflag:$0x7] =	stream.linear.gather [hbm4b:s15+s3], $0x50, $0x38;
	[tilespmem:$0x1F980] =	vst v63  }
0xa4: {  	_ =	swait.ge [sflag:s4], $0x50  }
0xa5: {  	[sflag:s4] =	ssyncset.done $0x0  }
0xa6: {  	s19 =	sadd.s32 $0x14200, s18;
	[sflag:s4] =	ssyncadd.s32 $0xFFFFFFB0  }
0xa7: {  	[tilespmem:s9], [sflag:$0x2] =	stream.indirect.gather [hbm4b:s13+s7], $0x80, s19, s7, $0xb8;
	[tilespmem:$0x1F980] =	vst v63  }
0xa8: {  	_ =	swait.ge [sflag:s30], $0x2800  }
0xa9: {  	[sflag:s30] =	ssyncset.done $0x0  }
0xaa: {  	[sflag:s30] =	ssyncadd.s32 $0xFFFFD800  }
0xab: {  	[spmem:s2] =	stream.indirect.scatter.add.f32 [tilespmem:s11], [sflag:$0x6], $0x80, s10, s7, $0xb8;
	[tilespmem:$0x1F980] =	vst v63  }
0xac: {  	_ =	swait.ge [sflag:s31], $0x2800  }
0xad: {  	[sflag:s31] =	ssyncset.done $0x0  }
.Ltmp1:
0xae: {  	[sflag:s31] =	ssyncadd.s32 $0xFFFFD800;
	(pc) =	sbr.rel @p0 .LBB2_4-.Ltmp1, $4  }
0xaf: {  	[tilespmem:s10], [sflag:$0x7] =	stream.linear.gather [hbm4b:s17+s3], $0x50, $0x38;
	[tilespmem:$0x1F980] =	vst v63  }
0xb0: {  	_ =	swait.ge [sflag:s4], $0x50  }
0xb1: {  	s16 =	sadd.s32 $0xF0, s16;
	s15 =	sadd.s32 $0x1E, s15;
	[sflag:s4] =	ssyncset.done $0x0  }
0xb2: {  	s18 =	sadd.s32 $0x14280, s18;
	s17 =	sadd.s32 $0x1E, s17;
	[sflag:s4] =	ssyncadd.s32 $0xFFFFFFB0  }
0xb3: {  	[tilespmem:s11], [sflag:$0x3] =	stream.indirect.gather [hbm4b:s13+s7], $0x80, s18, s7, $0xb8;
	[tilespmem:$0x1F980] =	vst v63  }
0xb4: {  	_ =	swait.ge [sflag:s12], $0x2800  }
0xb5: {  	[sflag:s12] =	ssyncset.done $0x0  }
0xb6: {  	[sflag:s12] =	ssyncadd.s32 $0xFFFFD800  }
0xb7: {  	[spmem:s2] =	stream.indirect.scatter.add.f32 [tilespmem:s1], [sflag:$0x4], $0x80, s6, s7, $0xb8;
	[tilespmem:$0x1F980] =	vst v63  }
0xb8: {  	_ =	swait.ge [sflag:s24], $0x2800  }
0xb9: {  	[sflag:s24] =	ssyncset.done $0x0  }
0xba: {  	s15 =	rddreg [dreg:$0x16];
	[sflag:s24] =	ssyncadd.s32 $0xFFFFD800  }
0xbb: {  	[tilespmem:s6], [sflag:$0x7] =	stream.linear.gather [hbm4b:s15+s3], $0x50, $0x38;
	[tilespmem:$0x1F980] =	vst v63  }
0xbc: {  	_ =	swait.ge [sflag:s4], $0x50  }
0xbd: {  	[sflag:s4] =	ssyncset.done $0x0  }
0xbe: {  	s19 =	simm.s32 $0x17D80;
	[sflag:s4] =	ssyncadd.s32 $0xFFFFFFB0  }
0xbf: {  	[tilespmem:s1], [sflag:$0x1] =	stream.indirect.gather [hbm4b:s13+s7], $0x80, s19, s7, $0xb8;
	[tilespmem:$0x1F980] =	vst v63  }
0xc0: {  	_ =	swait.ge [sflag:s29], $0x2800  }
0xc1: {  	[sflag:s29] =	ssyncset.done $0x0  }
0xc2: {  	[sflag:s29] =	ssyncadd.s32 $0xFFFFD800  }
0xc3: {  	[spmem:s2] =	stream.indirect.scatter.add.f32 [tilespmem:s9], [sflag:$0x5], $0x80, s8, s7, $0xb8;
	[tilespmem:$0x1F980] =	vst v63  }
0xc4: {  	_ =	swait.ge [sflag:s5], $0x2800  }
0xc5: {  	[sflag:s5] =	ssyncset.done $0x0  }
0xc6: {  	s23 =	rddreg [dreg:$0x17];
	[sflag:s5] =	ssyncadd.s32 $0xFFFFD800  }
0xc7: {  	[tilespmem:s8], [sflag:$0x7] =	stream.linear.gather [hbm4b:s23+s3], $0x50, $0x38;
	[tilespmem:$0x1F980] =	vst v63  }
0xc8: {  	_ =	swait.ge [sflag:s4], $0x50  }
0xc9: {  	[sflag:s4] =	ssyncset.done $0x0  }
0xca: {  	s16 =	simm.s32 $0x17E00;
	[sflag:s4] =	ssyncadd.s32 $0xFFFFFFB0  }
0xcb: {  	[tilespmem:s9], [sflag:$0x2] =	stream.indirect.gather [hbm4b:s13+s7], $0x80, s16, s7, $0xb8;
	[tilespmem:$0x1F980] =	vst v63  }
0xcc: {  	_ =	swait.ge [sflag:s30], $0x2800  }
0xcd: {  	[sflag:s30] =	ssyncset.done $0x0  }
0xce: {  	[sflag:s30] =	ssyncadd.s32 $0xFFFFD800  }
0xcf: {  	[spmem:s2] =	stream.indirect.scatter.add.f32 [tilespmem:s11], [sflag:$0x6], $0x80, s10, s7, $0xb8;
	[tilespmem:$0x1F980] =	vst v63  }
0xd0: {  	_ =	swait.ge [sflag:s12], $0x2800  }
0xd1: {  	[sflag:s12] =	ssyncset.done $0x0  }
0xd2: {  	[sflag:s12] =	ssyncadd.s32 $0xFFFFD800  }
0xd3: {  	[spmem:s2] =	stream.indirect.scatter.add.f32 [tilespmem:s1], [sflag:$0x4], $0x80, s6, s7, $0xb8;
	[tilespmem:$0x1F980] =	vst v63  }
0xd4: {  	_ =	swait.ge [sflag:s29], $0x2800  }
0xd5: {  	[sflag:s29] =	ssyncset.done $0x0  }
0xd6: {  	[sflag:s29] =	ssyncadd.s32 $0xFFFFD800  }
0xd7: {  	[spmem:s2] =	stream.indirect.scatter.add.f32 [tilespmem:s9], [sflag:$0x5], $0x80, s8, s7, $0xb8;
	[tilespmem:$0x1F980] =	vst v63  }
0xd8: {  	_ =	swait.ge [sflag:s24], $0x2800  }
0xd9: {  	[sflag:s24] =	ssyncset.done $0x0  }
0xda: {  	[sflag:s24] =	ssyncadd.s32 $0xFFFFD800  }
0xdb: {  	_ =	swait.ge [sflag:s5], $0x2800  }
0xdc: {  	[sflag:s5] =	ssyncset.done $0x0  }
0xdd: {  	[sflag:s5] =	ssyncadd.s32 $0xFFFFD800  }
0xde: {  	_ =	swait.ge [sflag:s31], $0x2800  }
0xdf: {  	[sflag:s31] =	ssyncset.done $0x0  }
0xe0: {  	[sflag:s31] =	ssyncadd.s32 $0xFFFFD800  }
0xe1: {  	[bflag:$0x0] =	sbarrier.arrive $0xFFFF  }
0xe2: {  	[tilespmem:s1], [sflag:$0x7] =	stream.linear.gather [spmem:s20], $0x2800, $0x38;
	[tilespmem:$0x1F980] =	vst v63  }
0xe3: {  	_ =	swait.ge [sflag:s4], $0x2800  }
0xe4: {  	[sflag:s4] =	ssyncset.done $0x0  }
0xe5: {  	s17 =	rddreg [dreg:$0x5];
	[sflag:s4] =	ssyncadd.s32 $0xFFFFD800  }
0xe6: {  	[hbm4b:s17+s3] =	stream.linear.scatter [tilespmem:s1], [sflag:$0x7], $0x2800, $0x38;
	[tilespmem:$0x1F980] =	vst v63  }
0xe7: {  	_ =	swait.ge [sflag:s4], $0x2800  }
0xe8: {  	[sflag:s4] =	ssyncset.done $0x0  }
0xe9: {  	[sflag:s4] =	ssyncadd.s32 $0xFFFFD800  }
0xea: {  	[tilespmem:s1], [sflag:$0x7] =	stream.linear.gather [spmem:s21], $0x2800, $0x38;
	[tilespmem:$0x1F980] =	vst v63  }
0xeb: {  	_ =	swait.ge [sflag:s4], $0x2800  }
0xec: {  	[sflag:s4] =	ssyncset.done $0x0  }
0xed: {  	s18 =	rddreg [dreg:$0x6];
	[sflag:s4] =	ssyncadd.s32 $0xFFFFD800  }
0xee: {  	[hbm4b:s18+s3] =	stream.linear.scatter [tilespmem:s1], [sflag:$0x7], $0x2800, $0x38;
	[tilespmem:$0x1F980] =	vst v63  }
0xef: {  	_ =	swait.ge [sflag:s4], $0x2800  }
0xf0: {  	[sflag:s4] =	ssyncset.done $0x0  }
0xf1: {  	s19 =	smov.u32 s20;
	s20 =	rddreg [dreg:$0xd];
	[sflag:s4] =	ssyncadd.s32 $0xFFFFD800  }
0xf2: {  	[tilespmem:s1], [sflag:$0x7] =	stream.linear.gather [spmem:s20], $0x2800, $0x38;
	[tilespmem:$0x1F980] =	vst v63  }
0xf3: {  	_ =	swait.ge [sflag:s4], $0x2800  }
0xf4: {  	[sflag:s4] =	ssyncset.done $0x0  }
0xf5: {  	s23 =	smov.u32 s21;
	s21 =	rddreg [dreg:$0x7];
	[sflag:s4] =	ssyncadd.s32 $0xFFFFD800  }
0xf6: {  	[hbm4b:s21+s3] =	stream.linear.scatter [tilespmem:s1], [sflag:$0x7], $0x2800, $0x38;
	[tilespmem:$0x1F980] =	vst v63  }
0xf7: {  	_ =	swait.ge [sflag:s4], $0x2800  }
0xf8: {  	[sflag:s4] =	ssyncset.done $0x0  }
0xf9: {  	s16 =	rddreg [dreg:$0xe];
	[sflag:s4] =	ssyncadd.s32 $0xFFFFD800  }
0xfa: {  	[tilespmem:s1], [sflag:$0x7] =	stream.linear.gather [spmem:s16], $0x2800, $0x38;
	[tilespmem:$0x1F980] =	vst v63  }
0xfb: {  	_ =	swait.ge [sflag:s4], $0x2800  }
0xfc: {  	[sflag:s4] =	ssyncset.done $0x0  }
0xfd: {  	s17 =	rddreg [dreg:$0x8];
	[sflag:s4] =	ssyncadd.s32 $0xFFFFD800  }
0xfe: {  	[hbm4b:s17+s3] =	stream.linear.scatter [tilespmem:s1], [sflag:$0x7], $0x2800, $0x38;
	[tilespmem:$0x1F980] =	vst v63  }
0xff: {  	_ =	swait.ge [sflag:s4], $0x2800  }
0x100: {  	[sflag:s4] =	ssyncset.done $0x0  }
0x101: {  	s18 =	rddreg [dreg:$0xf];
	[sflag:s4] =	ssyncadd.s32 $0xFFFFD800  }
0x102: {  	[tilespmem:s1], [sflag:$0x7] =	stream.linear.gather [spmem:s18], $0x2800, $0x38;
	[tilespmem:$0x1F980] =	vst v63  }
0x103: {  	_ =	swait.ge [sflag:s4], $0x2800  }
0x104: {  	[sflag:s4] =	ssyncset.done $0x0  }
0x105: {  	s20 =	rddreg [dreg:$0x9];
	[sflag:s4] =	ssyncadd.s32 $0xFFFFD800  }
0x106: {  	[hbm4b:s20+s3] =	stream.linear.scatter [tilespmem:s1], [sflag:$0x7], $0x2800, $0x38;
	[tilespmem:$0x1F980] =	vst v63  }
0x107: {  	_ =	swait.ge [sflag:s4], $0x2800  }
0x108: {  	[sflag:s4] =	ssyncset.done $0x0  }
0x109: {  	s21 =	rddreg [dreg:$0x10];
	[sflag:s4] =	ssyncadd.s32 $0xFFFFD800  }
0x10a: {  	[tilespmem:s1], [sflag:$0x7] =	stream.linear.gather [spmem:s21], $0x2800, $0x38;
	[tilespmem:$0x1F980] =	vst v63  }
0x10b: {  	_ =	swait.ge [sflag:s4], $0x2800  }
0x10c: {  	[sflag:s4] =	ssyncset.done $0x0  }
0x10d: {  	s16 =	rddreg [dreg:$0xa];
	[sflag:s4] =	ssyncadd.s32 $0xFFFFD800  }
0x10e: {  	[hbm4b:s16+s3] =	stream.linear.scatter [tilespmem:s1], [sflag:$0x7], $0x2800, $0x38;
	[tilespmem:$0x1F980] =	vst v63  }
0x10f: {  	_ =	swait.ge [sflag:s4], $0x2800  }
0x110: {  	[sflag:s4] =	ssyncset.done $0x0  }
0x111: {  	s17 =	rddreg [dreg:$0x11];
	[sflag:s4] =	ssyncadd.s32 $0xFFFFD800  }
0x112: {  	[tilespmem:s1], [sflag:$0x7] =	stream.linear.gather [spmem:s17], $0x2800, $0x38;
	[tilespmem:$0x1F980] =	vst v63  }
0x113: {  	_ =	swait.ge [sflag:s4], $0x2800  }
0x114: {  	[sflag:s4] =	ssyncset.done $0x0  }
0x115: {  	s18 =	rddreg [dreg:$0xb];
	[sflag:s4] =	ssyncadd.s32 $0xFFFFD800  }
0x116: {  	[hbm4b:s18+s3] =	stream.linear.scatter [tilespmem:s1], [sflag:$0x7], $0x2800, $0x38;
	[tilespmem:$0x1F980] =	vst v63  }
0x117: {  	_ =	swait.ge [sflag:s4], $0x2800  }
0x118: {  	[sflag:s4] =	ssyncset.done $0x0  }
0x119: {  	[sflag:s4] =	ssyncadd.s32 $0xFFFFD800  }
0x11a: {  	[tilespmem:s1], [sflag:$0x7] =	stream.linear.gather [spmem:s22], $0x2800, $0x38;
	[tilespmem:$0x1F980] =	vst v63  }
0x11b: {  	_ =	swait.ge [sflag:s4], $0x2800  }
0x11c: {  	[sflag:s4] =	ssyncset.done $0x0  }
0x11d: {  	s20 =	rddreg [dreg:$0xc];
	[sflag:s4] =	ssyncadd.s32 $0xFFFFD800  }
0x11e: {  	[hbm4b:s20+s3] =	stream.linear.scatter [tilespmem:s1], [sflag:$0x7], $0x2800, $0x38;
	[tilespmem:$0x1F980] =	vst v63  }
0x11f: {  	_ =	swait.ge [sflag:s4], $0x2800  }
0x120: {  	s0 =	sadd.s32 $0x1, s0;
	s21 =	rddreg [dreg:$0x13]  }
0x121: {  	p0 =	sne.s32 s0, s21  }
.Ltmp2:
0x122: {  	_ = 	snop;
	(pc) =	sbr.rel @p0 .LBB2_1-.Ltmp2, $3  }
0x123: {  	_ =	sdelay $0x1  }
0x124: {  	[sflag:s4] =	ssyncset.done $0x0  }
0x125: {  	[sflag:s4] =	ssyncadd.s32 $0xFFFFD800  }
0x126: {  	_ =	sfence.sel $0x180000  }
0x127: {  	[bflag:$0x0] =	sbarrier.arrive $0xFFFF  }
0x128: {  	_ =	strace $0x9000004D  }
0x129: {  	s0 =	stileid.u32;
	[bflag:$0x2] =	sbarrier.arrive $0xFFFF  }
0x12a: {  	p0 =	sne.s32 s0, $0x0;
	s0 =	rddreg [dreg:$0x3]  }
0x12b: {  	s0 =	sadd.s32 @!p0 $0x100000, s0  }
0x12c: {  	[sflag:s0] =	ssyncadd.tile.s32 @!p0 $0x1;
	_ =	shalt  }
.Lfunc_end2:
_tile_overlayer_lowered:
.L_overlay_start_2:
0x12d: {  	(tag) =	ssettag $0x2  }
0x12e: {  	s0 =	rddreg [dreg:$0x0];
	s2 =	stileid.u32  }
0x12f: {  	s1 =	rddreg [dreg:$0x1];
	p0 =	sne.s32 s2, $0x0  }
0x130: {  	s3 =	rddreg [dreg:$0x2];
	[bflag:$0x3] =	sbarrier.arrive $0xFFFF;
	s2 =	simm.s32 @!p0 $0x1C07  }
0x131: {  	[timem:s3], [sflag:s2] =	dma.local @!p0 [hbm:s0], s1  }
0x132: {  	s0 =	simm.s32 @!p0 $0x7  }
0x133: {  	_ =	swait.ge @!p0 [sflag:s0], s1  }
0x134: {  	s1 =	ssub.s32 @!p0 $0x0, s1;
	[sflag:s0] =	ssyncset.done @!p0 $0x0  }
0x135: {  	[sflag:s0] =	ssyncadd.s32 @!p0 s1  }
0x136: {  	[bflag:$0x3] =	sbarrier.arrive $0xFFFF  }
0x137: {  	_ =	shalt  }

// kernel: sc_pay.3.cloned.1.call-start
scs
__scs_entry_jumppad:
0x0: {  	(pc) =	sbr.rel $0x88, $3  }
0x1: {  	(tag) =	ssettag $0x0;
	lr =	simm.s32 $0x1  }
0x2: {  	[smem:$0x3F96] =	sst lr;
	_ =	strace $0xD0000000  }
0x3: {  	_ = 	snop  }
0x4: {  	_ = 	snop  }
0x5: {  	_ = 	snop  }
0x6: {  	_ = 	snop  }
0x7: {  	_ = 	snop  }
__scs_overlays_trampoline_lowered:
0x8: {  	[smem:$0x3FA5] =	sst s0  }
0x9: {  	[smem:$0x3FA6] =	sst s1  }
0xa: {  	[smem:$0x3FA7] =	sst s2  }
0xb: {  	[smem:$0x3FA8] =	sst s3  }
0xc: {  	[smem:$0x3FA9] =	sst s4  }
0xd: {  	[smem:$0x3FAA] =	sst s5  }
0xe: {  	[smem:$0x3FAB] =	sst s6  }
0xf: {  	[smem:$0x3FAC] =	sst s7  }
0x10: {  	[smem:$0x3FAD] =	sst s8  }
0x11: {  	[smem:$0x3FAE] =	sst s9;
	s0 =	simm.s32 @!p0 $0x0  }
0x12: {  	s1 =	sld [smem:$0x3F94];
	s0 =	simm.s32 @p0 $0x1  }
0x13: {  	[smem:$0x3FAF] =	sst s0;
	s0 =	simm.s32 @!p1 $0x0  }
0x14: {  	s2 =	sld [smem:$0x3F93];
	s0 =	simm.s32 @p1 $0x1  }
0x15: {  	[smem:$0x3FB0] =	sst s0;
	s0 =	simm.s32 @!p2 $0x0  }
0x16: {  	s3 =	sld [smem:$0x3FDB];
	s0 =	simm.s32 @p2 $0x1  }
0x17: {  	s4 =	simm.s32 $0x1BF5;
	[smem:$0x3FB2] =	sst s0  }
0x18: {  	s0 =	sld [smem:$0x3F95];
	_ =	swait.ge [sflag:s4], $0x0  }
0x19: {  	s7 =	sld [smem:$0x3F96]  }
0x1a: {  	s8 =	sadd.s32 $0xFFFFE003, lr  }
0x1b: {  	s9 =	sadd.s32 $0xFFFFFEF7, lr;
	s5 =	simm.s32 $0xFFFFFFFF;
	p2 =	slt.u32 s8, $0xFFFFF086  }
0x1c: {  	p1 =	slt.u32 s9, $0xF7A;
	s5 =	simm.s32 @!p2 $0x0  }
0x1d: {  	s5 =	simm.s32 @p1 $0x1;
	p0 =	seq.s32 s7, s2  }
0x1e: {  	s7 =	smul.u32 @!p0 $0xF7A, s2;
	p2 =	seq.s32 @!p0 s5, $0x0  }
0x1f: {  	s9 =	smul.u32 $0xF7A, s1;
	s8 =	simm.s32 @!p0 $0x1BF5;
	p2 =	por !p2, p0  }
0x20: {  	[sflag:s8] =	ssyncset.s32 @!p0 $0xFFFFF086;
	s6 =	sadd.s32 @!p0 s3, s7;
	s7 =	simm.s32 @!p0 $0x108  }
0x21: {  	s3 =	sadd.s32 s3, s9;
	s6 =	sadd.s32 @!p0 $0x88, s6;
	s7 =	simm.s32 @p2 $0x1082  }
0x22: {  	[simem:s7], [sflag:s8] =	dma.local @!p0 [hbm:s6], $0xF7A  }
0x23: {  	s9 =	sor.u32 $0xD0000000, s2;
	s6 =	simm.s32 $0x108;
	_ =	swait.ge @!p0 [sflag:s8], $0x0  }
0x24: {  	s3 =	sadd.s32 $0x88, s3;
	s6 =	simm.s32 @!p1 $0x1082;
	[sflag:s4] =	ssyncset.s32 $0xFFFFF086  }
0x25: {  	[simem:s6], [sflag:s4] =	dma.local [hbm:s3], $0xF7A  }
0x26: {  	[smem:$0x3F96] =	sst s1;
	(tag) =	ssettag s2;
	_ =	strace s9  }
0x27: {  	s1 =	sld [smem:$0x3FA6]  }
0x28: {  	s2 =	sld [smem:$0x3FA7]  }
0x29: {  	s4 =	sld [smem:$0x3FA9]  }
0x2a: {  	p0 =	seq.s32 s5, $0x0;
	s5 =	sld [smem:$0x3FAA]  }
0x2b: {  	s6 =	sld [smem:$0x3FAB]  }
0x2c: {  	s7 =	sld [smem:$0x3FAC]  }
0x2d: {  	s3 =	simm.s32 $0x108;
	s8 =	sld [smem:$0x3FAD]  }
0x2e: {  	s3 =	simm.s32 @!p0 $0x1082;
	s9 =	sld [smem:$0x3FAE]  }
0x2f: {  	lr =	sadd.s32 s0, s3;
	s0 =	sld [smem:$0x3FA5]  }
0x30: {  	s3 =	sld [smem:$0x3FA8]  }
0x31: {  	[smem:$0x3FB1] =	sst s10  }
0x32: {  	s10 =	sld [smem:$0x3FAF];
	_ =	sdelay $0x3  }
0x33: {  	p0 =	seq.s32 s10, $0x1;
	s10 =	sld [smem:$0x3FB1];
	_ =	sdelay $0x3  }
0x34: {  	[smem:$0x3FB1] =	sst s10  }
0x35: {  	s10 =	sld [smem:$0x3FB0];
	_ =	sdelay $0x3  }
0x36: {  	p1 =	seq.s32 s10, $0x1;
	s10 =	sld [smem:$0x3FB1];
	_ =	sdelay $0x3  }
0x37: {  	[smem:$0x3FB1] =	sst s10  }
0x38: {  	s10 =	sld [smem:$0x3FB2]  }
0x39: {  	_ = 	snop;
	(pc) =	sbr.ind lr, $3  }
0x3a: {  	_ = 	snop  }
0x3b: {  	_ = 	snop  }
0x3c: {  	p2 =	seq.s32 s10, $0x1;
	s10 =	sld [smem:$0x3FB1]  }
0x3d: {  	_ =	shalt  }
0x3e: {  	_ =	shalt  }
0x3f: {  	_ =	shalt  }
0x40: {  	_ =	shalt  }
0x41: {  	_ =	shalt  }
0x42: {  	_ =	shalt  }
0x43: {  	_ =	shalt  }
0x44: {  	_ =	shalt  }
0x45: {  	_ =	shalt  }
0x46: {  	_ =	shalt  }
0x47: {  	_ =	shalt  }
0x48: {  	_ =	shalt  }
0x49: {  	_ =	shalt  }
0x4a: {  	_ =	shalt  }
0x4b: {  	_ =	shalt  }
0x4c: {  	_ =	shalt  }
0x4d: {  	_ =	shalt  }
0x4e: {  	_ =	shalt  }
0x4f: {  	_ =	shalt  }
0x50: {  	_ =	shalt  }
0x51: {  	_ =	shalt  }
0x52: {  	_ =	shalt  }
0x53: {  	_ =	shalt  }
0x54: {  	_ =	shalt  }
0x55: {  	_ =	shalt  }
0x56: {  	_ =	shalt  }
0x57: {  	_ =	shalt  }
0x58: {  	_ =	shalt  }
0x59: {  	_ =	shalt  }
0x5a: {  	_ =	shalt  }
0x5b: {  	_ =	shalt  }
0x5c: {  	_ =	shalt  }
0x5d: {  	_ =	shalt  }
0x5e: {  	_ =	shalt  }
0x5f: {  	_ =	shalt  }
0x60: {  	_ =	shalt  }
0x61: {  	_ =	shalt  }
0x62: {  	_ =	shalt  }
0x63: {  	_ =	shalt  }
0x64: {  	_ =	shalt  }
0x65: {  	_ =	shalt  }
0x66: {  	_ =	shalt  }
0x67: {  	_ =	shalt  }
0x68: {  	_ =	shalt  }
0x69: {  	_ =	shalt  }
0x6a: {  	_ =	shalt  }
0x6b: {  	_ =	shalt  }
0x6c: {  	_ =	shalt  }
0x6d: {  	_ =	shalt  }
0x6e: {  	_ =	shalt  }
0x6f: {  	_ =	shalt  }
0x70: {  	_ =	shalt  }
0x71: {  	_ =	shalt  }
0x72: {  	_ =	shalt  }
0x73: {  	_ =	shalt  }
0x74: {  	_ =	shalt  }
0x75: {  	_ =	shalt  }
0x76: {  	_ =	shalt  }
0x77: {  	_ =	shalt  }
0x78: {  	_ =	shalt  }
0x79: {  	_ =	shalt  }
0x7a: {  	_ =	shalt  }
0x7b: {  	_ =	shalt  }
0x7c: {  	_ =	shalt  }
0x7d: {  	_ =	shalt  }
0x7e: {  	_ =	shalt  }
0x7f: {  	_ =	shalt  }
0x80: {  	_ =	shalt  }
0x81: {  	_ =	shalt  }
0x82: {  	_ =	shalt  }
0x83: {  	_ =	shalt  }
0x84: {  	_ =	shalt  }
0x85: {  	_ =	shalt  }
0x86: {  	_ =	shalt  }
0x87: {  	_ =	shalt  }
.Lfunc_end0:
.L_simem_size_0:
called_computation_lowered:
.L_overlay_start_0:
0x88: {  	s2 =	sld [smem:$0x3FD9]  }
0x89: {  	s3 =	sld [smem:$0x3FFE];
	_ =	sdelay $0x1  }
0x8a: {  	s1 =	srdreg.scid  }
0x8b: {  	s0 =	sand.u32 $0x1, s1  }
0x8c: {  	s16 =	sshll.u32 s0, $0xA;
	s2 =	sadd.s32 s3, s2  }
0x8d: {  	s2 =	sadd.s32 s2, s16  }
0x8e: {  	[smem:$0x3FBD] =	sst s2  }
0x8f: {  	_ = 	snop  }
0x90: {  	(tm) =	ssettm $0x1  }
0x91: {  	s17 =	sld [smem:$0x3FFB];
	_ =	sdelay $0x3  }
0x92: {  	_ =	strace s17  }
0x93: {  	s2 =	sld [smem:$0x3FFC];
	_ =	sdelay $0x3  }
0x94: {  	_ =	strace s2  }
0x95: {  	s2 =	sld [smem:$0x3FFD];
	_ =	sdelay $0x3  }
0x96: {  	_ =	strace s2  }
0x97: {  	_ =	strace $0x8FFFFFFF  }
0x98: {  	s18 =	sld [smem:$0x3FDB];
	_ =	sdelay $0x1  }
0x99: {  	s19 =	simm.s32 $_scs_section_size  }
0x9a: {  	s4 =	simm.s32 $_size__tile_overlayer_lowered;
	s5 =	simm.s32 $_tile_overlayer_lowered  }
0x9b: {  	s22 =	simm.s32 $0x1BFF;
	s21 =	sshll.u32 s5, $0x1;
	s2 =	sadd.s32 s19, s18  }
0x9c: {  	s6 =	simm.s32 $0x0;
	s20 =	sshll.u32 s4, $0x1;
	s4 =	sadd.s32 s21, s2  }
0x9d: {  	[timem:s6], [sflag:s22] =	dma.local [hbm:s4], s20  }
0x9e: {  	_ =	swait.ge [sflag:s22], s20  }
0x9f: {  	s3 =	ssub.s32 $0x0, s20;
	[sflag:s22] =	ssyncset.done $0x0  }
0xa0: {  	[sflag:s22] =	ssyncadd.s32 s3;
	_ =	sdelay $0x1  }
0xa1: {  	s23 =	simm.s32 $0x1B8B  }
0xa2: {  	_ =	swait.ge [sflag:s23], $0x1  }
0xa3: {  	[sflag:s23] =	ssyncset.done $0x0  }
0xa4: {  	s25 =	simm.s32 $0x1B8E;
	s24 =	sld [smem:$0x3FFE];
	[sflag:s23] =	ssyncadd.s32 $0xFFFFFFFF  }
0xa5: {  	s26 =	simm.s32 $execute0_lowered;
	[smem:$0x3FD2] =	sst s25  }
0xa6: {  	s4 =	sshll.u32 s26, $0x1;
	_ =	strace $0x80000046;
	[dreg:$0x1] =	wrdreg $0xFFFFFFFF  }
0xa7: {  	s28 =	simm.s32 $_size_execute0_lowered;
	s2 =	sadd.s32 s2, s4;
	[dreg:$0x0] =	wrdreg $0x0  }
0xa8: {  	s4 =	sshll.u32 s28, $0x1;
	[dreg:$0x2] =	wrdreg s2  }
0xa9: {  	[dreg:$0x3] =	wrdreg s4  }
0xaa: {  	[dreg:$0x4] =	wrdreg $0xC0  }
0xab: {  	_ =	task [dreg:s6], $0x5FFFF  }
0xac: {  	[dreg:$0x1] =	wrdreg $0xFFFFFFFF  }
0xad: {  	[dreg:$0x0] =	wrdreg $0x60  }
0xae: {  	[dreg:$0x2] =	wrdreg s24  }
0xaf: {  	[dreg:$0x3] =	wrdreg $0x9  }
0xb0: {  	_ =	task.clear_ibuf [dreg:s6], $0x4FFFF;
	_ =	strace $0x90000046  }
0xb1: {  	s29 =	simm.s32 $0x9;
	_ =	strace $0x80000048  }
0xb2: {  	_ =	swait.ge [sflag:s29], $0x1  }
0xb3: {  	[sflag:s29] =	ssyncadd.s32 $0xFFFFFFFF  }
0xb4: {  	_ =	strace $0x90000048  }
0xb5: {  	_ =	sfence  }
0xb6: {  	s30 =	sld [smem:$0x0];
	_ =	sdelay $0x2  }
0xb7: {  	s31 =	sshll.u32 s1, $0xD;
	s1 =	sshrl.u32 s1, $0x2  }
0xb8: {  	s3 =	sand.u32 $0x4000, s31;
	s1 =	sadd.s32 s1, s30  }
0xb9: {  	s0 =	sor.u32 s3, s0;
	s1 =	sshll.u32 s1, $0x11  }
0xba: {  	s0 =	sor.u32 s1, s0  }
0xbb: {  	s0 =	sadd.s32 $0x8F2B, s0  }
0xbc: {  	[sflag:s0] =	ssyncadd.remote.s32 $0x1  }
0xbd: {  	_ =	sfence.sel $0xFFFF  }
0xbe: {  	[dreg:$0x0] =	wrdreg $0xFFFFFFFF;
	(pc) =	sbr.abs _section_cstart, $3  }
0xbf: {  	[dreg:$0x1] =	wrdreg $0xFFFFFFFF  }
0xc0: {  	_ =	task.clear_ibuf [dreg:s6], $0x2FFFF;
	_ =	strace $0x9FFFFFFF  }
0xc1: {  	(tm) =	ssettm $0x7FFFFFFF  }
tec
execute0_lowered:
.L_overlay_start_1:
0x0: {  	(tag) =	ssettag $0x1  }
0x1: {  	s8 =	rddreg [dreg:$0x0];
	s2 =	srdreg.scid  }
0x2: {  	s0 =	rddreg [dreg:$0x1];
	s1 =	stileid.u32  }
0x3: {  	s13 =	simm.s32 $0xCA00;
	s14 =	simm.s32 $0xCC00;
	s15 =	simm.s32 $0xCE00  }
0x4: {  	s16 =	simm.s32 $0xD000;
	s17 =	simm.s32 $0x1;
	s18 =	simm.s32 $0x80  }
0x5: {  	s19 =	simm.s32 $0x400;
	s20 =	simm.s32 $0x2;
	s21 =	simm.s32 $0x0  }
0x6: {  	s9 =	sand.u32 $0x1, s2;
	s2 =	simm.s32 $0x0;
	s3 =	sshrl.u32 s1, $0x3  }
0x7: {  	s7 =	sshll.u32 s1, $0x7;
	s4 =	sadd.s32 $0x1F200, s8;
	s5 =	smul.u32 $0xC8000, s9  }
0x8: {  	s11 =	sshll.u32 s1, $0x1;
	[smem:$0x7FF] =	sst s2;
	s6 =	smul.u32 $0x64000, s3  }
0x9: {  	s3 =	sadd.s32 $0x29000, s8;
	s7 =	sand.u32 $0x380, s7;
	s12 =	ssub.s32 $0x2, s9  }
0xa: {  	s9 =	sor.u32 s9, s11;
	_ =	strace $0x80000047;
	s31 =	sshrl.u32 s12, $0x1  }
0xb: {  	p0 =	slt.u32 s9, $0x11;
	s9 =	sshll.u32 s9, $0x9;
	s10 =	sadd.s32 s5, s6  }
0xc: {  	s5 =	sadd.s32 $0x15400, s8;
	s6 =	sadd.s32 $0xB600, s8;
	s10 =	sor.u32 s7, s10  }
0xd: {  	s11 =	ssub.s32 s12, s31;
	s12 =	simm.s32 $0xC800;
	s10 =	sshrl.u32 s10, $0x3  }
0xe: {  	s7 =	sadd.s32 $0x1800, s8;
	s10 =	sadd.s32 s10, s8;
	s8 =	simm.s32 $0x14  }
0xf: {  	v0 =	vimm.f32 $0.0e+00;
	v1 =	vimm.f32 $1.000000000e+00;
	s11 =	smax.u32 s11, $0x1;
	s8 =	simm.s32 @!p0 $0x13;
	s10 =	sadd.s32 $0x32E00, s10  }
.LBB2_1:
0x10: {  	s22 =	simm.s32 $0x40;
	s23 =	simm.s32 $0x0  }
.LBB2_2:
0x11: {  	p0 =	sne.s32 s22, $0x31FC0;
	[tilespmem:s23+$0x0] =	vst v0;
	s23 =	smov.u32 s22;
	s22 =	sadd.s32 $0x40, s22  }
.Ltmp0:
0x12: {  	(pc) =	sbr.rel @p0 .LBB2_2-.Ltmp0, $2  }
0x13: {  	_ =	sdelay $0x2  }
0x14: {  	s23 =	sshra.s32 s23, $0x2  }
0x15: {  	[tilespmem:s23+$0x0] =	vst v0;
	s22 =	simm.s32 $0x0;
	s23 =	simm.s32 $0x0  }
.LBB2_4:
0x16: {  	s24 =	sshll.u32 s23, $0xE  }
0x17: {  	s24 =	sor.u32 s9, s24  }
0x18: {  	s24 =	sshrl.u32 s24, $0x3  }
0x19: {  	s25 =	sadd.s32 s3, s24  }
0x1a: {  	[tilespmem:s12], [sflag:$0x1] =	stream.linear.gather [hbm4b:s25+s22], $0x200, $0x38;
	[tilespmem:$0xD200] =	vst v63  }
0x1b: {  	s29 =	sadd.s32 s4, s24  }
0x1c: {  	[tilespmem:s13], [sflag:$0x1] =	stream.linear.gather [hbm4b:s29+s22], $0x200, $0x38;
	[tilespmem:$0xD200] =	vst v63  }
0x1d: {  	s30 =	sadd.s32 s5, s24  }
0x1e: {  	[tilespmem:s14], [sflag:$0x1] =	stream.linear.gather [hbm4b:s30+s22], $0x200, $0x38;
	[tilespmem:$0xD200] =	vst v63  }
0x1f: {  	s31 =	sadd.s32 s6, s24  }
0x20: {  	[tilespmem:s15], [sflag:$0x1] =	stream.linear.gather [hbm4b:s31+s22], $0x200, $0x38;
	[tilespmem:$0xD200] =	vst v63  }
0x21: {  	s24 =	sadd.s32 s7, s24  }
0x22: {  	[tilespmem:s16], [sflag:$0x1] =	stream.linear.gather [hbm4b:s24+s22], $0x200, $0x38;
	[tilespmem:$0xD200] =	vst v63  }
0x23: {  	_ =	swait.ge [sflag:s17], $0x200  }
0x24: {  	[sflag:s17] =	ssyncset.done $0x0  }
0x25: {  	[sflag:s17] =	ssyncadd.s32 $0xFFFFFE00  }
0x26: {  	_ =	swait.ge [sflag:s17], $0x200  }
0x27: {  	[sflag:s17] =	ssyncset.done $0x0  }
0x28: {  	[sflag:s17] =	ssyncadd.s32 $0xFFFFFE00  }
0x29: {  	_ =	swait.ge [sflag:s17], $0x200  }
0x2a: {  	[sflag:s17] =	ssyncset.done $0x0  }
0x2b: {  	[sflag:s17] =	ssyncadd.s32 $0xFFFFFE00  }
0x2c: {  	_ =	swait.ge [sflag:s17], $0x200  }
0x2d: {  	[sflag:s17] =	ssyncset.done $0x0  }
0x2e: {  	[sflag:s17] =	ssyncadd.s32 $0xFFFFFE00  }
0x2f: {  	_ =	swait.ge [sflag:s17], $0x200  }
0x30: {  	[sflag:s17] =	ssyncset.done $0x0  }
0x31: {  	s24 =	simm.s32 $0x0;
	[sflag:s17] =	ssyncadd.s32 $0xFFFFFE00  }
0x32: {  	s25 =	simm.s32 $0x40;
	v2 =	vld [tilespmem:s24+$0xC800]  }
.LBB2_5:
0x33: {  	p0 =	sne.s32 s25, $0x7C0;
	v3 =	vld [tilespmem:s24+$0xCA00];
	_ =	sdelay $0x3  }
0x34: {  	v2 =	vmul.u32 $0x5, v2;
	_ =	sdelay $0x5  }
0x35: {  	[tilespmem:v2+s2+$0x0] =	vst.idx.add.f32.msk $0xffff, v3  }
0x36: {  	v3 =	vadd.s32 $0x1, v2;
	v4 =	vld [tilespmem:s24+$0xCC00];
	_ =	sdelay $0x4  }
0x37: {  	[tilespmem:v3+s2+$0x0] =	vst.idx.add.f32.msk $0xffff, v4  }
0x38: {  	v3 =	vadd.s32 $0x2, v2;
	v4 =	vld [tilespmem:s24+$0xCE00];
	_ =	sdelay $0x4  }
0x39: {  	[tilespmem:v3+s2+$0x0] =	vst.idx.add.f32.msk $0xffff, v4  }
0x3a: {  	v3 =	vadd.s32 $0x3, v2;
	v4 =	vld [tilespmem:s24+$0xD000]  }
0x3b: {  	v2 =	vadd.s32 $0x4, v2;
	_ =	sdelay $0x1  }
.Ltmp1:
0x3c: {  	(pc) =	sbr.rel @p0 .LBB2_5-.Ltmp1, $4  }
0x3d: {  	_ = 	snop  }
0x3e: {  	[tilespmem:v3+s2+$0x0] =	vst.idx.add.f32.msk $0xffff, v4  }
0x3f: {  	s24 =	sshra.s32 s25, $0x2;
	[tilespmem:v2+s2+$0x0] =	vst.idx.add.f32.msk $0xffff, v1  }
0x40: {  	s25 =	sadd.s32 $0x40, s25;
	v2 =	vld [tilespmem:s24+$0xC800]  }
0x41: {  	_ =	sdelay $0x3  }
0x42: {  	v2 =	vmul.u32 $0x5, v2  }
0x43: {  	v3 =	vld [tilespmem:s24+$0xCA00];
	_ =	sdelay $0x4  }
0x44: {  	[tilespmem:v2+s2+$0x0] =	vst.idx.add.f32.msk $0xffff, v3  }
0x45: {  	v3 =	vadd.s32 $0x1, v2;
	v4 =	vld [tilespmem:s24+$0xCC00];
	_ =	sdelay $0x4  }
0x46: {  	[tilespmem:v3+s2+$0x0] =	vst.idx.add.f32.msk $0xffff, v4  }
0x47: {  	v3 =	vadd.s32 $0x2, v2;
	v4 =	vld [tilespmem:s24+$0xCE00];
	_ =	sdelay $0x4  }
0x48: {  	[tilespmem:v3+s2+$0x0] =	vst.idx.add.f32.msk $0xffff, v4  }
0x49: {  	s23 =	sadd.s32 $0x1, s23;
	v3 =	vadd.s32 $0x3, v2;
	v4 =	vld [tilespmem:s24+$0xD000]  }
0x4a: {  	p0 =	sne.s32 s23, s8;
	v2 =	vadd.s32 $0x4, v2  }
.Ltmp2:
0x4b: {  	_ = 	snop;
	(pc) =	sbr.rel @p0 .LBB2_4-.Ltmp2, $3  }
0x4c: {  	_ =	sdelay $0x1  }
0x4d: {  	[tilespmem:v3+s2+$0x0] =	vst.idx.add.f32.msk $0xffff, v4  }
0x4e: {  	[tilespmem:v2+s2+$0x0] =	vst.idx.add.f32.msk $0xffff, v1  }
0x4f: {  	s21 =	sadd.s32 $0x1, s21  }
0x50: {  	p0 =	sne.s32 s21, s11  }
.Ltmp3:
0x51: {  	_ = 	snop;
	(pc) =	sbr.rel @p0 .LBB2_1-.Ltmp3, $4  }
0x52: {  	[hbm4b:s10+s18] =	stream.strided.scatter [tilespmem:s2], [sflag:$0x2], $0xC800, s19, s18, $0x38;
	[tilespmem:$0xD200] =	vst v63  }
0x53: {  	_ =	swait.ge [sflag:s20], $0xC800  }
0x54: {  	[sflag:s20] =	ssyncset.done $0x0  }
0x55: {  	[sflag:s20] =	ssyncadd.s32 $0xFFFF3800  }
0x56: {  	_ =	sfence.sel $0x180000  }
0x57: {  	[bflag:$0x0] =	sbarrier.arrive $0xFFFF  }
0x58: {  	p0 =	sne.s32 s1, $0x0;
	_ =	strace $0x90000047  }
0x59: {  	s0 =	sadd.s32 @!p0 $0x100000, s0;
	[bflag:$0x2] =	sbarrier.arrive $0xFFFF  }
0x5a: {  	[sflag:s0] =	ssyncadd.tile.s32 @!p0 $0x1;
	_ =	shalt  }
.Lfunc_end2:
_tile_overlayer_lowered:
.L_overlay_start_2:
0x5b: {  	(tag) =	ssettag $0x2  }
0x5c: {  	s0 =	rddreg [dreg:$0x0];
	s2 =	stileid.u32  }
0x5d: {  	s1 =	rddreg [dreg:$0x1];
	p0 =	sne.s32 s2, $0x0  }
0x5e: {  	s3 =	rddreg [dreg:$0x2];
	[bflag:$0x3] =	sbarrier.arrive $0xFFFF;
	s2 =	simm.s32 @!p0 $0x1C02  }
0x5f: {  	[timem:s3], [sflag:s2] =	dma.local @!p0 [hbm:s0], s1  }
0x60: {  	s0 =	simm.s32 @!p0 $0x2  }
0x61: {  	_ =	swait.ge @!p0 [sflag:s0], s1  }
0x62: {  	s1 =	ssub.s32 @!p0 $0x0, s1;
	[sflag:s0] =	ssyncset.done @!p0 $0x0  }
0x63: {  	[sflag:s0] =	ssyncadd.s32 @!p0 s1  }
0x64: {  	[bflag:$0x3] =	sbarrier.arrive $0xFFFF  }
0x65: {  	_ =	shalt  }

</sc_bundles>
